<compile_context>
chip_gen: v7x
topology: tpu7x:2x2x1
jax: 0.10.2.dev20260603
libtpu: 0.0.44.dev20260713+nightly
codegen_flags: <defaults>
</compile_context>

<pallas_src>
import functools

import jax
import jax.numpy as jnp
from jax import lax
from jax.experimental import pallas as pl
from jax.experimental.pallas import tpu as pltpu
from jax.experimental.pallas import tpu_sc as plsc

_CHUNK = 2048


@functools.lru_cache(maxsize=None)
def _make_sc_gather(B, H, ent_rows, rel_rows):
    info = plsc.get_sparse_core_info()
    NC, NS, L = info.num_cores, info.num_subcores, info.num_lanes
    NW = NC * NS
    dims_per_w = H // NW
    n_chunks = B // _CHUNK

    mesh = plsc.VectorSubcoreMesh(core_axis_name="c", subcore_axis_name="s")

    @functools.partial(
        pl.kernel,
        mesh=mesh,
        compiler_params=pltpu.CompilerParams(needs_layout_passes=False),
        out_type=[
            jax.ShapeDtypeStruct((H, B), jnp.float32),
            jax.ShapeDtypeStruct((H, B), jnp.float32),
            jax.ShapeDtypeStruct((H, B), jnp.float32),
        ],
        scratch_types=[
            pltpu.VMEM((ent_rows,), jnp.float32),
            pltpu.VMEM((rel_rows,), jnp.float32),
            pltpu.VMEM((2, _CHUNK), jnp.int32),
            pltpu.VMEM((2, _CHUNK), jnp.int32),
            pltpu.VMEM((2, _CHUNK), jnp.int32),
            pltpu.VMEM((2, _CHUNK), jnp.float32),
            pltpu.VMEM((2, _CHUNK), jnp.float32),
            pltpu.VMEM((2, _CHUNK), jnp.float32),
            pltpu.SemaphoreType.DMA((2,)),
            pltpu.SemaphoreType.DMA((2,)),
            pltpu.SemaphoreType.DMA,
            pltpu.VMEM_SHARED((3 * B,), jnp.int32),
        ],
    )
    def sc_k(h_hbm, t_hbm, r_hbm, entT_hbm, relT_hbm,
             ht_out, tt_out, rt_out,
             erow, rrow, hidx, tidx, ridx, hbuf, tbuf, rbuf,
             sem_i, sem_o, sem_e, sidx):
        wid = lax.axis_index("s") * NC + lax.axis_index("c")
        sid = lax.axis_index("s")
        total_chunks = dims_per_w * n_chunks

        def idx_fetch(c, b):
            base = (c % n_chunks) * _CHUNK
            pltpu.async_copy(sidx.at[pl.ds(base, _CHUNK)], hidx.at[b], sem_i.at[b])
            pltpu.async_copy(sidx.at[pl.ds(B + base, _CHUNK)], tidx.at[b], sem_i.at[b])
            pltpu.async_copy(sidx.at[pl.ds(2 * B + base, _CHUNK)], ridx.at[b], sem_i.at[b])

        def idx_wait(b):
            sl = pl.ds(0, _CHUNK)
            pltpu.make_async_copy(sidx.at[sl], hidx.at[b], sem_i.at[b]).wait()
            pltpu.make_async_copy(sidx.at[sl], tidx.at[b], sem_i.at[b]).wait()
            pltpu.make_async_copy(sidx.at[sl], ridx.at[b], sem_i.at[b]).wait()

        def out_write(c, b):
            j = wid * dims_per_w + c // n_chunks
            base = (c % n_chunks) * _CHUNK
            sl = pl.ds(base, _CHUNK)
            pltpu.async_copy(hbuf.at[b], ht_out.at[j, sl], sem_o.at[b])
            pltpu.async_copy(tbuf.at[b], tt_out.at[j, sl], sem_o.at[b])
            pltpu.async_copy(rbuf.at[b], rt_out.at[j, sl], sem_o.at[b])

        def out_wait(b):
            j0 = wid * dims_per_w
            sl = pl.ds(0, _CHUNK)
            pltpu.make_async_copy(hbuf.at[b], ht_out.at[j0, sl], sem_o.at[b]).wait()
            pltpu.make_async_copy(tbuf.at[b], tt_out.at[j0, sl], sem_o.at[b]).wait()
            pltpu.make_async_copy(rbuf.at[b], rt_out.at[j0, sl], sem_o.at[b]).wait()

        pltpu.async_copy(entT_hbm.at[wid * dims_per_w], erow, sem_e)
        seg = B // NS
        off = sid * seg
        pltpu.sync_copy(h_hbm.at[pl.ds(off, seg)], sidx.at[pl.ds(off, seg)])
        pltpu.sync_copy(t_hbm.at[pl.ds(off, seg)], sidx.at[pl.ds(B + off, seg)])
        pltpu.sync_copy(r_hbm.at[pl.ds(off, seg)], sidx.at[pl.ds(2 * B + off, seg)])
        pltpu.sync_copy(relT_hbm.at[wid * dims_per_w], rrow)
        plsc.subcore_barrier()
        idx_fetch(0, 0)
        pltpu.make_async_copy(entT_hbm.at[wid * dims_per_w], erow, sem_e).wait()

        def outer(c0, carry):
            for b in range(2):
                c = c0 * 2 + b
                nxt = c + 1

                @pl.when(nxt < total_chunks)
                def _():
                    idx_fetch(nxt, 1 - b)

                @pl.when((c > 0) & (c % n_chunks == 0))
                def _():
                    j = wid * dims_per_w + c // n_chunks
                    pltpu.sync_copy(entT_hbm.at[j], erow)
                    pltpu.sync_copy(relT_hbm.at[j], rrow)

                idx_wait(b)

                @pl.when(c >= 2)
                def _():
                    out_wait(b)

                bb = b

                @plsc.parallel_loop(0, _CHUNK, L, unroll=16)
                def vec(v):
                    sl = pl.ds(v, L)
                    hbuf[bb, sl] = plsc.load_gather(erow, [hidx[bb, sl]])
                    tbuf[bb, sl] = plsc.load_gather(erow, [tidx[bb, sl]])
                    rbuf[bb, sl] = plsc.load_gather(rrow, [ridx[bb, sl]])

                out_write(c, b)
            return carry

        lax.fori_loop(0, total_chunks // 2, outer, 0)
        out_wait(0)
        out_wait(1)

    return sc_k


def _tc_norm_body(h_raw_ref, t_raw_ref, hidx_ref, tidx_ref,
                  h_out_ref, t_out_ref, *, last_row):
    for raw_ref, idx_ref, out_ref in (
        (h_raw_ref, hidx_ref, h_out_ref),
        (t_raw_ref, tidx_ref, t_out_ref),
    ):
        x = raw_ref[...]
        idx = idx_ref[...]
        ss = jnp.sum(x * x, axis=0, keepdims=True)
        norm = jnp.sqrt(ss)
        keep_raw = idx == last_row
        scale = jnp.where(keep_raw, jnp.ones_like(norm), 1.0 / norm)
        out_ref[...] = x * scale


@functools.lru_cache(maxsize=None)
def _make_tc_norm(B, H, ent_rows, blk=16384):
    return pl.pallas_call(
        functools.partial(_tc_norm_body, last_row=ent_rows - 1),
        grid=(B // blk,),
        in_specs=[
            pl.BlockSpec((H, blk), lambda i: (0, i)),
            pl.BlockSpec((H, blk), lambda i: (0, i)),
            pl.BlockSpec((1, blk), lambda i: (0, i)),
            pl.BlockSpec((1, blk), lambda i: (0, i)),
        ],
        out_specs=[
            pl.BlockSpec((H, blk), lambda i: (0, i)),
            pl.BlockSpec((H, blk), lambda i: (0, i)),
        ],
        out_shape=[
            jax.ShapeDtypeStruct((H, B), jnp.float32),
            jax.ShapeDtypeStruct((H, B), jnp.float32),
        ],
    )


def kernel(h, r, t, ent_table, rel_table, type_table):
    B = h.shape[0]
    ent_rows, H = ent_table.shape
    rel_rows = rel_table.shape[0]
    h32 = h.astype(jnp.int32)
    t32 = t.astype(jnp.int32)
    r32 = r.astype(jnp.int32)
    entT = ent_table.T
    relT = rel_table.T
    sc_k = _make_sc_gather(B, H, ent_rows, rel_rows)
    h_rawT, t_rawT, r_embT = sc_k(h32, t32, r32, entT, relT)
    tc_norm = _make_tc_norm(B, H, ent_rows)
    h_embT, t_embT = tc_norm(h_rawT, t_rawT,
                             h32.reshape(1, B), t32.reshape(1, B))
    return (h_embT.T, t_embT.T, r_embT.T)

# --- scband reference (transcript-rebuilt; emitter-appended) ---
"""Pipeline reference for scband-trans-attn-e-87153476370562 (READ-ONLY COPY).

The authoritative reference and input builder live on the scoring server;
editing this copy changes nothing except your own understanding.
"""

import jax, jax.numpy as jnp
import numpy as np

ENT = 100000
REL = 1000
TYP = 1000
H = 64
B = 16384


def _xavier_uniform(key, shape):
    fan_in, fan_out = shape[0], shape[1]
    bound = float(np.sqrt(6.0 / (fan_in + fan_out)))
    return jax.random.uniform(key, shape, minval=-bound, maxval=bound, dtype=jnp.float32)


def setup_inputs(seed: int = 0) -> dict:
    key = jax.random.key(seed)
    k1, k2, k3, k4, k5, k6 = jax.random.split(key, 6)
    h = jax.random.randint(k1, (B,), 0, ENT, dtype=jnp.int64) if jax.config.jax_enable_x64 else jax.random.randint(k1, (B,), 0, ENT)
    r = jax.random.randint(k2, (B,), 0, REL)
    t = jax.random.randint(k3, (B,), 0, ENT)
    ent_table = _xavier_uniform(k4, (ENT, H))
    rel_table = _xavier_uniform(k5, (REL, H))
    type_table = _xavier_uniform(k6, (TYP, H))
    return {"h": h, "r": r, "t": t, "ent_table": ent_table, "rel_table": rel_table, "type_table": type_table}


def _normalize_table(w):
    # torch: weight.data[:-1, :].div_(weight.data[:-1, :].norm(p=2, dim=1, keepdim=True))
    head = w[:-1, :] / jnp.linalg.norm(w[:-1, :], axis=1, keepdims=True)
    return jnp.concatenate([head, w[-1:, :]], axis=0)


def reference(h, r, t, ent_table, rel_table, type_table):
    # In-place L2 row-normalization of entity and type embedding tables (all rows but the last)
    ent_n = _normalize_table(ent_table)
    _type_n = _normalize_table(type_table)  # side-effect in torch; type table not used in outputs
    h_emb = jnp.take(ent_n, h, axis=0)
    t_emb = jnp.take(ent_n, t, axis=0)
    r_emb = jnp.take(rel_table, r, axis=0)
    return (h_emb, t_emb, r_emb)

if __name__ == "__main__":
    import jax
    _d = setup_inputs()
    print(jax.jit(kernel)(*tuple(_d.values())))

</pallas_src>

<mosaic_0001>
#map = affine_map<(d0, d1) -> (0)>
#map1 = affine_map<(d0, d1) -> (0, 0)>
module attributes {stable_mosaic.version = 14 : i64} {
  func.func @sc_k(%arg0: i32, %arg1: i32, %arg2: memref<16384xi32, #tpu.memory_space<hbm>>, %arg3: memref<16384xi32, #tpu.memory_space<hbm>>, %arg4: memref<16384xi32, #tpu.memory_space<hbm>>, %arg5: memref<64x100000xf32, #tpu.memory_space<hbm>>, %arg6: memref<64x1000xf32, #tpu.memory_space<hbm>>, %arg7: memref<64x16384xf32, #tpu.memory_space<hbm>>, %arg8: memref<64x16384xf32, #tpu.memory_space<hbm>>, %arg9: memref<64x16384xf32, #tpu.memory_space<hbm>>, %arg10: memref<100000xf32, #tpu.memory_space<vmem>>, %arg11: memref<1000xf32, #tpu.memory_space<vmem>>, %arg12: memref<2x2048xi32, #tpu.memory_space<vmem>>, %arg13: memref<2x2048xi32, #tpu.memory_space<vmem>>, %arg14: memref<2x2048xi32, #tpu.memory_space<vmem>>, %arg15: memref<2x2048xf32, #tpu.memory_space<vmem>>, %arg16: memref<2x2048xf32, #tpu.memory_space<vmem>>, %arg17: memref<2x2048xf32, #tpu.memory_space<vmem>>, %arg18: memref<2x!tpu.dma_semaphore, #tpu.memory_space<semaphore_mem>>, %arg19: memref<2x!tpu.dma_semaphore, #tpu.memory_space<semaphore_mem>>, %arg20: memref<!tpu.dma_semaphore, #tpu.memory_space<semaphore_mem>>, %arg21: memref<49152xi32, #tpu.memory_space<vmem_shared>>) attributes {dimension_semantics = [#tpu.dimension_semantics<core_parallel>, #tpu.dimension_semantics<subcore_parallel>], iteration_bounds = array<i64: 2, 16>, scalar_prefetch = 0 : i64, scratch_operands = 12 : i64, tpu.core_type = #tpu.core_type<sc_vector_subcore>, window_params = [{transform_indices = #map}, {transform_indices = #map}, {transform_indices = #map}, {transform_indices = #map1}, {transform_indices = #map1}, {transform_indices = #map1}, {transform_indices = #map1}, {transform_indices = #map1}]} {
    %mul3A = arith.constant 2 : i32
    %mul3A_0 = arith.muli %arg1, %mul3A : i32
    %add3A = arith.addi %mul3A_0, %arg0 : i32
    %mul3A_1 = arith.constant 2 : i32
    %mul3A_2 = arith.muli %add3A, %mul3A_1 : i32
    %dma_start3A = arith.constant 0 : i32
    %dma_start3A_3 = tpu.memref_slice %arg5[%mul3A_2, %dma_start3A] : memref<64x100000xf32, #tpu.memory_space<hbm>> -> memref<1x100000xf32, #tpu.memory_space<hbm>>
    %dma_start3A_4 = tpu.memref_squeeze %dma_start3A_3 : memref<1x100000xf32, #tpu.memory_space<hbm>> -> memref<100000xf32, #tpu.memory_space<hbm>>
    %dma_start3A_5 = arith.constant 0 : i32
    %dma_start3A_6 = tpu.memref_slice %arg5[%mul3A_2, %dma_start3A_5] : memref<64x100000xf32, #tpu.memory_space<hbm>> -> memref<1x100000xf32, #tpu.memory_space<hbm>>
    %dma_start3A_7 = tpu.memref_squeeze %dma_start3A_6 : memref<1x100000xf32, #tpu.memory_space<hbm>> -> memref<100000xf32, #tpu.memory_space<hbm>>
    tpu.enqueue_dma source(%dma_start3A_7 : memref<100000xf32, #tpu.memory_space<hbm>>) target(%arg10 : memref<100000xf32, #tpu.memory_space<vmem>>) target_semaphore(%arg20 : memref<!tpu.dma_semaphore, #tpu.memory_space<semaphore_mem>>)
    %mul3A_8 = arith.constant 1024 : i32
    %mul3A_9 = arith.muli %arg1, %mul3A_8 : i32
    "tpu.region"() ({
      %run_scoped3A = tpu.sem_alloc : memref<!tpu.dma_semaphore, #tpu.memory_space<semaphore_mem>>
      %dma_start3A_170 = tpu.memref_slice %arg21[%mul3A_9] : memref<49152xi32, #tpu.memory_space<vmem_shared>> -> memref<1024xi32, #tpu.memory_space<vmem_shared>>
      %dma_start3A_171 = tpu.memref_slice %arg2[%mul3A_9] : memref<16384xi32, #tpu.memory_space<hbm>> -> memref<1024xi32, #tpu.memory_space<hbm>>
      tpu.enqueue_dma source(%dma_start3A_171 : memref<1024xi32, #tpu.memory_space<hbm>>) target(%dma_start3A_170 : memref<1024xi32, #tpu.memory_space<vmem_shared>>) target_semaphore(%run_scoped3A : memref<!tpu.dma_semaphore, #tpu.memory_space<semaphore_mem>>)
      %dma_wait3A_172 = tpu.memref_slice %arg21[%mul3A_9] : memref<49152xi32, #tpu.memory_space<vmem_shared>> -> memref<1024xi32, #tpu.memory_space<vmem_shared>>
      %dma_wait3A_173 = tpu.memref_slice %arg2[%mul3A_9] : memref<16384xi32, #tpu.memory_space<hbm>> -> memref<1024xi32, #tpu.memory_space<hbm>>
      tpu.wait_dma2 semaphore(%run_scoped3A : memref<!tpu.dma_semaphore, #tpu.memory_space<semaphore_mem>>) src(%dma_wait3A_173 : memref<1024xi32, #tpu.memory_space<hbm>>) dst(%dma_wait3A_172 : memref<1024xi32, #tpu.memory_space<vmem_shared>>)
      tpu.yield
    }) : () -> ()
    %add3A_10 = arith.constant 16384 : i32
    %add3A_11 = arith.addi %add3A_10, %mul3A_9 : i32
    "tpu.region"() ({
      %run_scoped3A = tpu.sem_alloc : memref<!tpu.dma_semaphore, #tpu.memory_space<semaphore_mem>>
      %dma_start3A_170 = tpu.memref_slice %arg21[%add3A_11] : memref<49152xi32, #tpu.memory_space<vmem_shared>> -> memref<1024xi32, #tpu.memory_space<vmem_shared>>
      %dma_start3A_171 = tpu.memref_slice %arg3[%mul3A_9] : memref<16384xi32, #tpu.memory_space<hbm>> -> memref<1024xi32, #tpu.memory_space<hbm>>
      tpu.enqueue_dma source(%dma_start3A_171 : memref<1024xi32, #tpu.memory_space<hbm>>) target(%dma_start3A_170 : memref<1024xi32, #tpu.memory_space<vmem_shared>>) target_semaphore(%run_scoped3A : memref<!tpu.dma_semaphore, #tpu.memory_space<semaphore_mem>>)
      %dma_wait3A_172 = tpu.memref_slice %arg21[%add3A_11] : memref<49152xi32, #tpu.memory_space<vmem_shared>> -> memref<1024xi32, #tpu.memory_space<vmem_shared>>
      %dma_wait3A_173 = tpu.memref_slice %arg3[%mul3A_9] : memref<16384xi32, #tpu.memory_space<hbm>> -> memref<1024xi32, #tpu.memory_space<hbm>>
      tpu.wait_dma2 semaphore(%run_scoped3A : memref<!tpu.dma_semaphore, #tpu.memory_space<semaphore_mem>>) src(%dma_wait3A_173 : memref<1024xi32, #tpu.memory_space<hbm>>) dst(%dma_wait3A_172 : memref<1024xi32, #tpu.memory_space<vmem_shared>>)
      tpu.yield
    }) : () -> ()
    %add3A_12 = arith.constant 32768 : i32
    %add3A_13 = arith.addi %add3A_12, %mul3A_9 : i32
    "tpu.region"() ({
      %run_scoped3A = tpu.sem_alloc : memref<!tpu.dma_semaphore, #tpu.memory_space<semaphore_mem>>
      %dma_start3A_170 = tpu.memref_slice %arg21[%add3A_13] : memref<49152xi32, #tpu.memory_space<vmem_shared>> -> memref<1024xi32, #tpu.memory_space<vmem_shared>>
      %dma_start3A_171 = tpu.memref_slice %arg4[%mul3A_9] : memref<16384xi32, #tpu.memory_space<hbm>> -> memref<1024xi32, #tpu.memory_space<hbm>>
      tpu.enqueue_dma source(%dma_start3A_171 : memref<1024xi32, #tpu.memory_space<hbm>>) target(%dma_start3A_170 : memref<1024xi32, #tpu.memory_space<vmem_shared>>) target_semaphore(%run_scoped3A : memref<!tpu.dma_semaphore, #tpu.memory_space<semaphore_mem>>)
      %dma_wait3A_172 = tpu.memref_slice %arg21[%add3A_13] : memref<49152xi32, #tpu.memory_space<vmem_shared>> -> memref<1024xi32, #tpu.memory_space<vmem_shared>>
      %dma_wait3A_173 = tpu.memref_slice %arg4[%mul3A_9] : memref<16384xi32, #tpu.memory_space<hbm>> -> memref<1024xi32, #tpu.memory_space<hbm>>
      tpu.wait_dma2 semaphore(%run_scoped3A : memref<!tpu.dma_semaphore, #tpu.memory_space<semaphore_mem>>) src(%dma_wait3A_173 : memref<1024xi32, #tpu.memory_space<hbm>>) dst(%dma_wait3A_172 : memref<1024xi32, #tpu.memory_space<vmem_shared>>)
      tpu.yield
    }) : () -> ()
    %mul3A_14 = arith.constant 2 : i32
    %mul3A_15 = arith.muli %add3A, %mul3A_14 : i32
    "tpu.region"() ({
      %run_scoped3A = tpu.sem_alloc : memref<!tpu.dma_semaphore, #tpu.memory_space<semaphore_mem>>
      %dma_start3A_170 = arith.constant 0 : i32
      %dma_start3A_171 = tpu.memref_slice %arg6[%mul3A_15, %dma_start3A_170] : memref<64x1000xf32, #tpu.memory_space<hbm>> -> memref<1x1000xf32, #tpu.memory_space<hbm>>
      %dma_start3A_172 = tpu.memref_squeeze %dma_start3A_171 : memref<1x1000xf32, #tpu.memory_space<hbm>> -> memref<1000xf32, #tpu.memory_space<hbm>>
      %dma_start3A_173 = arith.constant 0 : i32
      %dma_start3A_174 = tpu.memref_slice %arg6[%mul3A_15, %dma_start3A_173] : memref<64x1000xf32, #tpu.memory_space<hbm>> -> memref<1x1000xf32, #tpu.memory_space<hbm>>
      %dma_start3A_175 = tpu.memref_squeeze %dma_start3A_174 : memref<1x1000xf32, #tpu.memory_space<hbm>> -> memref<1000xf32, #tpu.memory_space<hbm>>
      tpu.enqueue_dma source(%dma_start3A_175 : memref<1000xf32, #tpu.memory_space<hbm>>) target(%arg11 : memref<1000xf32, #tpu.memory_space<vmem>>) target_semaphore(%run_scoped3A : memref<!tpu.dma_semaphore, #tpu.memory_space<semaphore_mem>>)
      %dma_wait3A_176 = arith.constant 0 : i32
      %dma_wait3A_177 = tpu.memref_slice %arg6[%mul3A_15, %dma_wait3A_176] : memref<64x1000xf32, #tpu.memory_space<hbm>> -> memref<1x1000xf32, #tpu.memory_space<hbm>>
      %dma_wait3A_178 = tpu.memref_squeeze %dma_wait3A_177 : memref<1x1000xf32, #tpu.memory_space<hbm>> -> memref<1000xf32, #tpu.memory_space<hbm>>
      %dma_wait3A_179 = arith.constant 0 : i32
      %dma_wait3A_180 = tpu.memref_slice %arg6[%mul3A_15, %dma_wait3A_179] : memref<64x1000xf32, #tpu.memory_space<hbm>> -> memref<1x1000xf32, #tpu.memory_space<hbm>>
      %dma_wait3A_181 = tpu.memref_squeeze %dma_wait3A_180 : memref<1x1000xf32, #tpu.memory_space<hbm>> -> memref<1000xf32, #tpu.memory_space<hbm>>
      tpu.wait_dma2 semaphore(%run_scoped3A : memref<!tpu.dma_semaphore, #tpu.memory_space<semaphore_mem>>) src(%dma_wait3A_181 : memref<1000xf32, #tpu.memory_space<hbm>>) dst(%arg11 : memref<1000xf32, #tpu.memory_space<vmem>>)
      tpu.yield
    }) : () -> ()
    %barrier3A = arith.constant 0 : index
    tpu.barrier barrier_id(%barrier3A)
    %dma_start3A_16 = arith.constant 0 : i32
    %dma_start3A_17 = arith.constant 0 : i32
    %dma_start3A_18 = arith.constant 0 : i32
    %dma_start3A_19 = tpu.memref_slice %arg12[%dma_start3A_16, %dma_start3A_18] : memref<2x2048xi32, #tpu.memory_space<vmem>> -> memref<1x2048xi32, #tpu.memory_space<vmem>>
    %dma_start3A_20 = tpu.memref_squeeze %dma_start3A_19 : memref<1x2048xi32, #tpu.memory_space<vmem>> -> memref<2048xi32, #tpu.memory_space<vmem>>
    %dma_start3A_21 = arith.constant 0 : i32
    %dma_start3A_22 = tpu.memref_slice %arg21[%dma_start3A_21] : memref<49152xi32, #tpu.memory_space<vmem_shared>> -> memref<2048xi32, #tpu.memory_space<vmem_shared>>
    %dma_start3A_23 = tpu.memref_slice %arg18[%dma_start3A_17] : memref<2x!tpu.dma_semaphore, #tpu.memory_space<semaphore_mem>> -> memref<1x!tpu.dma_semaphore, #tpu.memory_space<semaphore_mem>>
    %dma_start3A_24 = tpu.memref_squeeze %dma_start3A_23 : memref<1x!tpu.dma_semaphore, #tpu.memory_space<semaphore_mem>> -> memref<!tpu.dma_semaphore, #tpu.memory_space<semaphore_mem>>
    %dma_start3A_25 = arith.constant 0 : i32
    %dma_start3A_26 = tpu.memref_slice %arg12[%dma_start3A_16, %dma_start3A_25] : memref<2x2048xi32, #tpu.memory_space<vmem>> -> memref<1x2048xi32, #tpu.memory_space<vmem>>
    %dma_start3A_27 = tpu.memref_squeeze %dma_start3A_26 : memref<1x2048xi32, #tpu.memory_space<vmem>> -> memref<2048xi32, #tpu.memory_space<vmem>>
    %dma_start3A_28 = arith.constant 0 : i32
    %dma_start3A_29 = tpu.memref_slice %arg21[%dma_start3A_28] : memref<49152xi32, #tpu.memory_space<vmem_shared>> -> memref<2048xi32, #tpu.memory_space<vmem_shared>>
    tpu.enqueue_dma source(%dma_start3A_29 : memref<2048xi32, #tpu.memory_space<vmem_shared>>) target(%dma_start3A_27 : memref<2048xi32, #tpu.memory_space<vmem>>) target_semaphore(%dma_start3A_24 : memref<!tpu.dma_semaphore, #tpu.memory_space<semaphore_mem>>)
    %dma_start3A_30 = arith.constant 0 : i32
    %dma_start3A_31 = arith.constant 0 : i32
    %dma_start3A_32 = arith.constant 0 : i32
    %dma_start3A_33 = tpu.memref_slice %arg13[%dma_start3A_30, %dma_start3A_32] : memref<2x2048xi32, #tpu.memory_space<vmem>> -> memref<1x2048xi32, #tpu.memory_space<vmem>>
    %dma_start3A_34 = tpu.memref_squeeze %dma_start3A_33 : memref<1x2048xi32, #tpu.memory_space<vmem>> -> memref<2048xi32, #tpu.memory_space<vmem>>
    %dma_start3A_35 = arith.constant 16384 : i32
    %dma_start3A_36 = tpu.memref_slice %arg21[%dma_start3A_35] : memref<49152xi32, #tpu.memory_space<vmem_shared>> -> memref<2048xi32, #tpu.memory_space<vmem_shared>>
    %dma_start3A_37 = tpu.memref_slice %arg18[%dma_start3A_31] : memref<2x!tpu.dma_semaphore, #tpu.memory_space<semaphore_mem>> -> memref<1x!tpu.dma_semaphore, #tpu.memory_space<semaphore_mem>>
    %dma_start3A_38 = tpu.memref_squeeze %dma_start3A_37 : memref<1x!tpu.dma_semaphore, #tpu.memory_space<semaphore_mem>> -> memref<!tpu.dma_semaphore, #tpu.memory_space<semaphore_mem>>
    %dma_start3A_39 = arith.constant 0 : i32
    %dma_start3A_40 = tpu.memref_slice %arg13[%dma_start3A_30, %dma_start3A_39] : memref<2x2048xi32, #tpu.memory_space<vmem>> -> memref<1x2048xi32, #tpu.memory_space<vmem>>
    %dma_start3A_41 = tpu.memref_squeeze %dma_start3A_40 : memref<1x2048xi32, #tpu.memory_space<vmem>> -> memref<2048xi32, #tpu.memory_space<vmem>>
    %dma_start3A_42 = arith.constant 16384 : i32
    %dma_start3A_43 = tpu.memref_slice %arg21[%dma_start3A_42] : memref<49152xi32, #tpu.memory_space<vmem_shared>> -> memref<2048xi32, #tpu.memory_space<vmem_shared>>
    tpu.enqueue_dma source(%dma_start3A_43 : memref<2048xi32, #tpu.memory_space<vmem_shared>>) target(%dma_start3A_41 : memref<2048xi32, #tpu.memory_space<vmem>>) target_semaphore(%dma_start3A_38 : memref<!tpu.dma_semaphore, #tpu.memory_space<semaphore_mem>>)
    %dma_start3A_44 = arith.constant 0 : i32
    %dma_start3A_45 = arith.constant 0 : i32
    %dma_start3A_46 = arith.constant 0 : i32
    %dma_start3A_47 = tpu.memref_slice %arg14[%dma_start3A_44, %dma_start3A_46] : memref<2x2048xi32, #tpu.memory_space<vmem>> -> memref<1x2048xi32, #tpu.memory_space<vmem>>
    %dma_start3A_48 = tpu.memref_squeeze %dma_start3A_47 : memref<1x2048xi32, #tpu.memory_space<vmem>> -> memref<2048xi32, #tpu.memory_space<vmem>>
    %dma_start3A_49 = arith.constant 32768 : i32
    %dma_start3A_50 = tpu.memref_slice %arg21[%dma_start3A_49] : memref<49152xi32, #tpu.memory_space<vmem_shared>> -> memref<2048xi32, #tpu.memory_space<vmem_shared>>
    %dma_start3A_51 = tpu.memref_slice %arg18[%dma_start3A_45] : memref<2x!tpu.dma_semaphore, #tpu.memory_space<semaphore_mem>> -> memref<1x!tpu.dma_semaphore, #tpu.memory_space<semaphore_mem>>
    %dma_start3A_52 = tpu.memref_squeeze %dma_start3A_51 : memref<1x!tpu.dma_semaphore, #tpu.memory_space<semaphore_mem>> -> memref<!tpu.dma_semaphore, #tpu.memory_space<semaphore_mem>>
    %dma_start3A_53 = arith.constant 0 : i32
    %dma_start3A_54 = tpu.memref_slice %arg14[%dma_start3A_44, %dma_start3A_53] : memref<2x2048xi32, #tpu.memory_space<vmem>> -> memref<1x2048xi32, #tpu.memory_space<vmem>>
    %dma_start3A_55 = tpu.memref_squeeze %dma_start3A_54 : memref<1x2048xi32, #tpu.memory_space<vmem>> -> memref<2048xi32, #tpu.memory_space<vmem>>
    %dma_start3A_56 = arith.constant 32768 : i32
    %dma_start3A_57 = tpu.memref_slice %arg21[%dma_start3A_56] : memref<49152xi32, #tpu.memory_space<vmem_shared>> -> memref<2048xi32, #tpu.memory_space<vmem_shared>>
    tpu.enqueue_dma source(%dma_start3A_57 : memref<2048xi32, #tpu.memory_space<vmem_shared>>) target(%dma_start3A_55 : memref<2048xi32, #tpu.memory_space<vmem>>) target_semaphore(%dma_start3A_52 : memref<!tpu.dma_semaphore, #tpu.memory_space<semaphore_mem>>)
    %mul3A_58 = arith.constant 2 : i32
    %mul3A_59 = arith.muli %add3A, %mul3A_58 : i32
    %dma_wait3A = arith.constant 0 : i32
    %dma_wait3A_60 = tpu.memref_slice %arg5[%mul3A_59, %dma_wait3A] : memref<64x100000xf32, #tpu.memory_space<hbm>> -> memref<1x100000xf32, #tpu.memory_space<hbm>>
    %dma_wait3A_61 = tpu.memref_squeeze %dma_wait3A_60 : memref<1x100000xf32, #tpu.memory_space<hbm>> -> memref<100000xf32, #tpu.memory_space<hbm>>
    %dma_wait3A_62 = arith.constant 0 : i32
    %dma_wait3A_63 = tpu.memref_slice %arg5[%mul3A_59, %dma_wait3A_62] : memref<64x100000xf32, #tpu.memory_space<hbm>> -> memref<1x100000xf32, #tpu.memory_space<hbm>>
    %dma_wait3A_64 = tpu.memref_squeeze %dma_wait3A_63 : memref<1x100000xf32, #tpu.memory_space<hbm>> -> memref<100000xf32, #tpu.memory_space<hbm>>
    tpu.wait_dma2 semaphore(%arg20 : memref<!tpu.dma_semaphore, #tpu.memory_space<semaphore_mem>>) src(%dma_wait3A_64 : memref<100000xf32, #tpu.memory_space<hbm>>) dst(%arg10 : memref<100000xf32, #tpu.memory_space<vmem>>)
    %scan3A = arith.constant 0 : i32
    %scan3A_65 = arith.constant 0 : i32
    %scan3A_66 = arith.constant 8 : i32
    %scan3A_67 = arith.addi %scan3A_65, %scan3A_66 : i32
    %scan3A_68 = arith.constant 1 : i32
    scf.for %scan3A_170 = %scan3A_65 to %scan3A_67 step %scan3A_68  : i32 {
      %mul3A_171 = arith.constant 2 : i32
      %mul3A_172 = arith.muli %scan3A_170, %mul3A_171 : i32
      %add3A_173 = arith.constant 0 : i32
      %add3A_174 = arith.addi %mul3A_172, %add3A_173 : i32
      %add3A_175 = arith.constant 1 : i32
      %add3A_176 = arith.addi %add3A_174, %add3A_175 : i32
      %lt3A = arith.constant 16 : i32
      %lt3A_177 = arith.cmpi slt, %add3A_176, %lt3A : i32
      %convert_element_type3A = arith.extui %lt3A_177 : i1 to i32
      %cond3A = arith.constant 0 : i32
      %cond3A_178 = arith.cmpi ne, %convert_element_type3A, %cond3A : i32
      scf.if %cond3A_178 {
        %jit3A_500 = arith.constant 8 : i32
        %eq3A_501 = arith.constant 0 : i32
        %eq3A_502 = arith.cmpi eq, %jit3A_500, %eq3A_501 : i32
        %jit3A_503 = arith.constant 1 : i32
        %select_n3A_504 = arith.select %eq3A_502, %jit3A_503, %jit3A_500 : i32
        %rem3A_505 = arith.remsi %add3A_176, %select_n3A_504 : i32
        %ne3A_506 = arith.constant 0 : i32
        %ne3A_507 = arith.cmpi ne, %rem3A_505, %ne3A_506 : i32
        %lt3A_508 = arith.constant 0 : i32
        %lt3A_509 = arith.cmpi slt, %rem3A_505, %lt3A_508 : i32
        %lt3A_510 = arith.constant 0 : i32
        %lt3A_511 = arith.cmpi slt, %select_n3A_504, %lt3A_510 : i32
        %ne3A_512 = arith.xori %lt3A_509, %lt3A_511 : i1
        %and3A_513 = arith.andi %ne3A_512, %ne3A_507 : i1
        %add3A_514 = arith.addi %rem3A_505, %select_n3A_504 : i32
        %select_n3A_515 = arith.select %and3A_513, %add3A_514, %rem3A_505 : i32
        %mul3A_516 = arith.constant 2048 : i32
        %mul3A_517 = arith.muli %select_n3A_515, %mul3A_516 : i32
        %dma_start3A_518 = arith.constant 1 : i32
        %dma_start3A_519 = arith.constant 1 : i32
        %dma_start3A_520 = arith.constant 0 : i32
        %dma_start3A_521 = tpu.memref_slice %arg12[%dma_start3A_518, %dma_start3A_520] : memref<2x2048xi32, #tpu.memory_space<vmem>> -> memref<1x2048xi32, #tpu.memory_space<vmem>>
        %dma_start3A_522 = tpu.memref_squeeze %dma_start3A_521 : memref<1x2048xi32, #tpu.memory_space<vmem>> -> memref<2048xi32, #tpu.memory_space<vmem>>
        %dma_start3A_523 = tpu.memref_slice %arg21[%mul3A_517] : memref<49152xi32, #tpu.memory_space<vmem_shared>> -> memref<2048xi32, #tpu.memory_space<vmem_shared>>
        %dma_start3A_524 = tpu.memref_slice %arg18[%dma_start3A_519] : memref<2x!tpu.dma_semaphore, #tpu.memory_space<semaphore_mem>> -> memref<1x!tpu.dma_semaphore, #tpu.memory_space<semaphore_mem>>
        %dma_start3A_525 = tpu.memref_squeeze %dma_start3A_524 : memref<1x!tpu.dma_semaphore, #tpu.memory_space<semaphore_mem>> -> memref<!tpu.dma_semaphore, #tpu.memory_space<semaphore_mem>>
        %dma_start3A_526 = arith.constant 0 : i32
        %dma_start3A_527 = tpu.memref_slice %arg12[%dma_start3A_518, %dma_start3A_526] : memref<2x2048xi32, #tpu.memory_space<vmem>> -> memref<1x2048xi32, #tpu.memory_space<vmem>>
        %dma_start3A_528 = tpu.memref_squeeze %dma_start3A_527 : memref<1x2048xi32, #tpu.memory_space<vmem>> -> memref<2048xi32, #tpu.memory_space<vmem>>
        %dma_start3A_529 = tpu.memref_slice %arg21[%mul3A_517] : memref<49152xi32, #tpu.memory_space<vmem_shared>> -> memref<2048xi32, #tpu.memory_space<vmem_shared>>
        tpu.enqueue_dma source(%dma_start3A_529 : memref<2048xi32, #tpu.memory_space<vmem_shared>>) target(%dma_start3A_528 : memref<2048xi32, #tpu.memory_space<vmem>>) target_semaphore(%dma_start3A_525 : memref<!tpu.dma_semaphore, #tpu.memory_space<semaphore_mem>>)
        %add3A_530 = arith.constant 16384 : i32
        %add3A_531 = arith.addi %add3A_530, %mul3A_517 : i32
        %dma_start3A_532 = arith.constant 1 : i32
        %dma_start3A_533 = arith.constant 1 : i32
        %dma_start3A_534 = arith.constant 0 : i32
        %dma_start3A_535 = tpu.memref_slice %arg13[%dma_start3A_532, %dma_start3A_534] : memref<2x2048xi32, #tpu.memory_space<vmem>> -> memref<1x2048xi32, #tpu.memory_space<vmem>>
        %dma_start3A_536 = tpu.memref_squeeze %dma_start3A_535 : memref<1x2048xi32, #tpu.memory_space<vmem>> -> memref<2048xi32, #tpu.memory_space<vmem>>
        %dma_start3A_537 = tpu.memref_slice %arg21[%add3A_531] : memref<49152xi32, #tpu.memory_space<vmem_shared>> -> memref<2048xi32, #tpu.memory_space<vmem_shared>>
        %dma_start3A_538 = tpu.memref_slice %arg18[%dma_start3A_533] : memref<2x!tpu.dma_semaphore, #tpu.memory_space<semaphore_mem>> -> memref<1x!tpu.dma_semaphore, #tpu.memory_space<semaphore_mem>>
        %dma_start3A_539 = tpu.memref_squeeze %dma_start3A_538 : memref<1x!tpu.dma_semaphore, #tpu.memory_space<semaphore_mem>> -> memref<!tpu.dma_semaphore, #tpu.memory_space<semaphore_mem>>
        %dma_start3A_540 = arith.constant 0 : i32
        %dma_start3A_541 = tpu.memref_slice %arg13[%dma_start3A_532, %dma_start3A_540] : memref<2x2048xi32, #tpu.memory_space<vmem>> -> memref<1x2048xi32, #tpu.memory_space<vmem>>
        %dma_start3A_542 = tpu.memref_squeeze %dma_start3A_541 : memref<1x2048xi32, #tpu.memory_space<vmem>> -> memref<2048xi32, #tpu.memory_space<vmem>>
        %dma_start3A_543 = tpu.memref_slice %arg21[%add3A_531] : memref<49152xi32, #tpu.memory_space<vmem_shared>> -> memref<2048xi32, #tpu.memory_space<vmem_shared>>
        tpu.enqueue_dma source(%dma_start3A_543 : memref<2048xi32, #tpu.memory_space<vmem_shared>>) target(%dma_start3A_542 : memref<2048xi32, #tpu.memory_space<vmem>>) target_semaphore(%dma_start3A_539 : memref<!tpu.dma_semaphore, #tpu.memory_space<semaphore_mem>>)
        %add3A_544 = arith.constant 32768 : i32
        %add3A_545 = arith.addi %add3A_544, %mul3A_517 : i32
        %dma_start3A_546 = arith.constant 1 : i32
        %dma_start3A_547 = arith.constant 1 : i32
        %dma_start3A_548 = arith.constant 0 : i32
        %dma_start3A_549 = tpu.memref_slice %arg14[%dma_start3A_546, %dma_start3A_548] : memref<2x2048xi32, #tpu.memory_space<vmem>> -> memref<1x2048xi32, #tpu.memory_space<vmem>>
        %dma_start3A_550 = tpu.memref_squeeze %dma_start3A_549 : memref<1x2048xi32, #tpu.memory_space<vmem>> -> memref<2048xi32, #tpu.memory_space<vmem>>
        %dma_start3A_551 = tpu.memref_slice %arg21[%add3A_545] : memref<49152xi32, #tpu.memory_space<vmem_shared>> -> memref<2048xi32, #tpu.memory_space<vmem_shared>>
        %dma_start3A_552 = tpu.memref_slice %arg18[%dma_start3A_547] : memref<2x!tpu.dma_semaphore, #tpu.memory_space<semaphore_mem>> -> memref<1x!tpu.dma_semaphore, #tpu.memory_space<semaphore_mem>>
        %dma_start3A_553 = tpu.memref_squeeze %dma_start3A_552 : memref<1x!tpu.dma_semaphore, #tpu.memory_space<semaphore_mem>> -> memref<!tpu.dma_semaphore, #tpu.memory_space<semaphore_mem>>
        %dma_start3A_554 = arith.constant 0 : i32
        %dma_start3A_555 = tpu.memref_slice %arg14[%dma_start3A_546, %dma_start3A_554] : memref<2x2048xi32, #tpu.memory_space<vmem>> -> memref<1x2048xi32, #tpu.memory_space<vmem>>
        %dma_start3A_556 = tpu.memref_squeeze %dma_start3A_555 : memref<1x2048xi32, #tpu.memory_space<vmem>> -> memref<2048xi32, #tpu.memory_space<vmem>>
        %dma_start3A_557 = tpu.memref_slice %arg21[%add3A_545] : memref<49152xi32, #tpu.memory_space<vmem_shared>> -> memref<2048xi32, #tpu.memory_space<vmem_shared>>
        tpu.enqueue_dma source(%dma_start3A_557 : memref<2048xi32, #tpu.memory_space<vmem_shared>>) target(%dma_start3A_556 : memref<2048xi32, #tpu.memory_space<vmem>>) target_semaphore(%dma_start3A_553 : memref<!tpu.dma_semaphore, #tpu.memory_space<semaphore_mem>>)
      } else {
      }
      %gt3A = arith.constant 0 : i32
      %gt3A_179 = arith.cmpi sgt, %add3A_174, %gt3A : i32
      %jit3A = arith.constant 8 : i32
      %eq3A = arith.constant 0 : i32
      %eq3A_180 = arith.cmpi eq, %jit3A, %eq3A : i32
      %jit3A_181 = arith.constant 1 : i32
      %select_n3A = arith.select %eq3A_180, %jit3A_181, %jit3A : i32
      %rem3A = arith.remsi %add3A_174, %select_n3A : i32
      %ne3A = arith.constant 0 : i32
      %ne3A_182 = arith.cmpi ne, %rem3A, %ne3A : i32
      %lt3A_183 = arith.constant 0 : i32
      %lt3A_184 = arith.cmpi slt, %rem3A, %lt3A_183 : i32
      %lt3A_185 = arith.constant 0 : i32
      %lt3A_186 = arith.cmpi slt, %select_n3A, %lt3A_185 : i32
      %ne3A_187 = arith.xori %lt3A_184, %lt3A_186 : i1
      %and3A = arith.andi %ne3A_187, %ne3A_182 : i1
      %add3A_188 = arith.addi %rem3A, %select_n3A : i32
      %select_n3A_189 = arith.select %and3A, %add3A_188, %rem3A : i32
      %eq3A_190 = arith.constant 0 : i32
      %eq3A_191 = arith.cmpi eq, %select_n3A_189, %eq3A_190 : i32
      %and3A_192 = arith.andi %gt3A_179, %eq3A_191 : i1
      %convert_element_type3A_193 = arith.extui %and3A_192 : i1 to i32
      %cond3A_194 = arith.constant 0 : i32
      %cond3A_195 = arith.cmpi ne, %convert_element_type3A_193, %cond3A_194 : i32
      scf.if %cond3A_195 {
        %mul3A_500 = arith.constant 2 : i32
        %mul3A_501 = arith.muli %add3A, %mul3A_500 : i32
        %jit3A_502 = arith.constant 8 : i32
        %div3A_503 = arith.divsi %add3A_174, %jit3A_502 : i32
        %sign3A_504 = arith.constant 0 : i32
        %sign3A_505 = arith.cmpi sgt, %add3A_174, %sign3A_504 : i32
        %sign3A_506 = arith.extui %sign3A_505 : i1 to i32
        %sign3A_507 = arith.constant 0 : i32
        %sign3A_508 = arith.cmpi slt, %add3A_174, %sign3A_507 : i32
        %sign3A_509 = arith.extui %sign3A_508 : i1 to i32
        %sign3A_510 = arith.subi %sign3A_506, %sign3A_509 : i32
        %sign3A_511 = arith.constant 0 : i32
        %sign3A_512 = arith.cmpi sgt, %jit3A_502, %sign3A_511 : i32
        %sign3A_513 = arith.extui %sign3A_512 : i1 to i32
        %sign3A_514 = arith.constant 0 : i32
        %sign3A_515 = arith.cmpi slt, %jit3A_502, %sign3A_514 : i32
        %sign3A_516 = arith.extui %sign3A_515 : i1 to i32
        %sign3A_517 = arith.subi %sign3A_513, %sign3A_516 : i32
        %ne3A_518 = arith.cmpi ne, %sign3A_510, %sign3A_517 : i32
        %rem3A_519 = arith.remsi %add3A_174, %jit3A_502 : i32
        %ne3A_520 = arith.constant 0 : i32
        %ne3A_521 = arith.cmpi ne, %rem3A_519, %ne3A_520 : i32
        %and3A_522 = arith.andi %ne3A_518, %ne3A_521 : i1
        %sub3A_523 = arith.constant 1 : i32
        %sub3A_524 = arith.subi %div3A_503, %sub3A_523 : i32
        %select_n3A_525 = arith.select %and3A_522, %sub3A_524, %div3A_503 : i32
        %add3A_526 = arith.addi %mul3A_501, %select_n3A_525 : i32
        "tpu.region"() ({
          %run_scoped3A = tpu.sem_alloc : memref<!tpu.dma_semaphore, #tpu.memory_space<semaphore_mem>>
          %dma_start3A_527 = arith.constant 0 : i32
          %dma_start3A_528 = tpu.memref_slice %arg5[%add3A_526, %dma_start3A_527] : memref<64x100000xf32, #tpu.memory_space<hbm>> -> memref<1x100000xf32, #tpu.memory_space<hbm>>
          %dma_start3A_529 = tpu.memref_squeeze %dma_start3A_528 : memref<1x100000xf32, #tpu.memory_space<hbm>> -> memref<100000xf32, #tpu.memory_space<hbm>>
          %dma_start3A_530 = arith.constant 0 : i32
          %dma_start3A_531 = tpu.memref_slice %arg5[%add3A_526, %dma_start3A_530] : memref<64x100000xf32, #tpu.memory_space<hbm>> -> memref<1x100000xf32, #tpu.memory_space<hbm>>
          %dma_start3A_532 = tpu.memref_squeeze %dma_start3A_531 : memref<1x100000xf32, #tpu.memory_space<hbm>> -> memref<100000xf32, #tpu.memory_space<hbm>>
          tpu.enqueue_dma source(%dma_start3A_532 : memref<100000xf32, #tpu.memory_space<hbm>>) target(%arg10 : memref<100000xf32, #tpu.memory_space<vmem>>) target_semaphore(%run_scoped3A : memref<!tpu.dma_semaphore, #tpu.memory_space<semaphore_mem>>)
          %dma_wait3A_533 = arith.constant 0 : i32
          %dma_wait3A_534 = tpu.memref_slice %arg5[%add3A_526, %dma_wait3A_533] : memref<64x100000xf32, #tpu.memory_space<hbm>> -> memref<1x100000xf32, #tpu.memory_space<hbm>>
          %dma_wait3A_535 = tpu.memref_squeeze %dma_wait3A_534 : memref<1x100000xf32, #tpu.memory_space<hbm>> -> memref<100000xf32, #tpu.memory_space<hbm>>
          %dma_wait3A_536 = arith.constant 0 : i32
          %dma_wait3A_537 = tpu.memref_slice %arg5[%add3A_526, %dma_wait3A_536] : memref<64x100000xf32, #tpu.memory_space<hbm>> -> memref<1x100000xf32, #tpu.memory_space<hbm>>
          %dma_wait3A_538 = tpu.memref_squeeze %dma_wait3A_537 : memref<1x100000xf32, #tpu.memory_space<hbm>> -> memref<100000xf32, #tpu.memory_space<hbm>>
          tpu.wait_dma2 semaphore(%run_scoped3A : memref<!tpu.dma_semaphore, #tpu.memory_space<semaphore_mem>>) src(%dma_wait3A_538 : memref<100000xf32, #tpu.memory_space<hbm>>) dst(%arg10 : memref<100000xf32, #tpu.memory_space<vmem>>)
          tpu.yield
        }) : () -> ()
        "tpu.region"() ({
          %run_scoped3A = tpu.sem_alloc : memref<!tpu.dma_semaphore, #tpu.memory_space<semaphore_mem>>
          %dma_start3A_527 = arith.constant 0 : i32
          %dma_start3A_528 = tpu.memref_slice %arg6[%add3A_526, %dma_start3A_527] : memref<64x1000xf32, #tpu.memory_space<hbm>> -> memref<1x1000xf32, #tpu.memory_space<hbm>>
          %dma_start3A_529 = tpu.memref_squeeze %dma_start3A_528 : memref<1x1000xf32, #tpu.memory_space<hbm>> -> memref<1000xf32, #tpu.memory_space<hbm>>
          %dma_start3A_530 = arith.constant 0 : i32
          %dma_start3A_531 = tpu.memref_slice %arg6[%add3A_526, %dma_start3A_530] : memref<64x1000xf32, #tpu.memory_space<hbm>> -> memref<1x1000xf32, #tpu.memory_space<hbm>>
          %dma_start3A_532 = tpu.memref_squeeze %dma_start3A_531 : memref<1x1000xf32, #tpu.memory_space<hbm>> -> memref<1000xf32, #tpu.memory_space<hbm>>
          tpu.enqueue_dma source(%dma_start3A_532 : memref<1000xf32, #tpu.memory_space<hbm>>) target(%arg11 : memref<1000xf32, #tpu.memory_space<vmem>>) target_semaphore(%run_scoped3A : memref<!tpu.dma_semaphore, #tpu.memory_space<semaphore_mem>>)
          %dma_wait3A_533 = arith.constant 0 : i32
          %dma_wait3A_534 = tpu.memref_slice %arg6[%add3A_526, %dma_wait3A_533] : memref<64x1000xf32, #tpu.memory_space<hbm>> -> memref<1x1000xf32, #tpu.memory_space<hbm>>
          %dma_wait3A_535 = tpu.memref_squeeze %dma_wait3A_534 : memref<1x1000xf32, #tpu.memory_space<hbm>> -> memref<1000xf32, #tpu.memory_space<hbm>>
          %dma_wait3A_536 = arith.constant 0 : i32
          %dma_wait3A_537 = tpu.memref_slice %arg6[%add3A_526, %dma_wait3A_536] : memref<64x1000xf32, #tpu.memory_space<hbm>> -> memref<1x1000xf32, #tpu.memory_space<hbm>>
          %dma_wait3A_538 = tpu.memref_squeeze %dma_wait3A_537 : memref<1x1000xf32, #tpu.memory_space<hbm>> -> memref<1000xf32, #tpu.memory_space<hbm>>
          tpu.wait_dma2 semaphore(%run_scoped3A : memref<!tpu.dma_semaphore, #tpu.memory_space<semaphore_mem>>) src(%dma_wait3A_538 : memref<1000xf32, #tpu.memory_space<hbm>>) dst(%arg11 : memref<1000xf32, #tpu.memory_space<vmem>>)
          tpu.yield
        }) : () -> ()
      } else {
      }
      %dma_wait3A_196 = arith.constant 0 : i32
      %dma_wait3A_197 = arith.constant 0 : i32
      %dma_wait3A_198 = arith.constant 0 : i32
      %dma_wait3A_199 = tpu.memref_slice %arg12[%dma_wait3A_196, %dma_wait3A_198] : memref<2x2048xi32, #tpu.memory_space<vmem>> -> memref<1x2048xi32, #tpu.memory_space<vmem>>
      %dma_wait3A_200 = tpu.memref_squeeze %dma_wait3A_199 : memref<1x2048xi32, #tpu.memory_space<vmem>> -> memref<2048xi32, #tpu.memory_space<vmem>>
      %dma_wait3A_201 = arith.constant 0 : i32
      %dma_wait3A_202 = tpu.memref_slice %arg21[%dma_wait3A_201] : memref<49152xi32, #tpu.memory_space<vmem_shared>> -> memref<2048xi32, #tpu.memory_space<vmem_shared>>
      %dma_wait3A_203 = tpu.memref_slice %arg18[%dma_wait3A_197] : memref<2x!tpu.dma_semaphore, #tpu.memory_space<semaphore_mem>> -> memref<1x!tpu.dma_semaphore, #tpu.memory_space<semaphore_mem>>
      %dma_wait3A_204 = tpu.memref_squeeze %dma_wait3A_203 : memref<1x!tpu.dma_semaphore, #tpu.memory_space<semaphore_mem>> -> memref<!tpu.dma_semaphore, #tpu.memory_space<semaphore_mem>>
      %dma_wait3A_205 = arith.constant 0 : i32
      %dma_wait3A_206 = tpu.memref_slice %arg12[%dma_wait3A_196, %dma_wait3A_205] : memref<2x2048xi32, #tpu.memory_space<vmem>> -> memref<1x2048xi32, #tpu.memory_space<vmem>>
      %dma_wait3A_207 = tpu.memref_squeeze %dma_wait3A_206 : memref<1x2048xi32, #tpu.memory_space<vmem>> -> memref<2048xi32, #tpu.memory_space<vmem>>
      %dma_wait3A_208 = arith.constant 0 : i32
      %dma_wait3A_209 = tpu.memref_slice %arg21[%dma_wait3A_208] : memref<49152xi32, #tpu.memory_space<vmem_shared>> -> memref<2048xi32, #tpu.memory_space<vmem_shared>>
      tpu.wait_dma2 semaphore(%dma_wait3A_204 : memref<!tpu.dma_semaphore, #tpu.memory_space<semaphore_mem>>) src(%dma_wait3A_209 : memref<2048xi32, #tpu.memory_space<vmem_shared>>) dst(%dma_wait3A_207 : memref<2048xi32, #tpu.memory_space<vmem>>)
      %dma_wait3A_210 = arith.constant 0 : i32
      %dma_wait3A_211 = arith.constant 0 : i32
      %dma_wait3A_212 = arith.constant 0 : i32
      %dma_wait3A_213 = tpu.memref_slice %arg13[%dma_wait3A_210, %dma_wait3A_212] : memref<2x2048xi32, #tpu.memory_space<vmem>> -> memref<1x2048xi32, #tpu.memory_space<vmem>>
      %dma_wait3A_214 = tpu.memref_squeeze %dma_wait3A_213 : memref<1x2048xi32, #tpu.memory_space<vmem>> -> memref<2048xi32, #tpu.memory_space<vmem>>
      %dma_wait3A_215 = arith.constant 0 : i32
      %dma_wait3A_216 = tpu.memref_slice %arg21[%dma_wait3A_215] : memref<49152xi32, #tpu.memory_space<vmem_shared>> -> memref<2048xi32, #tpu.memory_space<vmem_shared>>
      %dma_wait3A_217 = tpu.memref_slice %arg18[%dma_wait3A_211] : memref<2x!tpu.dma_semaphore, #tpu.memory_space<semaphore_mem>> -> memref<1x!tpu.dma_semaphore, #tpu.memory_space<semaphore_mem>>
      %dma_wait3A_218 = tpu.memref_squeeze %dma_wait3A_217 : memref<1x!tpu.dma_semaphore, #tpu.memory_space<semaphore_mem>> -> memref<!tpu.dma_semaphore, #tpu.memory_space<semaphore_mem>>
      %dma_wait3A_219 = arith.constant 0 : i32
      %dma_wait3A_220 = tpu.memref_slice %arg13[%dma_wait3A_210, %dma_wait3A_219] : memref<2x2048xi32, #tpu.memory_space<vmem>> -> memref<1x2048xi32, #tpu.memory_space<vmem>>
      %dma_wait3A_221 = tpu.memref_squeeze %dma_wait3A_220 : memref<1x2048xi32, #tpu.memory_space<vmem>> -> memref<2048xi32, #tpu.memory_space<vmem>>
      %dma_wait3A_222 = arith.constant 0 : i32
      %dma_wait3A_223 = tpu.memref_slice %arg21[%dma_wait3A_222] : memref<49152xi32, #tpu.memory_space<vmem_shared>> -> memref<2048xi32, #tpu.memory_space<vmem_shared>>
      tpu.wait_dma2 semaphore(%dma_wait3A_218 : memref<!tpu.dma_semaphore, #tpu.memory_space<semaphore_mem>>) src(%dma_wait3A_223 : memref<2048xi32, #tpu.memory_space<vmem_shared>>) dst(%dma_wait3A_221 : memref<2048xi32, #tpu.memory_space<vmem>>)
      %dma_wait3A_224 = arith.constant 0 : i32
      %dma_wait3A_225 = arith.constant 0 : i32
      %dma_wait3A_226 = arith.constant 0 : i32
      %dma_wait3A_227 = tpu.memref_slice %arg14[%dma_wait3A_224, %dma_wait3A_226] : memref<2x2048xi32, #tpu.memory_space<vmem>> -> memref<1x2048xi32, #tpu.memory_space<vmem>>
      %dma_wait3A_228 = tpu.memref_squeeze %dma_wait3A_227 : memref<1x2048xi32, #tpu.memory_space<vmem>> -> memref<2048xi32, #tpu.memory_space<vmem>>
      %dma_wait3A_229 = arith.constant 0 : i32
      %dma_wait3A_230 = tpu.memref_slice %arg21[%dma_wait3A_229] : memref<49152xi32, #tpu.memory_space<vmem_shared>> -> memref<2048xi32, #tpu.memory_space<vmem_shared>>
      %dma_wait3A_231 = tpu.memref_slice %arg18[%dma_wait3A_225] : memref<2x!tpu.dma_semaphore, #tpu.memory_space<semaphore_mem>> -> memref<1x!tpu.dma_semaphore, #tpu.memory_space<semaphore_mem>>
      %dma_wait3A_232 = tpu.memref_squeeze %dma_wait3A_231 : memref<1x!tpu.dma_semaphore, #tpu.memory_space<semaphore_mem>> -> memref<!tpu.dma_semaphore, #tpu.memory_space<semaphore_mem>>
      %dma_wait3A_233 = arith.constant 0 : i32
      %dma_wait3A_234 = tpu.memref_slice %arg14[%dma_wait3A_224, %dma_wait3A_233] : memref<2x2048xi32, #tpu.memory_space<vmem>> -> memref<1x2048xi32, #tpu.memory_space<vmem>>
      %dma_wait3A_235 = tpu.memref_squeeze %dma_wait3A_234 : memref<1x2048xi32, #tpu.memory_space<vmem>> -> memref<2048xi32, #tpu.memory_space<vmem>>
      %dma_wait3A_236 = arith.constant 0 : i32
      %dma_wait3A_237 = tpu.memref_slice %arg21[%dma_wait3A_236] : memref<49152xi32, #tpu.memory_space<vmem_shared>> -> memref<2048xi32, #tpu.memory_space<vmem_shared>>
      tpu.wait_dma2 semaphore(%dma_wait3A_232 : memref<!tpu.dma_semaphore, #tpu.memory_space<semaphore_mem>>) src(%dma_wait3A_237 : memref<2048xi32, #tpu.memory_space<vmem_shared>>) dst(%dma_wait3A_235 : memref<2048xi32, #tpu.memory_space<vmem>>)
      %ge3A = arith.constant 2 : i32
      %ge3A_238 = arith.cmpi sge, %add3A_174, %ge3A : i32
      %convert_element_type3A_239 = arith.extui %ge3A_238 : i1 to i32
      %cond3A_240 = arith.constant 0 : i32
      %cond3A_241 = arith.cmpi ne, %convert_element_type3A_239, %cond3A_240 : i32
      scf.if %cond3A_241 {
        %mul3A_500 = arith.constant 2 : i32
        %mul3A_501 = arith.muli %add3A, %mul3A_500 : i32
        %dma_wait3A_502 = arith.constant 0 : i32
        %dma_wait3A_503 = arith.constant 0 : i32
        %dma_wait3A_504 = arith.constant 0 : i32
        %dma_wait3A_505 = tpu.memref_slice %arg15[%dma_wait3A_502, %dma_wait3A_504] : memref<2x2048xf32, #tpu.memory_space<vmem>> -> memref<1x2048xf32, #tpu.memory_space<vmem>>
        %dma_wait3A_506 = tpu.memref_squeeze %dma_wait3A_505 : memref<1x2048xf32, #tpu.memory_space<vmem>> -> memref<2048xf32, #tpu.memory_space<vmem>>
        %dma_wait3A_507 = arith.constant 0 : i32
        %dma_wait3A_508 = tpu.memref_slice %arg7[%mul3A_501, %dma_wait3A_507] : memref<64x16384xf32, #tpu.memory_space<hbm>> -> memref<1x2048xf32, #tpu.memory_space<hbm>>
        %dma_wait3A_509 = tpu.memref_squeeze %dma_wait3A_508 : memref<1x2048xf32, #tpu.memory_space<hbm>> -> memref<2048xf32, #tpu.memory_space<hbm>>
        %dma_wait3A_510 = tpu.memref_slice %arg19[%dma_wait3A_503] : memref<2x!tpu.dma_semaphore, #tpu.memory_space<semaphore_mem>> -> memref<1x!tpu.dma_semaphore, #tpu.memory_space<semaphore_mem>>
        %dma_wait3A_511 = tpu.memref_squeeze %dma_wait3A_510 : memref<1x!tpu.dma_semaphore, #tpu.memory_space<semaphore_mem>> -> memref<!tpu.dma_semaphore, #tpu.memory_space<semaphore_mem>>
        %dma_wait3A_512 = arith.constant 0 : i32
        %dma_wait3A_513 = tpu.memref_slice %arg7[%mul3A_501, %dma_wait3A_512] : memref<64x16384xf32, #tpu.memory_space<hbm>> -> memref<1x2048xf32, #tpu.memory_space<hbm>>
        %dma_wait3A_514 = tpu.memref_squeeze %dma_wait3A_513 : memref<1x2048xf32, #tpu.memory_space<hbm>> -> memref<2048xf32, #tpu.memory_space<hbm>>
        %dma_wait3A_515 = arith.constant 0 : i32
        %dma_wait3A_516 = tpu.memref_slice %arg15[%dma_wait3A_502, %dma_wait3A_515] : memref<2x2048xf32, #tpu.memory_space<vmem>> -> memref<1x2048xf32, #tpu.memory_space<vmem>>
        %dma_wait3A_517 = tpu.memref_squeeze %dma_wait3A_516 : memref<1x2048xf32, #tpu.memory_space<vmem>> -> memref<2048xf32, #tpu.memory_space<vmem>>
        tpu.wait_dma2 semaphore(%dma_wait3A_511 : memref<!tpu.dma_semaphore, #tpu.memory_space<semaphore_mem>>) src(%dma_wait3A_517 : memref<2048xf32, #tpu.memory_space<vmem>>) dst(%dma_wait3A_514 : memref<2048xf32, #tpu.memory_space<hbm>>)
        %dma_wait3A_518 = arith.constant 0 : i32
        %dma_wait3A_519 = arith.constant 0 : i32
        %dma_wait3A_520 = arith.constant 0 : i32
        %dma_wait3A_521 = tpu.memref_slice %arg16[%dma_wait3A_518, %dma_wait3A_520] : memref<2x2048xf32, #tpu.memory_space<vmem>> -> memref<1x2048xf32, #tpu.memory_space<vmem>>
        %dma_wait3A_522 = tpu.memref_squeeze %dma_wait3A_521 : memref<1x2048xf32, #tpu.memory_space<vmem>> -> memref<2048xf32, #tpu.memory_space<vmem>>
        %dma_wait3A_523 = arith.constant 0 : i32
        %dma_wait3A_524 = tpu.memref_slice %arg8[%mul3A_501, %dma_wait3A_523] : memref<64x16384xf32, #tpu.memory_space<hbm>> -> memref<1x2048xf32, #tpu.memory_space<hbm>>
        %dma_wait3A_525 = tpu.memref_squeeze %dma_wait3A_524 : memref<1x2048xf32, #tpu.memory_space<hbm>> -> memref<2048xf32, #tpu.memory_space<hbm>>
        %dma_wait3A_526 = tpu.memref_slice %arg19[%dma_wait3A_519] : memref<2x!tpu.dma_semaphore, #tpu.memory_space<semaphore_mem>> -> memref<1x!tpu.dma_semaphore, #tpu.memory_space<semaphore_mem>>
        %dma_wait3A_527 = tpu.memref_squeeze %dma_wait3A_526 : memref<1x!tpu.dma_semaphore, #tpu.memory_space<semaphore_mem>> -> memref<!tpu.dma_semaphore, #tpu.memory_space<semaphore_mem>>
        %dma_wait3A_528 = arith.constant 0 : i32
        %dma_wait3A_529 = tpu.memref_slice %arg8[%mul3A_501, %dma_wait3A_528] : memref<64x16384xf32, #tpu.memory_space<hbm>> -> memref<1x2048xf32, #tpu.memory_space<hbm>>
        %dma_wait3A_530 = tpu.memref_squeeze %dma_wait3A_529 : memref<1x2048xf32, #tpu.memory_space<hbm>> -> memref<2048xf32, #tpu.memory_space<hbm>>
        %dma_wait3A_531 = arith.constant 0 : i32
        %dma_wait3A_532 = tpu.memref_slice %arg16[%dma_wait3A_518, %dma_wait3A_531] : memref<2x2048xf32, #tpu.memory_space<vmem>> -> memref<1x2048xf32, #tpu.memory_space<vmem>>
        %dma_wait3A_533 = tpu.memref_squeeze %dma_wait3A_532 : memref<1x2048xf32, #tpu.memory_space<vmem>> -> memref<2048xf32, #tpu.memory_space<vmem>>
        tpu.wait_dma2 semaphore(%dma_wait3A_527 : memref<!tpu.dma_semaphore, #tpu.memory_space<semaphore_mem>>) src(%dma_wait3A_533 : memref<2048xf32, #tpu.memory_space<vmem>>) dst(%dma_wait3A_530 : memref<2048xf32, #tpu.memory_space<hbm>>)
        %dma_wait3A_534 = arith.constant 0 : i32
        %dma_wait3A_535 = arith.constant 0 : i32
        %dma_wait3A_536 = arith.constant 0 : i32
        %dma_wait3A_537 = tpu.memref_slice %arg17[%dma_wait3A_534, %dma_wait3A_536] : memref<2x2048xf32, #tpu.memory_space<vmem>> -> memref<1x2048xf32, #tpu.memory_space<vmem>>
        %dma_wait3A_538 = tpu.memref_squeeze %dma_wait3A_537 : memref<1x2048xf32, #tpu.memory_space<vmem>> -> memref<2048xf32, #tpu.memory_space<vmem>>
        %dma_wait3A_539 = arith.constant 0 : i32
        %dma_wait3A_540 = tpu.memref_slice %arg9[%mul3A_501, %dma_wait3A_539] : memref<64x16384xf32, #tpu.memory_space<hbm>> -> memref<1x2048xf32, #tpu.memory_space<hbm>>
        %dma_wait3A_541 = tpu.memref_squeeze %dma_wait3A_540 : memref<1x2048xf32, #tpu.memory_space<hbm>> -> memref<2048xf32, #tpu.memory_space<hbm>>
        %dma_wait3A_542 = tpu.memref_slice %arg19[%dma_wait3A_535] : memref<2x!tpu.dma_semaphore, #tpu.memory_space<semaphore_mem>> -> memref<1x!tpu.dma_semaphore, #tpu.memory_space<semaphore_mem>>
        %dma_wait3A_543 = tpu.memref_squeeze %dma_wait3A_542 : memref<1x!tpu.dma_semaphore, #tpu.memory_space<semaphore_mem>> -> memref<!tpu.dma_semaphore, #tpu.memory_space<semaphore_mem>>
        %dma_wait3A_544 = arith.constant 0 : i32
        %dma_wait3A_545 = tpu.memref_slice %arg9[%mul3A_501, %dma_wait3A_544] : memref<64x16384xf32, #tpu.memory_space<hbm>> -> memref<1x2048xf32, #tpu.memory_space<hbm>>
        %dma_wait3A_546 = tpu.memref_squeeze %dma_wait3A_545 : memref<1x2048xf32, #tpu.memory_space<hbm>> -> memref<2048xf32, #tpu.memory_space<hbm>>
        %dma_wait3A_547 = arith.constant 0 : i32
        %dma_wait3A_548 = tpu.memref_slice %arg17[%dma_wait3A_534, %dma_wait3A_547] : memref<2x2048xf32, #tpu.memory_space<vmem>> -> memref<1x2048xf32, #tpu.memory_space<vmem>>
        %dma_wait3A_549 = tpu.memref_squeeze %dma_wait3A_548 : memref<1x2048xf32, #tpu.memory_space<vmem>> -> memref<2048xf32, #tpu.memory_space<vmem>>
        tpu.wait_dma2 semaphore(%dma_wait3A_543 : memref<!tpu.dma_semaphore, #tpu.memory_space<semaphore_mem>>) src(%dma_wait3A_549 : memref<2048xf32, #tpu.memory_space<vmem>>) dst(%dma_wait3A_546 : memref<2048xf32, #tpu.memory_space<hbm>>)
      } else {
      }
      %parallel_loop3A = arith.constant 0 : i32
      %parallel_loop3A_242 = arith.constant 2048 : i32
      %parallel_loop3A_243 = arith.constant 16 : i32
      scf.for %parallel_loop3A_500 = %parallel_loop3A to %parallel_loop3A_242 step %parallel_loop3A_243  : i32 {
        %parallel_loop3A_501 = arith.constant 0 : i32
        %parallel_loop3A_502 = arith.index_cast %parallel_loop3A_501 : i32 to index
        %parallel_loop3A_503 = arith.index_cast %parallel_loop3A_500 : i32 to index
        %parallel_loop3A_504 = tpu.vector_load %arg12[%parallel_loop3A_502, %parallel_loop3A_503] {strides = array<i32>} : memref<2x2048xi32, #tpu.memory_space<vmem>>, vector<16xi32>,
        %parallel_loop3A_505 = tpu.vector_load_idx %arg10[%parallel_loop3A_504] : memref<100000xf32, #tpu.memory_space<vmem>>[vector<16xi32>], vector<16xf32>,
        %parallel_loop3A_506 = arith.constant 0 : i32
        %parallel_loop3A_507 = arith.index_cast %parallel_loop3A_506 : i32 to index
        %parallel_loop3A_508 = arith.index_cast %parallel_loop3A_500 : i32 to index
        %parallel_loop3A_509 = tpu.vector_load %arg15[%parallel_loop3A_507, %parallel_loop3A_508] {strides = array<i32>} : memref<2x2048xf32, #tpu.memory_space<vmem>>, vector<16xf32>,
        tpu.vector_store %arg15[%parallel_loop3A_507, %parallel_loop3A_508], %parallel_loop3A_505 {strides = array<i32>} : memref<2x2048xf32, #tpu.memory_space<vmem>>, vector<16xf32>,
        %parallel_loop3A_510 = arith.constant 0 : i32
        %parallel_loop3A_511 = arith.index_cast %parallel_loop3A_510 : i32 to index
        %parallel_loop3A_512 = arith.index_cast %parallel_loop3A_500 : i32 to index
        %parallel_loop3A_513 = tpu.vector_load %arg13[%parallel_loop3A_511, %parallel_loop3A_512] {strides = array<i32>} : memref<2x2048xi32, #tpu.memory_space<vmem>>, vector<16xi32>,
        %parallel_loop3A_514 = tpu.vector_load_idx %arg10[%parallel_loop3A_513] : memref<100000xf32, #tpu.memory_space<vmem>>[vector<16xi32>], vector<16xf32>,
        %parallel_loop3A_515 = arith.constant 0 : i32
        %parallel_loop3A_516 = arith.index_cast %parallel_loop3A_515 : i32 to index
        %parallel_loop3A_517 = arith.index_cast %parallel_loop3A_500 : i32 to index
        %parallel_loop3A_518 = tpu.vector_load %arg16[%parallel_loop3A_516, %parallel_loop3A_517] {strides = array<i32>} : memref<2x2048xf32, #tpu.memory_space<vmem>>, vector<16xf32>,
        tpu.vector_store %arg16[%parallel_loop3A_516, %parallel_loop3A_517], %parallel_loop3A_514 {strides = array<i32>} : memref<2x2048xf32, #tpu.memory_space<vmem>>, vector<16xf32>,
        %parallel_loop3A_519 = arith.constant 0 : i32
        %parallel_loop3A_520 = arith.index_cast %parallel_loop3A_519 : i32 to index
        %parallel_loop3A_521 = arith.index_cast %parallel_loop3A_500 : i32 to index
        %parallel_loop3A_522 = tpu.vector_load %arg14[%parallel_loop3A_520, %parallel_loop3A_521] {strides = array<i32>} : memref<2x2048xi32, #tpu.memory_space<vmem>>, vector<16xi32>,
        %parallel_loop3A_523 = tpu.vector_load_idx %arg11[%parallel_loop3A_522] : memref<1000xf32, #tpu.memory_space<vmem>>[vector<16xi32>], vector<16xf32>,
        %parallel_loop3A_524 = arith.constant 0 : i32
        %parallel_loop3A_525 = arith.index_cast %parallel_loop3A_524 : i32 to index
        %parallel_loop3A_526 = arith.index_cast %parallel_loop3A_500 : i32 to index
        %parallel_loop3A_527 = tpu.vector_load %arg17[%parallel_loop3A_525, %parallel_loop3A_526] {strides = array<i32>} : memref<2x2048xf32, #tpu.memory_space<vmem>>, vector<16xf32>,
        tpu.vector_store %arg17[%parallel_loop3A_525, %parallel_loop3A_526], %parallel_loop3A_523 {strides = array<i32>} : memref<2x2048xf32, #tpu.memory_space<vmem>>, vector<16xf32>,
      } {sc.loop_unroll_factor = 16 : i64, sc.parallel_access}
      %mul3A_244 = arith.constant 2 : i32
      %mul3A_245 = arith.muli %add3A, %mul3A_244 : i32
      %jit3A_246 = arith.constant 8 : i32
      %div3A = arith.divsi %add3A_174, %jit3A_246 : i32
      %sign3A = arith.constant 0 : i32
      %sign3A_247 = arith.cmpi sgt, %add3A_174, %sign3A : i32
      %sign3A_248 = arith.extui %sign3A_247 : i1 to i32
      %sign3A_249 = arith.constant 0 : i32
      %sign3A_250 = arith.cmpi slt, %add3A_174, %sign3A_249 : i32
      %sign3A_251 = arith.extui %sign3A_250 : i1 to i32
      %sign3A_252 = arith.subi %sign3A_248, %sign3A_251 : i32
      %sign3A_253 = arith.constant 0 : i32
      %sign3A_254 = arith.cmpi sgt, %jit3A_246, %sign3A_253 : i32
      %sign3A_255 = arith.extui %sign3A_254 : i1 to i32
      %sign3A_256 = arith.constant 0 : i32
      %sign3A_257 = arith.cmpi slt, %jit3A_246, %sign3A_256 : i32
      %sign3A_258 = arith.extui %sign3A_257 : i1 to i32
      %sign3A_259 = arith.subi %sign3A_255, %sign3A_258 : i32
      %ne3A_260 = arith.cmpi ne, %sign3A_252, %sign3A_259 : i32
      %rem3A_261 = arith.remsi %add3A_174, %jit3A_246 : i32
      %ne3A_262 = arith.constant 0 : i32
      %ne3A_263 = arith.cmpi ne, %rem3A_261, %ne3A_262 : i32
      %and3A_264 = arith.andi %ne3A_260, %ne3A_263 : i1
      %sub3A = arith.constant 1 : i32
      %sub3A_265 = arith.subi %div3A, %sub3A : i32
      %select_n3A_266 = arith.select %and3A_264, %sub3A_265, %div3A : i32
      %add3A_267 = arith.addi %mul3A_245, %select_n3A_266 : i32
      %jit3A_268 = arith.constant 8 : i32
      %eq3A_269 = arith.constant 0 : i32
      %eq3A_270 = arith.cmpi eq, %jit3A_268, %eq3A_269 : i32
      %jit3A_271 = arith.constant 1 : i32
      %select_n3A_272 = arith.select %eq3A_270, %jit3A_271, %jit3A_268 : i32
      %rem3A_273 = arith.remsi %add3A_174, %select_n3A_272 : i32
      %ne3A_274 = arith.constant 0 : i32
      %ne3A_275 = arith.cmpi ne, %rem3A_273, %ne3A_274 : i32
      %lt3A_276 = arith.constant 0 : i32
      %lt3A_277 = arith.cmpi slt, %rem3A_273, %lt3A_276 : i32
      %lt3A_278 = arith.constant 0 : i32
      %lt3A_279 = arith.cmpi slt, %select_n3A_272, %lt3A_278 : i32
      %ne3A_280 = arith.xori %lt3A_277, %lt3A_279 : i1
      %and3A_281 = arith.andi %ne3A_280, %ne3A_275 : i1
      %add3A_282 = arith.addi %rem3A_273, %select_n3A_272 : i32
      %select_n3A_283 = arith.select %and3A_281, %add3A_282, %rem3A_273 : i32
      %mul3A_284 = arith.constant 2048 : i32
      %mul3A_285 = arith.muli %select_n3A_283, %mul3A_284 : i32
      %dma_start3A_286 = arith.constant 0 : i32
      %dma_start3A_287 = arith.constant 0 : i32
      %dma_start3A_288 = arith.constant 0 : i32
      %dma_start3A_289 = tpu.memref_slice %arg15[%dma_start3A_286, %dma_start3A_288] : memref<2x2048xf32, #tpu.memory_space<vmem>> -> memref<1x2048xf32, #tpu.memory_space<vmem>>
      %dma_start3A_290 = tpu.memref_squeeze %dma_start3A_289 : memref<1x2048xf32, #tpu.memory_space<vmem>> -> memref<2048xf32, #tpu.memory_space<vmem>>
      %dma_start3A_291 = tpu.memref_slice %arg7[%add3A_267, %mul3A_285] : memref<64x16384xf32, #tpu.memory_space<hbm>> -> memref<1x2048xf32, #tpu.memory_space<hbm>>
      %dma_start3A_292 = tpu.memref_squeeze %dma_start3A_291 : memref<1x2048xf32, #tpu.memory_space<hbm>> -> memref<2048xf32, #tpu.memory_space<hbm>>
      %dma_start3A_293 = tpu.memref_slice %arg19[%dma_start3A_287] : memref<2x!tpu.dma_semaphore, #tpu.memory_space<semaphore_mem>> -> memref<1x!tpu.dma_semaphore, #tpu.memory_space<semaphore_mem>>
      %dma_start3A_294 = tpu.memref_squeeze %dma_start3A_293 : memref<1x!tpu.dma_semaphore, #tpu.memory_space<semaphore_mem>> -> memref<!tpu.dma_semaphore, #tpu.memory_space<semaphore_mem>>
      %dma_start3A_295 = tpu.memref_slice %arg7[%add3A_267, %mul3A_285] : memref<64x16384xf32, #tpu.memory_space<hbm>> -> memref<1x2048xf32, #tpu.memory_space<hbm>>
      %dma_start3A_296 = tpu.memref_squeeze %dma_start3A_295 : memref<1x2048xf32, #tpu.memory_space<hbm>> -> memref<2048xf32, #tpu.memory_space<hbm>>
      %dma_start3A_297 = arith.constant 0 : i32
      %dma_start3A_298 = tpu.memref_slice %arg15[%dma_start3A_286, %dma_start3A_297] : memref<2x2048xf32, #tpu.memory_space<vmem>> -> memref<1x2048xf32, #tpu.memory_space<vmem>>
      %dma_start3A_299 = tpu.memref_squeeze %dma_start3A_298 : memref<1x2048xf32, #tpu.memory_space<vmem>> -> memref<2048xf32, #tpu.memory_space<vmem>>
      tpu.enqueue_dma source(%dma_start3A_299 : memref<2048xf32, #tpu.memory_space<vmem>>) target(%dma_start3A_296 : memref<2048xf32, #tpu.memory_space<hbm>>) target_semaphore(%dma_start3A_294 : memref<!tpu.dma_semaphore, #tpu.memory_space<semaphore_mem>>)
      %dma_start3A_300 = arith.constant 0 : i32
      %dma_start3A_301 = arith.constant 0 : i32
      %dma_start3A_302 = arith.constant 0 : i32
      %dma_start3A_303 = tpu.memref_slice %arg16[%dma_start3A_300, %dma_start3A_302] : memref<2x2048xf32, #tpu.memory_space<vmem>> -> memref<1x2048xf32, #tpu.memory_space<vmem>>
      %dma_start3A_304 = tpu.memref_squeeze %dma_start3A_303 : memref<1x2048xf32, #tpu.memory_space<vmem>> -> memref<2048xf32, #tpu.memory_space<vmem>>
      %dma_start3A_305 = tpu.memref_slice %arg8[%add3A_267, %mul3A_285] : memref<64x16384xf32, #tpu.memory_space<hbm>> -> memref<1x2048xf32, #tpu.memory_space<hbm>>
      %dma_start3A_306 = tpu.memref_squeeze %dma_start3A_305 : memref<1x2048xf32, #tpu.memory_space<hbm>> -> memref<2048xf32, #tpu.memory_space<hbm>>
      %dma_start3A_307 = tpu.memref_slice %arg19[%dma_start3A_301] : memref<2x!tpu.dma_semaphore, #tpu.memory_space<semaphore_mem>> -> memref<1x!tpu.dma_semaphore, #tpu.memory_space<semaphore_mem>>
      %dma_start3A_308 = tpu.memref_squeeze %dma_start3A_307 : memref<1x!tpu.dma_semaphore, #tpu.memory_space<semaphore_mem>> -> memref<!tpu.dma_semaphore, #tpu.memory_space<semaphore_mem>>
      %dma_start3A_309 = tpu.memref_slice %arg8[%add3A_267, %mul3A_285] : memref<64x16384xf32, #tpu.memory_space<hbm>> -> memref<1x2048xf32, #tpu.memory_space<hbm>>
      %dma_start3A_310 = tpu.memref_squeeze %dma_start3A_309 : memref<1x2048xf32, #tpu.memory_space<hbm>> -> memref<2048xf32, #tpu.memory_space<hbm>>
      %dma_start3A_311 = arith.constant 0 : i32
      %dma_start3A_312 = tpu.memref_slice %arg16[%dma_start3A_300, %dma_start3A_311] : memref<2x2048xf32, #tpu.memory_space<vmem>> -> memref<1x2048xf32, #tpu.memory_space<vmem>>
      %dma_start3A_313 = tpu.memref_squeeze %dma_start3A_312 : memref<1x2048xf32, #tpu.memory_space<vmem>> -> memref<2048xf32, #tpu.memory_space<vmem>>
      tpu.enqueue_dma source(%dma_start3A_313 : memref<2048xf32, #tpu.memory_space<vmem>>) target(%dma_start3A_310 : memref<2048xf32, #tpu.memory_space<hbm>>) target_semaphore(%dma_start3A_308 : memref<!tpu.dma_semaphore, #tpu.memory_space<semaphore_mem>>)
      %dma_start3A_314 = arith.constant 0 : i32
      %dma_start3A_315 = arith.constant 0 : i32
      %dma_start3A_316 = arith.constant 0 : i32
      %dma_start3A_317 = tpu.memref_slice %arg17[%dma_start3A_314, %dma_start3A_316] : memref<2x2048xf32, #tpu.memory_space<vmem>> -> memref<1x2048xf32, #tpu.memory_space<vmem>>
      %dma_start3A_318 = tpu.memref_squeeze %dma_start3A_317 : memref<1x2048xf32, #tpu.memory_space<vmem>> -> memref<2048xf32, #tpu.memory_space<vmem>>
      %dma_start3A_319 = tpu.memref_slice %arg9[%add3A_267, %mul3A_285] : memref<64x16384xf32, #tpu.memory_space<hbm>> -> memref<1x2048xf32, #tpu.memory_space<hbm>>
      %dma_start3A_320 = tpu.memref_squeeze %dma_start3A_319 : memref<1x2048xf32, #tpu.memory_space<hbm>> -> memref<2048xf32, #tpu.memory_space<hbm>>
      %dma_start3A_321 = tpu.memref_slice %arg19[%dma_start3A_315] : memref<2x!tpu.dma_semaphore, #tpu.memory_space<semaphore_mem>> -> memref<1x!tpu.dma_semaphore, #tpu.memory_space<semaphore_mem>>
      %dma_start3A_322 = tpu.memref_squeeze %dma_start3A_321 : memref<1x!tpu.dma_semaphore, #tpu.memory_space<semaphore_mem>> -> memref<!tpu.dma_semaphore, #tpu.memory_space<semaphore_mem>>
      %dma_start3A_323 = tpu.memref_slice %arg9[%add3A_267, %mul3A_285] : memref<64x16384xf32, #tpu.memory_space<hbm>> -> memref<1x2048xf32, #tpu.memory_space<hbm>>
      %dma_start3A_324 = tpu.memref_squeeze %dma_start3A_323 : memref<1x2048xf32, #tpu.memory_space<hbm>> -> memref<2048xf32, #tpu.memory_space<hbm>>
      %dma_start3A_325 = arith.constant 0 : i32
      %dma_start3A_326 = tpu.memref_slice %arg17[%dma_start3A_314, %dma_start3A_325] : memref<2x2048xf32, #tpu.memory_space<vmem>> -> memref<1x2048xf32, #tpu.memory_space<vmem>>
      %dma_start3A_327 = tpu.memref_squeeze %dma_start3A_326 : memref<1x2048xf32, #tpu.memory_space<vmem>> -> memref<2048xf32, #tpu.memory_space<vmem>>
      tpu.enqueue_dma source(%dma_start3A_327 : memref<2048xf32, #tpu.memory_space<vmem>>) target(%dma_start3A_324 : memref<2048xf32, #tpu.memory_space<hbm>>) target_semaphore(%dma_start3A_322 : memref<!tpu.dma_semaphore, #tpu.memory_space<semaphore_mem>>)
      %mul3A_328 = arith.constant 2 : i32
      %mul3A_329 = arith.muli %scan3A_170, %mul3A_328 : i32
      %add3A_330 = arith.constant 1 : i32
      %add3A_331 = arith.addi %mul3A_329, %add3A_330 : i32
      %add3A_332 = arith.constant 1 : i32
      %add3A_333 = arith.addi %add3A_331, %add3A_332 : i32
      %lt3A_334 = arith.constant 16 : i32
      %lt3A_335 = arith.cmpi slt, %add3A_333, %lt3A_334 : i32
      %convert_element_type3A_336 = arith.extui %lt3A_335 : i1 to i32
      %cond3A_337 = arith.constant 0 : i32
      %cond3A_338 = arith.cmpi ne, %convert_element_type3A_336, %cond3A_337 : i32
      scf.if %cond3A_338 {
        %jit3A_500 = arith.constant 8 : i32
        %eq3A_501 = arith.constant 0 : i32
        %eq3A_502 = arith.cmpi eq, %jit3A_500, %eq3A_501 : i32
        %jit3A_503 = arith.constant 1 : i32
        %select_n3A_504 = arith.select %eq3A_502, %jit3A_503, %jit3A_500 : i32
        %rem3A_505 = arith.remsi %add3A_333, %select_n3A_504 : i32
        %ne3A_506 = arith.constant 0 : i32
        %ne3A_507 = arith.cmpi ne, %rem3A_505, %ne3A_506 : i32
        %lt3A_508 = arith.constant 0 : i32
        %lt3A_509 = arith.cmpi slt, %rem3A_505, %lt3A_508 : i32
        %lt3A_510 = arith.constant 0 : i32
        %lt3A_511 = arith.cmpi slt, %select_n3A_504, %lt3A_510 : i32
        %ne3A_512 = arith.xori %lt3A_509, %lt3A_511 : i1
        %and3A_513 = arith.andi %ne3A_512, %ne3A_507 : i1
        %add3A_514 = arith.addi %rem3A_505, %select_n3A_504 : i32
        %select_n3A_515 = arith.select %and3A_513, %add3A_514, %rem3A_505 : i32
        %mul3A_516 = arith.constant 2048 : i32
        %mul3A_517 = arith.muli %select_n3A_515, %mul3A_516 : i32
        %dma_start3A_518 = arith.constant 0 : i32
        %dma_start3A_519 = arith.constant 0 : i32
        %dma_start3A_520 = arith.constant 0 : i32
        %dma_start3A_521 = tpu.memref_slice %arg12[%dma_start3A_518, %dma_start3A_520] : memref<2x2048xi32, #tpu.memory_space<vmem>> -> memref<1x2048xi32, #tpu.memory_space<vmem>>
        %dma_start3A_522 = tpu.memref_squeeze %dma_start3A_521 : memref<1x2048xi32, #tpu.memory_space<vmem>> -> memref<2048xi32, #tpu.memory_space<vmem>>
        %dma_start3A_523 = tpu.memref_slice %arg21[%mul3A_517] : memref<49152xi32, #tpu.memory_space<vmem_shared>> -> memref<2048xi32, #tpu.memory_space<vmem_shared>>
        %dma_start3A_524 = tpu.memref_slice %arg18[%dma_start3A_519] : memref<2x!tpu.dma_semaphore, #tpu.memory_space<semaphore_mem>> -> memref<1x!tpu.dma_semaphore, #tpu.memory_space<semaphore_mem>>
        %dma_start3A_525 = tpu.memref_squeeze %dma_start3A_524 : memref<1x!tpu.dma_semaphore, #tpu.memory_space<semaphore_mem>> -> memref<!tpu.dma_semaphore, #tpu.memory_space<semaphore_mem>>
        %dma_start3A_526 = arith.constant 0 : i32
        %dma_start3A_527 = tpu.memref_slice %arg12[%dma_start3A_518, %dma_start3A_526] : memref<2x2048xi32, #tpu.memory_space<vmem>> -> memref<1x2048xi32, #tpu.memory_space<vmem>>
        %dma_start3A_528 = tpu.memref_squeeze %dma_start3A_527 : memref<1x2048xi32, #tpu.memory_space<vmem>> -> memref<2048xi32, #tpu.memory_space<vmem>>
        %dma_start3A_529 = tpu.memref_slice %arg21[%mul3A_517] : memref<49152xi32, #tpu.memory_space<vmem_shared>> -> memref<2048xi32, #tpu.memory_space<vmem_shared>>
        tpu.enqueue_dma source(%dma_start3A_529 : memref<2048xi32, #tpu.memory_space<vmem_shared>>) target(%dma_start3A_528 : memref<2048xi32, #tpu.memory_space<vmem>>) target_semaphore(%dma_start3A_525 : memref<!tpu.dma_semaphore, #tpu.memory_space<semaphore_mem>>)
        %add3A_530 = arith.constant 16384 : i32
        %add3A_531 = arith.addi %add3A_530, %mul3A_517 : i32
        %dma_start3A_532 = arith.constant 0 : i32
        %dma_start3A_533 = arith.constant 0 : i32
        %dma_start3A_534 = arith.constant 0 : i32
        %dma_start3A_535 = tpu.memref_slice %arg13[%dma_start3A_532, %dma_start3A_534] : memref<2x2048xi32, #tpu.memory_space<vmem>> -> memref<1x2048xi32, #tpu.memory_space<vmem>>
        %dma_start3A_536 = tpu.memref_squeeze %dma_start3A_535 : memref<1x2048xi32, #tpu.memory_space<vmem>> -> memref<2048xi32, #tpu.memory_space<vmem>>
        %dma_start3A_537 = tpu.memref_slice %arg21[%add3A_531] : memref<49152xi32, #tpu.memory_space<vmem_shared>> -> memref<2048xi32, #tpu.memory_space<vmem_shared>>
        %dma_start3A_538 = tpu.memref_slice %arg18[%dma_start3A_533] : memref<2x!tpu.dma_semaphore, #tpu.memory_space<semaphore_mem>> -> memref<1x!tpu.dma_semaphore, #tpu.memory_space<semaphore_mem>>
        %dma_start3A_539 = tpu.memref_squeeze %dma_start3A_538 : memref<1x!tpu.dma_semaphore, #tpu.memory_space<semaphore_mem>> -> memref<!tpu.dma_semaphore, #tpu.memory_space<semaphore_mem>>
        %dma_start3A_540 = arith.constant 0 : i32
        %dma_start3A_541 = tpu.memref_slice %arg13[%dma_start3A_532, %dma_start3A_540] : memref<2x2048xi32, #tpu.memory_space<vmem>> -> memref<1x2048xi32, #tpu.memory_space<vmem>>
        %dma_start3A_542 = tpu.memref_squeeze %dma_start3A_541 : memref<1x2048xi32, #tpu.memory_space<vmem>> -> memref<2048xi32, #tpu.memory_space<vmem>>
        %dma_start3A_543 = tpu.memref_slice %arg21[%add3A_531] : memref<49152xi32, #tpu.memory_space<vmem_shared>> -> memref<2048xi32, #tpu.memory_space<vmem_shared>>
        tpu.enqueue_dma source(%dma_start3A_543 : memref<2048xi32, #tpu.memory_space<vmem_shared>>) target(%dma_start3A_542 : memref<2048xi32, #tpu.memory_space<vmem>>) target_semaphore(%dma_start3A_539 : memref<!tpu.dma_semaphore, #tpu.memory_space<semaphore_mem>>)
        %add3A_544 = arith.constant 32768 : i32
        %add3A_545 = arith.addi %add3A_544, %mul3A_517 : i32
        %dma_start3A_546 = arith.constant 0 : i32
        %dma_start3A_547 = arith.constant 0 : i32
        %dma_start3A_548 = arith.constant 0 : i32
        %dma_start3A_549 = tpu.memref_slice %arg14[%dma_start3A_546, %dma_start3A_548] : memref<2x2048xi32, #tpu.memory_space<vmem>> -> memref<1x2048xi32, #tpu.memory_space<vmem>>
        %dma_start3A_550 = tpu.memref_squeeze %dma_start3A_549 : memref<1x2048xi32, #tpu.memory_space<vmem>> -> memref<2048xi32, #tpu.memory_space<vmem>>
        %dma_start3A_551 = tpu.memref_slice %arg21[%add3A_545] : memref<49152xi32, #tpu.memory_space<vmem_shared>> -> memref<2048xi32, #tpu.memory_space<vmem_shared>>
        %dma_start3A_552 = tpu.memref_slice %arg18[%dma_start3A_547] : memref<2x!tpu.dma_semaphore, #tpu.memory_space<semaphore_mem>> -> memref<1x!tpu.dma_semaphore, #tpu.memory_space<semaphore_mem>>
        %dma_start3A_553 = tpu.memref_squeeze %dma_start3A_552 : memref<1x!tpu.dma_semaphore, #tpu.memory_space<semaphore_mem>> -> memref<!tpu.dma_semaphore, #tpu.memory_space<semaphore_mem>>
        %dma_start3A_554 = arith.constant 0 : i32
        %dma_start3A_555 = tpu.memref_slice %arg14[%dma_start3A_546, %dma_start3A_554] : memref<2x2048xi32, #tpu.memory_space<vmem>> -> memref<1x2048xi32, #tpu.memory_space<vmem>>
        %dma_start3A_556 = tpu.memref_squeeze %dma_start3A_555 : memref<1x2048xi32, #tpu.memory_space<vmem>> -> memref<2048xi32, #tpu.memory_space<vmem>>
        %dma_start3A_557 = tpu.memref_slice %arg21[%add3A_545] : memref<49152xi32, #tpu.memory_space<vmem_shared>> -> memref<2048xi32, #tpu.memory_space<vmem_shared>>
        tpu.enqueue_dma source(%dma_start3A_557 : memref<2048xi32, #tpu.memory_space<vmem_shared>>) target(%dma_start3A_556 : memref<2048xi32, #tpu.memory_space<vmem>>) target_semaphore(%dma_start3A_553 : memref<!tpu.dma_semaphore, #tpu.memory_space<semaphore_mem>>)
      } else {
      }
      %gt3A_339 = arith.constant 0 : i32
      %gt3A_340 = arith.cmpi sgt, %add3A_331, %gt3A_339 : i32
      %jit3A_341 = arith.constant 8 : i32
      %eq3A_342 = arith.constant 0 : i32
      %eq3A_343 = arith.cmpi eq, %jit3A_341, %eq3A_342 : i32
      %jit3A_344 = arith.constant 1 : i32
      %select_n3A_345 = arith.select %eq3A_343, %jit3A_344, %jit3A_341 : i32
      %rem3A_346 = arith.remsi %add3A_331, %select_n3A_345 : i32
      %ne3A_347 = arith.constant 0 : i32
      %ne3A_348 = arith.cmpi ne, %rem3A_346, %ne3A_347 : i32
      %lt3A_349 = arith.constant 0 : i32
      %lt3A_350 = arith.cmpi slt, %rem3A_346, %lt3A_349 : i32
      %lt3A_351 = arith.constant 0 : i32
      %lt3A_352 = arith.cmpi slt, %select_n3A_345, %lt3A_351 : i32
      %ne3A_353 = arith.xori %lt3A_350, %lt3A_352 : i1
      %and3A_354 = arith.andi %ne3A_353, %ne3A_348 : i1
      %add3A_355 = arith.addi %rem3A_346, %select_n3A_345 : i32
      %select_n3A_356 = arith.select %and3A_354, %add3A_355, %rem3A_346 : i32
      %eq3A_357 = arith.constant 0 : i32
      %eq3A_358 = arith.cmpi eq, %select_n3A_356, %eq3A_357 : i32
      %and3A_359 = arith.andi %gt3A_340, %eq3A_358 : i1
      %convert_element_type3A_360 = arith.extui %and3A_359 : i1 to i32
      %cond3A_361 = arith.constant 0 : i32
      %cond3A_362 = arith.cmpi ne, %convert_element_type3A_360, %cond3A_361 : i32
      scf.if %cond3A_362 {
        %mul3A_500 = arith.constant 2 : i32
        %mul3A_501 = arith.muli %add3A, %mul3A_500 : i32
        %jit3A_502 = arith.constant 8 : i32
        %div3A_503 = arith.divsi %add3A_331, %jit3A_502 : i32
        %sign3A_504 = arith.constant 0 : i32
        %sign3A_505 = arith.cmpi sgt, %add3A_331, %sign3A_504 : i32
        %sign3A_506 = arith.extui %sign3A_505 : i1 to i32
        %sign3A_507 = arith.constant 0 : i32
        %sign3A_508 = arith.cmpi slt, %add3A_331, %sign3A_507 : i32
        %sign3A_509 = arith.extui %sign3A_508 : i1 to i32
        %sign3A_510 = arith.subi %sign3A_506, %sign3A_509 : i32
        %sign3A_511 = arith.constant 0 : i32
        %sign3A_512 = arith.cmpi sgt, %jit3A_502, %sign3A_511 : i32
        %sign3A_513 = arith.extui %sign3A_512 : i1 to i32
        %sign3A_514 = arith.constant 0 : i32
        %sign3A_515 = arith.cmpi slt, %jit3A_502, %sign3A_514 : i32
        %sign3A_516 = arith.extui %sign3A_515 : i1 to i32
        %sign3A_517 = arith.subi %sign3A_513, %sign3A_516 : i32
        %ne3A_518 = arith.cmpi ne, %sign3A_510, %sign3A_517 : i32
        %rem3A_519 = arith.remsi %add3A_331, %jit3A_502 : i32
        %ne3A_520 = arith.constant 0 : i32
        %ne3A_521 = arith.cmpi ne, %rem3A_519, %ne3A_520 : i32
        %and3A_522 = arith.andi %ne3A_518, %ne3A_521 : i1
        %sub3A_523 = arith.constant 1 : i32
        %sub3A_524 = arith.subi %div3A_503, %sub3A_523 : i32
        %select_n3A_525 = arith.select %and3A_522, %sub3A_524, %div3A_503 : i32
        %add3A_526 = arith.addi %mul3A_501, %select_n3A_525 : i32
        "tpu.region"() ({
          %run_scoped3A = tpu.sem_alloc : memref<!tpu.dma_semaphore, #tpu.memory_space<semaphore_mem>>
          %dma_start3A_527 = arith.constant 0 : i32
          %dma_start3A_528 = tpu.memref_slice %arg5[%add3A_526, %dma_start3A_527] : memref<64x100000xf32, #tpu.memory_space<hbm>> -> memref<1x100000xf32, #tpu.memory_space<hbm>>
          %dma_start3A_529 = tpu.memref_squeeze %dma_start3A_528 : memref<1x100000xf32, #tpu.memory_space<hbm>> -> memref<100000xf32, #tpu.memory_space<hbm>>
          %dma_start3A_530 = arith.constant 0 : i32
          %dma_start3A_531 = tpu.memref_slice %arg5[%add3A_526, %dma_start3A_530] : memref<64x100000xf32, #tpu.memory_space<hbm>> -> memref<1x100000xf32, #tpu.memory_space<hbm>>
          %dma_start3A_532 = tpu.memref_squeeze %dma_start3A_531 : memref<1x100000xf32, #tpu.memory_space<hbm>> -> memref<100000xf32, #tpu.memory_space<hbm>>
          tpu.enqueue_dma source(%dma_start3A_532 : memref<100000xf32, #tpu.memory_space<hbm>>) target(%arg10 : memref<100000xf32, #tpu.memory_space<vmem>>) target_semaphore(%run_scoped3A : memref<!tpu.dma_semaphore, #tpu.memory_space<semaphore_mem>>)
          %dma_wait3A_533 = arith.constant 0 : i32
          %dma_wait3A_534 = tpu.memref_slice %arg5[%add3A_526, %dma_wait3A_533] : memref<64x100000xf32, #tpu.memory_space<hbm>> -> memref<1x100000xf32, #tpu.memory_space<hbm>>
          %dma_wait3A_535 = tpu.memref_squeeze %dma_wait3A_534 : memref<1x100000xf32, #tpu.memory_space<hbm>> -> memref<100000xf32, #tpu.memory_space<hbm>>
          %dma_wait3A_536 = arith.constant 0 : i32
          %dma_wait3A_537 = tpu.memref_slice %arg5[%add3A_526, %dma_wait3A_536] : memref<64x100000xf32, #tpu.memory_space<hbm>> -> memref<1x100000xf32, #tpu.memory_space<hbm>>
          %dma_wait3A_538 = tpu.memref_squeeze %dma_wait3A_537 : memref<1x100000xf32, #tpu.memory_space<hbm>> -> memref<100000xf32, #tpu.memory_space<hbm>>
          tpu.wait_dma2 semaphore(%run_scoped3A : memref<!tpu.dma_semaphore, #tpu.memory_space<semaphore_mem>>) src(%dma_wait3A_538 : memref<100000xf32, #tpu.memory_space<hbm>>) dst(%arg10 : memref<100000xf32, #tpu.memory_space<vmem>>)
          tpu.yield
        }) : () -> ()
        "tpu.region"() ({
          %run_scoped3A = tpu.sem_alloc : memref<!tpu.dma_semaphore, #tpu.memory_space<semaphore_mem>>
          %dma_start3A_527 = arith.constant 0 : i32
          %dma_start3A_528 = tpu.memref_slice %arg6[%add3A_526, %dma_start3A_527] : memref<64x1000xf32, #tpu.memory_space<hbm>> -> memref<1x1000xf32, #tpu.memory_space<hbm>>
          %dma_start3A_529 = tpu.memref_squeeze %dma_start3A_528 : memref<1x1000xf32, #tpu.memory_space<hbm>> -> memref<1000xf32, #tpu.memory_space<hbm>>
          %dma_start3A_530 = arith.constant 0 : i32
          %dma_start3A_531 = tpu.memref_slice %arg6[%add3A_526, %dma_start3A_530] : memref<64x1000xf32, #tpu.memory_space<hbm>> -> memref<1x1000xf32, #tpu.memory_space<hbm>>
          %dma_start3A_532 = tpu.memref_squeeze %dma_start3A_531 : memref<1x1000xf32, #tpu.memory_space<hbm>> -> memref<1000xf32, #tpu.memory_space<hbm>>
          tpu.enqueue_dma source(%dma_start3A_532 : memref<1000xf32, #tpu.memory_space<hbm>>) target(%arg11 : memref<1000xf32, #tpu.memory_space<vmem>>) target_semaphore(%run_scoped3A : memref<!tpu.dma_semaphore, #tpu.memory_space<semaphore_mem>>)
          %dma_wait3A_533 = arith.constant 0 : i32
          %dma_wait3A_534 = tpu.memref_slice %arg6[%add3A_526, %dma_wait3A_533] : memref<64x1000xf32, #tpu.memory_space<hbm>> -> memref<1x1000xf32, #tpu.memory_space<hbm>>
          %dma_wait3A_535 = tpu.memref_squeeze %dma_wait3A_534 : memref<1x1000xf32, #tpu.memory_space<hbm>> -> memref<1000xf32, #tpu.memory_space<hbm>>
          %dma_wait3A_536 = arith.constant 0 : i32
          %dma_wait3A_537 = tpu.memref_slice %arg6[%add3A_526, %dma_wait3A_536] : memref<64x1000xf32, #tpu.memory_space<hbm>> -> memref<1x1000xf32, #tpu.memory_space<hbm>>
          %dma_wait3A_538 = tpu.memref_squeeze %dma_wait3A_537 : memref<1x1000xf32, #tpu.memory_space<hbm>> -> memref<1000xf32, #tpu.memory_space<hbm>>
          tpu.wait_dma2 semaphore(%run_scoped3A : memref<!tpu.dma_semaphore, #tpu.memory_space<semaphore_mem>>) src(%dma_wait3A_538 : memref<1000xf32, #tpu.memory_space<hbm>>) dst(%arg11 : memref<1000xf32, #tpu.memory_space<vmem>>)
          tpu.yield
        }) : () -> ()
      } else {
      }
      %dma_wait3A_363 = arith.constant 1 : i32
      %dma_wait3A_364 = arith.constant 1 : i32
      %dma_wait3A_365 = arith.constant 0 : i32
      %dma_wait3A_366 = tpu.memref_slice %arg12[%dma_wait3A_363, %dma_wait3A_365] : memref<2x2048xi32, #tpu.memory_space<vmem>> -> memref<1x2048xi32, #tpu.memory_space<vmem>>
      %dma_wait3A_367 = tpu.memref_squeeze %dma_wait3A_366 : memref<1x2048xi32, #tpu.memory_space<vmem>> -> memref<2048xi32, #tpu.memory_space<vmem>>
      %dma_wait3A_368 = arith.constant 0 : i32
      %dma_wait3A_369 = tpu.memref_slice %arg21[%dma_wait3A_368] : memref<49152xi32, #tpu.memory_space<vmem_shared>> -> memref<2048xi32, #tpu.memory_space<vmem_shared>>
      %dma_wait3A_370 = tpu.memref_slice %arg18[%dma_wait3A_364] : memref<2x!tpu.dma_semaphore, #tpu.memory_space<semaphore_mem>> -> memref<1x!tpu.dma_semaphore, #tpu.memory_space<semaphore_mem>>
      %dma_wait3A_371 = tpu.memref_squeeze %dma_wait3A_370 : memref<1x!tpu.dma_semaphore, #tpu.memory_space<semaphore_mem>> -> memref<!tpu.dma_semaphore, #tpu.memory_space<semaphore_mem>>
      %dma_wait3A_372 = arith.constant 0 : i32
      %dma_wait3A_373 = tpu.memref_slice %arg12[%dma_wait3A_363, %dma_wait3A_372] : memref<2x2048xi32, #tpu.memory_space<vmem>> -> memref<1x2048xi32, #tpu.memory_space<vmem>>
      %dma_wait3A_374 = tpu.memref_squeeze %dma_wait3A_373 : memref<1x2048xi32, #tpu.memory_space<vmem>> -> memref<2048xi32, #tpu.memory_space<vmem>>
      %dma_wait3A_375 = arith.constant 0 : i32
      %dma_wait3A_376 = tpu.memref_slice %arg21[%dma_wait3A_375] : memref<49152xi32, #tpu.memory_space<vmem_shared>> -> memref<2048xi32, #tpu.memory_space<vmem_shared>>
      tpu.wait_dma2 semaphore(%dma_wait3A_371 : memref<!tpu.dma_semaphore, #tpu.memory_space<semaphore_mem>>) src(%dma_wait3A_376 : memref<2048xi32, #tpu.memory_space<vmem_shared>>) dst(%dma_wait3A_374 : memref<2048xi32, #tpu.memory_space<vmem>>)
      %dma_wait3A_377 = arith.constant 1 : i32
      %dma_wait3A_378 = arith.constant 1 : i32
      %dma_wait3A_379 = arith.constant 0 : i32
      %dma_wait3A_380 = tpu.memref_slice %arg13[%dma_wait3A_377, %dma_wait3A_379] : memref<2x2048xi32, #tpu.memory_space<vmem>> -> memref<1x2048xi32, #tpu.memory_space<vmem>>
      %dma_wait3A_381 = tpu.memref_squeeze %dma_wait3A_380 : memref<1x2048xi32, #tpu.memory_space<vmem>> -> memref<2048xi32, #tpu.memory_space<vmem>>
      %dma_wait3A_382 = arith.constant 0 : i32
      %dma_wait3A_383 = tpu.memref_slice %arg21[%dma_wait3A_382] : memref<49152xi32, #tpu.memory_space<vmem_shared>> -> memref<2048xi32, #tpu.memory_space<vmem_shared>>
      %dma_wait3A_384 = tpu.memref_slice %arg18[%dma_wait3A_378] : memref<2x!tpu.dma_semaphore, #tpu.memory_space<semaphore_mem>> -> memref<1x!tpu.dma_semaphore, #tpu.memory_space<semaphore_mem>>
      %dma_wait3A_385 = tpu.memref_squeeze %dma_wait3A_384 : memref<1x!tpu.dma_semaphore, #tpu.memory_space<semaphore_mem>> -> memref<!tpu.dma_semaphore, #tpu.memory_space<semaphore_mem>>
      %dma_wait3A_386 = arith.constant 0 : i32
      %dma_wait3A_387 = tpu.memref_slice %arg13[%dma_wait3A_377, %dma_wait3A_386] : memref<2x2048xi32, #tpu.memory_space<vmem>> -> memref<1x2048xi32, #tpu.memory_space<vmem>>
      %dma_wait3A_388 = tpu.memref_squeeze %dma_wait3A_387 : memref<1x2048xi32, #tpu.memory_space<vmem>> -> memref<2048xi32, #tpu.memory_space<vmem>>
      %dma_wait3A_389 = arith.constant 0 : i32
      %dma_wait3A_390 = tpu.memref_slice %arg21[%dma_wait3A_389] : memref<49152xi32, #tpu.memory_space<vmem_shared>> -> memref<2048xi32, #tpu.memory_space<vmem_shared>>
      tpu.wait_dma2 semaphore(%dma_wait3A_385 : memref<!tpu.dma_semaphore, #tpu.memory_space<semaphore_mem>>) src(%dma_wait3A_390 : memref<2048xi32, #tpu.memory_space<vmem_shared>>) dst(%dma_wait3A_388 : memref<2048xi32, #tpu.memory_space<vmem>>)
      %dma_wait3A_391 = arith.constant 1 : i32
      %dma_wait3A_392 = arith.constant 1 : i32
      %dma_wait3A_393 = arith.constant 0 : i32
      %dma_wait3A_394 = tpu.memref_slice %arg14[%dma_wait3A_391, %dma_wait3A_393] : memref<2x2048xi32, #tpu.memory_space<vmem>> -> memref<1x2048xi32, #tpu.memory_space<vmem>>
      %dma_wait3A_395 = tpu.memref_squeeze %dma_wait3A_394 : memref<1x2048xi32, #tpu.memory_space<vmem>> -> memref<2048xi32, #tpu.memory_space<vmem>>
      %dma_wait3A_396 = arith.constant 0 : i32
      %dma_wait3A_397 = tpu.memref_slice %arg21[%dma_wait3A_396] : memref<49152xi32, #tpu.memory_space<vmem_shared>> -> memref<2048xi32, #tpu.memory_space<vmem_shared>>
      %dma_wait3A_398 = tpu.memref_slice %arg18[%dma_wait3A_392] : memref<2x!tpu.dma_semaphore, #tpu.memory_space<semaphore_mem>> -> memref<1x!tpu.dma_semaphore, #tpu.memory_space<semaphore_mem>>
      %dma_wait3A_399 = tpu.memref_squeeze %dma_wait3A_398 : memref<1x!tpu.dma_semaphore, #tpu.memory_space<semaphore_mem>> -> memref<!tpu.dma_semaphore, #tpu.memory_space<semaphore_mem>>
      %dma_wait3A_400 = arith.constant 0 : i32
      %dma_wait3A_401 = tpu.memref_slice %arg14[%dma_wait3A_391, %dma_wait3A_400] : memref<2x2048xi32, #tpu.memory_space<vmem>> -> memref<1x2048xi32, #tpu.memory_space<vmem>>
      %dma_wait3A_402 = tpu.memref_squeeze %dma_wait3A_401 : memref<1x2048xi32, #tpu.memory_space<vmem>> -> memref<2048xi32, #tpu.memory_space<vmem>>
      %dma_wait3A_403 = arith.constant 0 : i32
      %dma_wait3A_404 = tpu.memref_slice %arg21[%dma_wait3A_403] : memref<49152xi32, #tpu.memory_space<vmem_shared>> -> memref<2048xi32, #tpu.memory_space<vmem_shared>>
      tpu.wait_dma2 semaphore(%dma_wait3A_399 : memref<!tpu.dma_semaphore, #tpu.memory_space<semaphore_mem>>) src(%dma_wait3A_404 : memref<2048xi32, #tpu.memory_space<vmem_shared>>) dst(%dma_wait3A_402 : memref<2048xi32, #tpu.memory_space<vmem>>)
      %ge3A_405 = arith.constant 2 : i32
      %ge3A_406 = arith.cmpi sge, %add3A_331, %ge3A_405 : i32
      %convert_element_type3A_407 = arith.extui %ge3A_406 : i1 to i32
      %cond3A_408 = arith.constant 0 : i32
      %cond3A_409 = arith.cmpi ne, %convert_element_type3A_407, %cond3A_408 : i32
      scf.if %cond3A_409 {
        %mul3A_500 = arith.constant 2 : i32
        %mul3A_501 = arith.muli %add3A, %mul3A_500 : i32
        %dma_wait3A_502 = arith.constant 1 : i32
        %dma_wait3A_503 = arith.constant 1 : i32
        %dma_wait3A_504 = arith.constant 0 : i32
        %dma_wait3A_505 = tpu.memref_slice %arg15[%dma_wait3A_502, %dma_wait3A_504] : memref<2x2048xf32, #tpu.memory_space<vmem>> -> memref<1x2048xf32, #tpu.memory_space<vmem>>
        %dma_wait3A_506 = tpu.memref_squeeze %dma_wait3A_505 : memref<1x2048xf32, #tpu.memory_space<vmem>> -> memref<2048xf32, #tpu.memory_space<vmem>>
        %dma_wait3A_507 = arith.constant 0 : i32
        %dma_wait3A_508 = tpu.memref_slice %arg7[%mul3A_501, %dma_wait3A_507] : memref<64x16384xf32, #tpu.memory_space<hbm>> -> memref<1x2048xf32, #tpu.memory_space<hbm>>
        %dma_wait3A_509 = tpu.memref_squeeze %dma_wait3A_508 : memref<1x2048xf32, #tpu.memory_space<hbm>> -> memref<2048xf32, #tpu.memory_space<hbm>>
        %dma_wait3A_510 = tpu.memref_slice %arg19[%dma_wait3A_503] : memref<2x!tpu.dma_semaphore, #tpu.memory_space<semaphore_mem>> -> memref<1x!tpu.dma_semaphore, #tpu.memory_space<semaphore_mem>>
        %dma_wait3A_511 = tpu.memref_squeeze %dma_wait3A_510 : memref<1x!tpu.dma_semaphore, #tpu.memory_space<semaphore_mem>> -> memref<!tpu.dma_semaphore, #tpu.memory_space<semaphore_mem>>
        %dma_wait3A_512 = arith.constant 0 : i32
        %dma_wait3A_513 = tpu.memref_slice %arg7[%mul3A_501, %dma_wait3A_512] : memref<64x16384xf32, #tpu.memory_space<hbm>> -> memref<1x2048xf32, #tpu.memory_space<hbm>>
        %dma_wait3A_514 = tpu.memref_squeeze %dma_wait3A_513 : memref<1x2048xf32, #tpu.memory_space<hbm>> -> memref<2048xf32, #tpu.memory_space<hbm>>
        %dma_wait3A_515 = arith.constant 0 : i32
        %dma_wait3A_516 = tpu.memref_slice %arg15[%dma_wait3A_502, %dma_wait3A_515] : memref<2x2048xf32, #tpu.memory_space<vmem>> -> memref<1x2048xf32, #tpu.memory_space<vmem>>
        %dma_wait3A_517 = tpu.memref_squeeze %dma_wait3A_516 : memref<1x2048xf32, #tpu.memory_space<vmem>> -> memref<2048xf32, #tpu.memory_space<vmem>>
        tpu.wait_dma2 semaphore(%dma_wait3A_511 : memref<!tpu.dma_semaphore, #tpu.memory_space<semaphore_mem>>) src(%dma_wait3A_517 : memref<2048xf32, #tpu.memory_space<vmem>>) dst(%dma_wait3A_514 : memref<2048xf32, #tpu.memory_space<hbm>>)
        %dma_wait3A_518 = arith.constant 1 : i32
        %dma_wait3A_519 = arith.constant 1 : i32
        %dma_wait3A_520 = arith.constant 0 : i32
        %dma_wait3A_521 = tpu.memref_slice %arg16[%dma_wait3A_518, %dma_wait3A_520] : memref<2x2048xf32, #tpu.memory_space<vmem>> -> memref<1x2048xf32, #tpu.memory_space<vmem>>
        %dma_wait3A_522 = tpu.memref_squeeze %dma_wait3A_521 : memref<1x2048xf32, #tpu.memory_space<vmem>> -> memref<2048xf32, #tpu.memory_space<vmem>>
        %dma_wait3A_523 = arith.constant 0 : i32
        %dma_wait3A_524 = tpu.memref_slice %arg8[%mul3A_501, %dma_wait3A_523] : memref<64x16384xf32, #tpu.memory_space<hbm>> -> memref<1x2048xf32, #tpu.memory_space<hbm>>
        %dma_wait3A_525 = tpu.memref_squeeze %dma_wait3A_524 : memref<1x2048xf32, #tpu.memory_space<hbm>> -> memref<2048xf32, #tpu.memory_space<hbm>>
        %dma_wait3A_526 = tpu.memref_slice %arg19[%dma_wait3A_519] : memref<2x!tpu.dma_semaphore, #tpu.memory_space<semaphore_mem>> -> memref<1x!tpu.dma_semaphore, #tpu.memory_space<semaphore_mem>>
        %dma_wait3A_527 = tpu.memref_squeeze %dma_wait3A_526 : memref<1x!tpu.dma_semaphore, #tpu.memory_space<semaphore_mem>> -> memref<!tpu.dma_semaphore, #tpu.memory_space<semaphore_mem>>
        %dma_wait3A_528 = arith.constant 0 : i32
        %dma_wait3A_529 = tpu.memref_slice %arg8[%mul3A_501, %dma_wait3A_528] : memref<64x16384xf32, #tpu.memory_space<hbm>> -> memref<1x2048xf32, #tpu.memory_space<hbm>>
        %dma_wait3A_530 = tpu.memref_squeeze %dma_wait3A_529 : memref<1x2048xf32, #tpu.memory_space<hbm>> -> memref<2048xf32, #tpu.memory_space<hbm>>
        %dma_wait3A_531 = arith.constant 0 : i32
        %dma_wait3A_532 = tpu.memref_slice %arg16[%dma_wait3A_518, %dma_wait3A_531] : memref<2x2048xf32, #tpu.memory_space<vmem>> -> memref<1x2048xf32, #tpu.memory_space<vmem>>
        %dma_wait3A_533 = tpu.memref_squeeze %dma_wait3A_532 : memref<1x2048xf32, #tpu.memory_space<vmem>> -> memref<2048xf32, #tpu.memory_space<vmem>>
        tpu.wait_dma2 semaphore(%dma_wait3A_527 : memref<!tpu.dma_semaphore, #tpu.memory_space<semaphore_mem>>) src(%dma_wait3A_533 : memref<2048xf32, #tpu.memory_space<vmem>>) dst(%dma_wait3A_530 : memref<2048xf32, #tpu.memory_space<hbm>>)
        %dma_wait3A_534 = arith.constant 1 : i32
        %dma_wait3A_535 = arith.constant 1 : i32
        %dma_wait3A_536 = arith.constant 0 : i32
        %dma_wait3A_537 = tpu.memref_slice %arg17[%dma_wait3A_534, %dma_wait3A_536] : memref<2x2048xf32, #tpu.memory_space<vmem>> -> memref<1x2048xf32, #tpu.memory_space<vmem>>
        %dma_wait3A_538 = tpu.memref_squeeze %dma_wait3A_537 : memref<1x2048xf32, #tpu.memory_space<vmem>> -> memref<2048xf32, #tpu.memory_space<vmem>>
        %dma_wait3A_539 = arith.constant 0 : i32
        %dma_wait3A_540 = tpu.memref_slice %arg9[%mul3A_501, %dma_wait3A_539] : memref<64x16384xf32, #tpu.memory_space<hbm>> -> memref<1x2048xf32, #tpu.memory_space<hbm>>
        %dma_wait3A_541 = tpu.memref_squeeze %dma_wait3A_540 : memref<1x2048xf32, #tpu.memory_space<hbm>> -> memref<2048xf32, #tpu.memory_space<hbm>>
        %dma_wait3A_542 = tpu.memref_slice %arg19[%dma_wait3A_535] : memref<2x!tpu.dma_semaphore, #tpu.memory_space<semaphore_mem>> -> memref<1x!tpu.dma_semaphore, #tpu.memory_space<semaphore_mem>>
        %dma_wait3A_543 = tpu.memref_squeeze %dma_wait3A_542 : memref<1x!tpu.dma_semaphore, #tpu.memory_space<semaphore_mem>> -> memref<!tpu.dma_semaphore, #tpu.memory_space<semaphore_mem>>
        %dma_wait3A_544 = arith.constant 0 : i32
        %dma_wait3A_545 = tpu.memref_slice %arg9[%mul3A_501, %dma_wait3A_544] : memref<64x16384xf32, #tpu.memory_space<hbm>> -> memref<1x2048xf32, #tpu.memory_space<hbm>>
        %dma_wait3A_546 = tpu.memref_squeeze %dma_wait3A_545 : memref<1x2048xf32, #tpu.memory_space<hbm>> -> memref<2048xf32, #tpu.memory_space<hbm>>
        %dma_wait3A_547 = arith.constant 0 : i32
        %dma_wait3A_548 = tpu.memref_slice %arg17[%dma_wait3A_534, %dma_wait3A_547] : memref<2x2048xf32, #tpu.memory_space<vmem>> -> memref<1x2048xf32, #tpu.memory_space<vmem>>
        %dma_wait3A_549 = tpu.memref_squeeze %dma_wait3A_548 : memref<1x2048xf32, #tpu.memory_space<vmem>> -> memref<2048xf32, #tpu.memory_space<vmem>>
        tpu.wait_dma2 semaphore(%dma_wait3A_543 : memref<!tpu.dma_semaphore, #tpu.memory_space<semaphore_mem>>) src(%dma_wait3A_549 : memref<2048xf32, #tpu.memory_space<vmem>>) dst(%dma_wait3A_546 : memref<2048xf32, #tpu.memory_space<hbm>>)
      } else {
      }
      %parallel_loop3A_410 = arith.constant 0 : i32
      %parallel_loop3A_411 = arith.constant 2048 : i32
      %parallel_loop3A_412 = arith.constant 16 : i32
      scf.for %parallel_loop3A_500 = %parallel_loop3A_410 to %parallel_loop3A_411 step %parallel_loop3A_412  : i32 {
        %parallel_loop3A_501 = arith.constant 1 : i32
        %parallel_loop3A_502 = arith.index_cast %parallel_loop3A_501 : i32 to index
        %parallel_loop3A_503 = arith.index_cast %parallel_loop3A_500 : i32 to index
        %parallel_loop3A_504 = tpu.vector_load %arg12[%parallel_loop3A_502, %parallel_loop3A_503] {strides = array<i32>} : memref<2x2048xi32, #tpu.memory_space<vmem>>, vector<16xi32>,
        %parallel_loop3A_505 = tpu.vector_load_idx %arg10[%parallel_loop3A_504] : memref<100000xf32, #tpu.memory_space<vmem>>[vector<16xi32>], vector<16xf32>,
        %parallel_loop3A_506 = arith.constant 1 : i32
        %parallel_loop3A_507 = arith.index_cast %parallel_loop3A_506 : i32 to index
        %parallel_loop3A_508 = arith.index_cast %parallel_loop3A_500 : i32 to index
        %parallel_loop3A_509 = tpu.vector_load %arg15[%parallel_loop3A_507, %parallel_loop3A_508] {strides = array<i32>} : memref<2x2048xf32, #tpu.memory_space<vmem>>, vector<16xf32>,
        tpu.vector_store %arg15[%parallel_loop3A_507, %parallel_loop3A_508], %parallel_loop3A_505 {strides = array<i32>} : memref<2x2048xf32, #tpu.memory_space<vmem>>, vector<16xf32>,
        %parallel_loop3A_510 = arith.constant 1 : i32
        %parallel_loop3A_511 = arith.index_cast %parallel_loop3A_510 : i32 to index
        %parallel_loop3A_512 = arith.index_cast %parallel_loop3A_500 : i32 to index
        %parallel_loop3A_513 = tpu.vector_load %arg13[%parallel_loop3A_511, %parallel_loop3A_512] {strides = array<i32>} : memref<2x2048xi32, #tpu.memory_space<vmem>>, vector<16xi32>,
        %parallel_loop3A_514 = tpu.vector_load_idx %arg10[%parallel_loop3A_513] : memref<100000xf32, #tpu.memory_space<vmem>>[vector<16xi32>], vector<16xf32>,
        %parallel_loop3A_515 = arith.constant 1 : i32
        %parallel_loop3A_516 = arith.index_cast %parallel_loop3A_515 : i32 to index
        %parallel_loop3A_517 = arith.index_cast %parallel_loop3A_500 : i32 to index
        %parallel_loop3A_518 = tpu.vector_load %arg16[%parallel_loop3A_516, %parallel_loop3A_517] {strides = array<i32>} : memref<2x2048xf32, #tpu.memory_space<vmem>>, vector<16xf32>,
        tpu.vector_store %arg16[%parallel_loop3A_516, %parallel_loop3A_517], %parallel_loop3A_514 {strides = array<i32>} : memref<2x2048xf32, #tpu.memory_space<vmem>>, vector<16xf32>,
        %parallel_loop3A_519 = arith.constant 1 : i32
        %parallel_loop3A_520 = arith.index_cast %parallel_loop3A_519 : i32 to index
        %parallel_loop3A_521 = arith.index_cast %parallel_loop3A_500 : i32 to index
        %parallel_loop3A_522 = tpu.vector_load %arg14[%parallel_loop3A_520, %parallel_loop3A_521] {strides = array<i32>} : memref<2x2048xi32, #tpu.memory_space<vmem>>, vector<16xi32>,
        %parallel_loop3A_523 = tpu.vector_load_idx %arg11[%parallel_loop3A_522] : memref<1000xf32, #tpu.memory_space<vmem>>[vector<16xi32>], vector<16xf32>,
        %parallel_loop3A_524 = arith.constant 1 : i32
        %parallel_loop3A_525 = arith.index_cast %parallel_loop3A_524 : i32 to index
        %parallel_loop3A_526 = arith.index_cast %parallel_loop3A_500 : i32 to index
        %parallel_loop3A_527 = tpu.vector_load %arg17[%parallel_loop3A_525, %parallel_loop3A_526] {strides = array<i32>} : memref<2x2048xf32, #tpu.memory_space<vmem>>, vector<16xf32>,
        tpu.vector_store %arg17[%parallel_loop3A_525, %parallel_loop3A_526], %parallel_loop3A_523 {strides = array<i32>} : memref<2x2048xf32, #tpu.memory_space<vmem>>, vector<16xf32>,
      } {sc.loop_unroll_factor = 16 : i64, sc.parallel_access}
      %mul3A_413 = arith.constant 2 : i32
      %mul3A_414 = arith.muli %add3A, %mul3A_413 : i32
      %jit3A_415 = arith.constant 8 : i32
      %div3A_416 = arith.divsi %add3A_331, %jit3A_415 : i32
      %sign3A_417 = arith.constant 0 : i32
      %sign3A_418 = arith.cmpi sgt, %add3A_331, %sign3A_417 : i32
      %sign3A_419 = arith.extui %sign3A_418 : i1 to i32
      %sign3A_420 = arith.constant 0 : i32
      %sign3A_421 = arith.cmpi slt, %add3A_331, %sign3A_420 : i32
      %sign3A_422 = arith.extui %sign3A_421 : i1 to i32
      %sign3A_423 = arith.subi %sign3A_419, %sign3A_422 : i32
      %sign3A_424 = arith.constant 0 : i32
      %sign3A_425 = arith.cmpi sgt, %jit3A_415, %sign3A_424 : i32
      %sign3A_426 = arith.extui %sign3A_425 : i1 to i32
      %sign3A_427 = arith.constant 0 : i32
      %sign3A_428 = arith.cmpi slt, %jit3A_415, %sign3A_427 : i32
      %sign3A_429 = arith.extui %sign3A_428 : i1 to i32
      %sign3A_430 = arith.subi %sign3A_426, %sign3A_429 : i32
      %ne3A_431 = arith.cmpi ne, %sign3A_423, %sign3A_430 : i32
      %rem3A_432 = arith.remsi %add3A_331, %jit3A_415 : i32
      %ne3A_433 = arith.constant 0 : i32
      %ne3A_434 = arith.cmpi ne, %rem3A_432, %ne3A_433 : i32
      %and3A_435 = arith.andi %ne3A_431, %ne3A_434 : i1
      %sub3A_436 = arith.constant 1 : i32
      %sub3A_437 = arith.subi %div3A_416, %sub3A_436 : i32
      %select_n3A_438 = arith.select %and3A_435, %sub3A_437, %div3A_416 : i32
      %add3A_439 = arith.addi %mul3A_414, %select_n3A_438 : i32
      %jit3A_440 = arith.constant 8 : i32
      %eq3A_441 = arith.constant 0 : i32
      %eq3A_442 = arith.cmpi eq, %jit3A_440, %eq3A_441 : i32
      %jit3A_443 = arith.constant 1 : i32
      %select_n3A_444 = arith.select %eq3A_442, %jit3A_443, %jit3A_440 : i32
      %rem3A_445 = arith.remsi %add3A_331, %select_n3A_444 : i32
      %ne3A_446 = arith.constant 0 : i32
      %ne3A_447 = arith.cmpi ne, %rem3A_445, %ne3A_446 : i32
      %lt3A_448 = arith.constant 0 : i32
      %lt3A_449 = arith.cmpi slt, %rem3A_445, %lt3A_448 : i32
      %lt3A_450 = arith.constant 0 : i32
      %lt3A_451 = arith.cmpi slt, %select_n3A_444, %lt3A_450 : i32
      %ne3A_452 = arith.xori %lt3A_449, %lt3A_451 : i1
      %and3A_453 = arith.andi %ne3A_452, %ne3A_447 : i1
      %add3A_454 = arith.addi %rem3A_445, %select_n3A_444 : i32
      %select_n3A_455 = arith.select %and3A_453, %add3A_454, %rem3A_445 : i32
      %mul3A_456 = arith.constant 2048 : i32
      %mul3A_457 = arith.muli %select_n3A_455, %mul3A_456 : i32
      %dma_start3A_458 = arith.constant 1 : i32
      %dma_start3A_459 = arith.constant 1 : i32
      %dma_start3A_460 = arith.constant 0 : i32
      %dma_start3A_461 = tpu.memref_slice %arg15[%dma_start3A_458, %dma_start3A_460] : memref<2x2048xf32, #tpu.memory_space<vmem>> -> memref<1x2048xf32, #tpu.memory_space<vmem>>
      %dma_start3A_462 = tpu.memref_squeeze %dma_start3A_461 : memref<1x2048xf32, #tpu.memory_space<vmem>> -> memref<2048xf32, #tpu.memory_space<vmem>>
      %dma_start3A_463 = tpu.memref_slice %arg7[%add3A_439, %mul3A_457] : memref<64x16384xf32, #tpu.memory_space<hbm>> -> memref<1x2048xf32, #tpu.memory_space<hbm>>
      %dma_start3A_464 = tpu.memref_squeeze %dma_start3A_463 : memref<1x2048xf32, #tpu.memory_space<hbm>> -> memref<2048xf32, #tpu.memory_space<hbm>>
      %dma_start3A_465 = tpu.memref_slice %arg19[%dma_start3A_459] : memref<2x!tpu.dma_semaphore, #tpu.memory_space<semaphore_mem>> -> memref<1x!tpu.dma_semaphore, #tpu.memory_space<semaphore_mem>>
      %dma_start3A_466 = tpu.memref_squeeze %dma_start3A_465 : memref<1x!tpu.dma_semaphore, #tpu.memory_space<semaphore_mem>> -> memref<!tpu.dma_semaphore, #tpu.memory_space<semaphore_mem>>
      %dma_start3A_467 = tpu.memref_slice %arg7[%add3A_439, %mul3A_457] : memref<64x16384xf32, #tpu.memory_space<hbm>> -> memref<1x2048xf32, #tpu.memory_space<hbm>>
      %dma_start3A_468 = tpu.memref_squeeze %dma_start3A_467 : memref<1x2048xf32, #tpu.memory_space<hbm>> -> memref<2048xf32, #tpu.memory_space<hbm>>
      %dma_start3A_469 = arith.constant 0 : i32
      %dma_start3A_470 = tpu.memref_slice %arg15[%dma_start3A_458, %dma_start3A_469] : memref<2x2048xf32, #tpu.memory_space<vmem>> -> memref<1x2048xf32, #tpu.memory_space<vmem>>
      %dma_start3A_471 = tpu.memref_squeeze %dma_start3A_470 : memref<1x2048xf32, #tpu.memory_space<vmem>> -> memref<2048xf32, #tpu.memory_space<vmem>>
      tpu.enqueue_dma source(%dma_start3A_471 : memref<2048xf32, #tpu.memory_space<vmem>>) target(%dma_start3A_468 : memref<2048xf32, #tpu.memory_space<hbm>>) target_semaphore(%dma_start3A_466 : memref<!tpu.dma_semaphore, #tpu.memory_space<semaphore_mem>>)
      %dma_start3A_472 = arith.constant 1 : i32
      %dma_start3A_473 = arith.constant 1 : i32
      %dma_start3A_474 = arith.constant 0 : i32
      %dma_start3A_475 = tpu.memref_slice %arg16[%dma_start3A_472, %dma_start3A_474] : memref<2x2048xf32, #tpu.memory_space<vmem>> -> memref<1x2048xf32, #tpu.memory_space<vmem>>
      %dma_start3A_476 = tpu.memref_squeeze %dma_start3A_475 : memref<1x2048xf32, #tpu.memory_space<vmem>> -> memref<2048xf32, #tpu.memory_space<vmem>>
      %dma_start3A_477 = tpu.memref_slice %arg8[%add3A_439, %mul3A_457] : memref<64x16384xf32, #tpu.memory_space<hbm>> -> memref<1x2048xf32, #tpu.memory_space<hbm>>
      %dma_start3A_478 = tpu.memref_squeeze %dma_start3A_477 : memref<1x2048xf32, #tpu.memory_space<hbm>> -> memref<2048xf32, #tpu.memory_space<hbm>>
      %dma_start3A_479 = tpu.memref_slice %arg19[%dma_start3A_473] : memref<2x!tpu.dma_semaphore, #tpu.memory_space<semaphore_mem>> -> memref<1x!tpu.dma_semaphore, #tpu.memory_space<semaphore_mem>>
      %dma_start3A_480 = tpu.memref_squeeze %dma_start3A_479 : memref<1x!tpu.dma_semaphore, #tpu.memory_space<semaphore_mem>> -> memref<!tpu.dma_semaphore, #tpu.memory_space<semaphore_mem>>
      %dma_start3A_481 = tpu.memref_slice %arg8[%add3A_439, %mul3A_457] : memref<64x16384xf32, #tpu.memory_space<hbm>> -> memref<1x2048xf32, #tpu.memory_space<hbm>>
      %dma_start3A_482 = tpu.memref_squeeze %dma_start3A_481 : memref<1x2048xf32, #tpu.memory_space<hbm>> -> memref<2048xf32, #tpu.memory_space<hbm>>
      %dma_start3A_483 = arith.constant 0 : i32
      %dma_start3A_484 = tpu.memref_slice %arg16[%dma_start3A_472, %dma_start3A_483] : memref<2x2048xf32, #tpu.memory_space<vmem>> -> memref<1x2048xf32, #tpu.memory_space<vmem>>
      %dma_start3A_485 = tpu.memref_squeeze %dma_start3A_484 : memref<1x2048xf32, #tpu.memory_space<vmem>> -> memref<2048xf32, #tpu.memory_space<vmem>>
      tpu.enqueue_dma source(%dma_start3A_485 : memref<2048xf32, #tpu.memory_space<vmem>>) target(%dma_start3A_482 : memref<2048xf32, #tpu.memory_space<hbm>>) target_semaphore(%dma_start3A_480 : memref<!tpu.dma_semaphore, #tpu.memory_space<semaphore_mem>>)
      %dma_start3A_486 = arith.constant 1 : i32
      %dma_start3A_487 = arith.constant 1 : i32
      %dma_start3A_488 = arith.constant 0 : i32
      %dma_start3A_489 = tpu.memref_slice %arg17[%dma_start3A_486, %dma_start3A_488] : memref<2x2048xf32, #tpu.memory_space<vmem>> -> memref<1x2048xf32, #tpu.memory_space<vmem>>
      %dma_start3A_490 = tpu.memref_squeeze %dma_start3A_489 : memref<1x2048xf32, #tpu.memory_space<vmem>> -> memref<2048xf32, #tpu.memory_space<vmem>>
      %dma_start3A_491 = tpu.memref_slice %arg9[%add3A_439, %mul3A_457] : memref<64x16384xf32, #tpu.memory_space<hbm>> -> memref<1x2048xf32, #tpu.memory_space<hbm>>
      %dma_start3A_492 = tpu.memref_squeeze %dma_start3A_491 : memref<1x2048xf32, #tpu.memory_space<hbm>> -> memref<2048xf32, #tpu.memory_space<hbm>>
      %dma_start3A_493 = tpu.memref_slice %arg19[%dma_start3A_487] : memref<2x!tpu.dma_semaphore, #tpu.memory_space<semaphore_mem>> -> memref<1x!tpu.dma_semaphore, #tpu.memory_space<semaphore_mem>>
      %dma_start3A_494 = tpu.memref_squeeze %dma_start3A_493 : memref<1x!tpu.dma_semaphore, #tpu.memory_space<semaphore_mem>> -> memref<!tpu.dma_semaphore, #tpu.memory_space<semaphore_mem>>
      %dma_start3A_495 = tpu.memref_slice %arg9[%add3A_439, %mul3A_457] : memref<64x16384xf32, #tpu.memory_space<hbm>> -> memref<1x2048xf32, #tpu.memory_space<hbm>>
      %dma_start3A_496 = tpu.memref_squeeze %dma_start3A_495 : memref<1x2048xf32, #tpu.memory_space<hbm>> -> memref<2048xf32, #tpu.memory_space<hbm>>
      %dma_start3A_497 = arith.constant 0 : i32
      %dma_start3A_498 = tpu.memref_slice %arg17[%dma_start3A_486, %dma_start3A_497] : memref<2x2048xf32, #tpu.memory_space<vmem>> -> memref<1x2048xf32, #tpu.memory_space<vmem>>
      %dma_start3A_499 = tpu.memref_squeeze %dma_start3A_498 : memref<1x2048xf32, #tpu.memory_space<vmem>> -> memref<2048xf32, #tpu.memory_space<vmem>>
      tpu.enqueue_dma source(%dma_start3A_499 : memref<2048xf32, #tpu.memory_space<vmem>>) target(%dma_start3A_496 : memref<2048xf32, #tpu.memory_space<hbm>>) target_semaphore(%dma_start3A_494 : memref<!tpu.dma_semaphore, #tpu.memory_space<semaphore_mem>>)
    }
    %scan3A_69 = arith.constant 8 : i32
    %mul3A_70 = arith.constant 2 : i32
    %mul3A_71 = arith.muli %add3A, %mul3A_70 : i32
    %dma_wait3A_72 = arith.constant 0 : i32
    %dma_wait3A_73 = arith.constant 0 : i32
    %dma_wait3A_74 = arith.constant 0 : i32
    %dma_wait3A_75 = tpu.memref_slice %arg15[%dma_wait3A_72, %dma_wait3A_74] : memref<2x2048xf32, #tpu.memory_space<vmem>> -> memref<1x2048xf32, #tpu.memory_space<vmem>>
    %dma_wait3A_76 = tpu.memref_squeeze %dma_wait3A_75 : memref<1x2048xf32, #tpu.memory_space<vmem>> -> memref<2048xf32, #tpu.memory_space<vmem>>
    %dma_wait3A_77 = arith.constant 0 : i32
    %dma_wait3A_78 = tpu.memref_slice %arg7[%mul3A_71, %dma_wait3A_77] : memref<64x16384xf32, #tpu.memory_space<hbm>> -> memref<1x2048xf32, #tpu.memory_space<hbm>>
    %dma_wait3A_79 = tpu.memref_squeeze %dma_wait3A_78 : memref<1x2048xf32, #tpu.memory_space<hbm>> -> memref<2048xf32, #tpu.memory_space<hbm>>
    %dma_wait3A_80 = tpu.memref_slice %arg19[%dma_wait3A_73] : memref<2x!tpu.dma_semaphore, #tpu.memory_space<semaphore_mem>> -> memref<1x!tpu.dma_semaphore, #tpu.memory_space<semaphore_mem>>
    %dma_wait3A_81 = tpu.memref_squeeze %dma_wait3A_80 : memref<1x!tpu.dma_semaphore, #tpu.memory_space<semaphore_mem>> -> memref<!tpu.dma_semaphore, #tpu.memory_space<semaphore_mem>>
    %dma_wait3A_82 = arith.constant 0 : i32
    %dma_wait3A_83 = tpu.memref_slice %arg7[%mul3A_71, %dma_wait3A_82] : memref<64x16384xf32, #tpu.memory_space<hbm>> -> memref<1x2048xf32, #tpu.memory_space<hbm>>
    %dma_wait3A_84 = tpu.memref_squeeze %dma_wait3A_83 : memref<1x2048xf32, #tpu.memory_space<hbm>> -> memref<2048xf32, #tpu.memory_space<hbm>>
    %dma_wait3A_85 = arith.constant 0 : i32
    %dma_wait3A_86 = tpu.memref_slice %arg15[%dma_wait3A_72, %dma_wait3A_85] : memref<2x2048xf32, #tpu.memory_space<vmem>> -> memref<1x2048xf32, #tpu.memory_space<vmem>>
    %dma_wait3A_87 = tpu.memref_squeeze %dma_wait3A_86 : memref<1x2048xf32, #tpu.memory_space<vmem>> -> memref<2048xf32, #tpu.memory_space<vmem>>
    tpu.wait_dma2 semaphore(%dma_wait3A_81 : memref<!tpu.dma_semaphore, #tpu.memory_space<semaphore_mem>>) src(%dma_wait3A_87 : memref<2048xf32, #tpu.memory_space<vmem>>) dst(%dma_wait3A_84 : memref<2048xf32, #tpu.memory_space<hbm>>)
    %dma_wait3A_88 = arith.constant 0 : i32
    %dma_wait3A_89 = arith.constant 0 : i32
    %dma_wait3A_90 = arith.constant 0 : i32
    %dma_wait3A_91 = tpu.memref_slice %arg16[%dma_wait3A_88, %dma_wait3A_90] : memref<2x2048xf32, #tpu.memory_space<vmem>> -> memref<1x2048xf32, #tpu.memory_space<vmem>>
    %dma_wait3A_92 = tpu.memref_squeeze %dma_wait3A_91 : memref<1x2048xf32, #tpu.memory_space<vmem>> -> memref<2048xf32, #tpu.memory_space<vmem>>
    %dma_wait3A_93 = arith.constant 0 : i32
    %dma_wait3A_94 = tpu.memref_slice %arg8[%mul3A_71, %dma_wait3A_93] : memref<64x16384xf32, #tpu.memory_space<hbm>> -> memref<1x2048xf32, #tpu.memory_space<hbm>>
    %dma_wait3A_95 = tpu.memref_squeeze %dma_wait3A_94 : memref<1x2048xf32, #tpu.memory_space<hbm>> -> memref<2048xf32, #tpu.memory_space<hbm>>
    %dma_wait3A_96 = tpu.memref_slice %arg19[%dma_wait3A_89] : memref<2x!tpu.dma_semaphore, #tpu.memory_space<semaphore_mem>> -> memref<1x!tpu.dma_semaphore, #tpu.memory_space<semaphore_mem>>
    %dma_wait3A_97 = tpu.memref_squeeze %dma_wait3A_96 : memref<1x!tpu.dma_semaphore, #tpu.memory_space<semaphore_mem>> -> memref<!tpu.dma_semaphore, #tpu.memory_space<semaphore_mem>>
    %dma_wait3A_98 = arith.constant 0 : i32
    %dma_wait3A_99 = tpu.memref_slice %arg8[%mul3A_71, %dma_wait3A_98] : memref<64x16384xf32, #tpu.memory_space<hbm>> -> memref<1x2048xf32, #tpu.memory_space<hbm>>
    %dma_wait3A_100 = tpu.memref_squeeze %dma_wait3A_99 : memref<1x2048xf32, #tpu.memory_space<hbm>> -> memref<2048xf32, #tpu.memory_space<hbm>>
    %dma_wait3A_101 = arith.constant 0 : i32
    %dma_wait3A_102 = tpu.memref_slice %arg16[%dma_wait3A_88, %dma_wait3A_101] : memref<2x2048xf32, #tpu.memory_space<vmem>> -> memref<1x2048xf32, #tpu.memory_space<vmem>>
    %dma_wait3A_103 = tpu.memref_squeeze %dma_wait3A_102 : memref<1x2048xf32, #tpu.memory_space<vmem>> -> memref<2048xf32, #tpu.memory_space<vmem>>
    tpu.wait_dma2 semaphore(%dma_wait3A_97 : memref<!tpu.dma_semaphore, #tpu.memory_space<semaphore_mem>>) src(%dma_wait3A_103 : memref<2048xf32, #tpu.memory_space<vmem>>) dst(%dma_wait3A_100 : memref<2048xf32, #tpu.memory_space<hbm>>)
    %dma_wait3A_104 = arith.constant 0 : i32
    %dma_wait3A_105 = arith.constant 0 : i32
    %dma_wait3A_106 = arith.constant 0 : i32
    %dma_wait3A_107 = tpu.memref_slice %arg17[%dma_wait3A_104, %dma_wait3A_106] : memref<2x2048xf32, #tpu.memory_space<vmem>> -> memref<1x2048xf32, #tpu.memory_space<vmem>>
    %dma_wait3A_108 = tpu.memref_squeeze %dma_wait3A_107 : memref<1x2048xf32, #tpu.memory_space<vmem>> -> memref<2048xf32, #tpu.memory_space<vmem>>
    %dma_wait3A_109 = arith.constant 0 : i32
    %dma_wait3A_110 = tpu.memref_slice %arg9[%mul3A_71, %dma_wait3A_109] : memref<64x16384xf32, #tpu.memory_space<hbm>> -> memref<1x2048xf32, #tpu.memory_space<hbm>>
    %dma_wait3A_111 = tpu.memref_squeeze %dma_wait3A_110 : memref<1x2048xf32, #tpu.memory_space<hbm>> -> memref<2048xf32, #tpu.memory_space<hbm>>
    %dma_wait3A_112 = tpu.memref_slice %arg19[%dma_wait3A_105] : memref<2x!tpu.dma_semaphore, #tpu.memory_space<semaphore_mem>> -> memref<1x!tpu.dma_semaphore, #tpu.memory_space<semaphore_mem>>
    %dma_wait3A_113 = tpu.memref_squeeze %dma_wait3A_112 : memref<1x!tpu.dma_semaphore, #tpu.memory_space<semaphore_mem>> -> memref<!tpu.dma_semaphore, #tpu.memory_space<semaphore_mem>>
    %dma_wait3A_114 = arith.constant 0 : i32
    %dma_wait3A_115 = tpu.memref_slice %arg9[%mul3A_71, %dma_wait3A_114] : memref<64x16384xf32, #tpu.memory_space<hbm>> -> memref<1x2048xf32, #tpu.memory_space<hbm>>
    %dma_wait3A_116 = tpu.memref_squeeze %dma_wait3A_115 : memref<1x2048xf32, #tpu.memory_space<hbm>> -> memref<2048xf32, #tpu.memory_space<hbm>>
    %dma_wait3A_117 = arith.constant 0 : i32
    %dma_wait3A_118 = tpu.memref_slice %arg17[%dma_wait3A_104, %dma_wait3A_117] : memref<2x2048xf32, #tpu.memory_space<vmem>> -> memref<1x2048xf32, #tpu.memory_space<vmem>>
    %dma_wait3A_119 = tpu.memref_squeeze %dma_wait3A_118 : memref<1x2048xf32, #tpu.memory_space<vmem>> -> memref<2048xf32, #tpu.memory_space<vmem>>
    tpu.wait_dma2 semaphore(%dma_wait3A_113 : memref<!tpu.dma_semaphore, #tpu.memory_space<semaphore_mem>>) src(%dma_wait3A_119 : memref<2048xf32, #tpu.memory_space<vmem>>) dst(%dma_wait3A_116 : memref<2048xf32, #tpu.memory_space<hbm>>)
    %mul3A_120 = arith.constant 2 : i32
    %mul3A_121 = arith.muli %add3A, %mul3A_120 : i32
    %dma_wait3A_122 = arith.constant 1 : i32
    %dma_wait3A_123 = arith.constant 1 : i32
    %dma_wait3A_124 = arith.constant 0 : i32
    %dma_wait3A_125 = tpu.memref_slice %arg15[%dma_wait3A_122, %dma_wait3A_124] : memref<2x2048xf32, #tpu.memory_space<vmem>> -> memref<1x2048xf32, #tpu.memory_space<vmem>>
    %dma_wait3A_126 = tpu.memref_squeeze %dma_wait3A_125 : memref<1x2048xf32, #tpu.memory_space<vmem>> -> memref<2048xf32, #tpu.memory_space<vmem>>
    %dma_wait3A_127 = arith.constant 0 : i32
    %dma_wait3A_128 = tpu.memref_slice %arg7[%mul3A_121, %dma_wait3A_127] : memref<64x16384xf32, #tpu.memory_space<hbm>> -> memref<1x2048xf32, #tpu.memory_space<hbm>>
    %dma_wait3A_129 = tpu.memref_squeeze %dma_wait3A_128 : memref<1x2048xf32, #tpu.memory_space<hbm>> -> memref<2048xf32, #tpu.memory_space<hbm>>
    %dma_wait3A_130 = tpu.memref_slice %arg19[%dma_wait3A_123] : memref<2x!tpu.dma_semaphore, #tpu.memory_space<semaphore_mem>> -> memref<1x!tpu.dma_semaphore, #tpu.memory_space<semaphore_mem>>
    %dma_wait3A_131 = tpu.memref_squeeze %dma_wait3A_130 : memref<1x!tpu.dma_semaphore, #tpu.memory_space<semaphore_mem>> -> memref<!tpu.dma_semaphore, #tpu.memory_space<semaphore_mem>>
    %dma_wait3A_132 = arith.constant 0 : i32
    %dma_wait3A_133 = tpu.memref_slice %arg7[%mul3A_121, %dma_wait3A_132] : memref<64x16384xf32, #tpu.memory_space<hbm>> -> memref<1x2048xf32, #tpu.memory_space<hbm>>
    %dma_wait3A_134 = tpu.memref_squeeze %dma_wait3A_133 : memref<1x2048xf32, #tpu.memory_space<hbm>> -> memref<2048xf32, #tpu.memory_space<hbm>>
    %dma_wait3A_135 = arith.constant 0 : i32
    %dma_wait3A_136 = tpu.memref_slice %arg15[%dma_wait3A_122, %dma_wait3A_135] : memref<2x2048xf32, #tpu.memory_space<vmem>> -> memref<1x2048xf32, #tpu.memory_space<vmem>>
    %dma_wait3A_137 = tpu.memref_squeeze %dma_wait3A_136 : memref<1x2048xf32, #tpu.memory_space<vmem>> -> memref<2048xf32, #tpu.memory_space<vmem>>
    tpu.wait_dma2 semaphore(%dma_wait3A_131 : memref<!tpu.dma_semaphore, #tpu.memory_space<semaphore_mem>>) src(%dma_wait3A_137 : memref<2048xf32, #tpu.memory_space<vmem>>) dst(%dma_wait3A_134 : memref<2048xf32, #tpu.memory_space<hbm>>)
    %dma_wait3A_138 = arith.constant 1 : i32
    %dma_wait3A_139 = arith.constant 1 : i32
    %dma_wait3A_140 = arith.constant 0 : i32
    %dma_wait3A_141 = tpu.memref_slice %arg16[%dma_wait3A_138, %dma_wait3A_140] : memref<2x2048xf32, #tpu.memory_space<vmem>> -> memref<1x2048xf32, #tpu.memory_space<vmem>>
    %dma_wait3A_142 = tpu.memref_squeeze %dma_wait3A_141 : memref<1x2048xf32, #tpu.memory_space<vmem>> -> memref<2048xf32, #tpu.memory_space<vmem>>
    %dma_wait3A_143 = arith.constant 0 : i32
    %dma_wait3A_144 = tpu.memref_slice %arg8[%mul3A_121, %dma_wait3A_143] : memref<64x16384xf32, #tpu.memory_space<hbm>> -> memref<1x2048xf32, #tpu.memory_space<hbm>>
    %dma_wait3A_145 = tpu.memref_squeeze %dma_wait3A_144 : memref<1x2048xf32, #tpu.memory_space<hbm>> -> memref<2048xf32, #tpu.memory_space<hbm>>
    %dma_wait3A_146 = tpu.memref_slice %arg19[%dma_wait3A_139] : memref<2x!tpu.dma_semaphore, #tpu.memory_space<semaphore_mem>> -> memref<1x!tpu.dma_semaphore, #tpu.memory_space<semaphore_mem>>
    %dma_wait3A_147 = tpu.memref_squeeze %dma_wait3A_146 : memref<1x!tpu.dma_semaphore, #tpu.memory_space<semaphore_mem>> -> memref<!tpu.dma_semaphore, #tpu.memory_space<semaphore_mem>>
    %dma_wait3A_148 = arith.constant 0 : i32
    %dma_wait3A_149 = tpu.memref_slice %arg8[%mul3A_121, %dma_wait3A_148] : memref<64x16384xf32, #tpu.memory_space<hbm>> -> memref<1x2048xf32, #tpu.memory_space<hbm>>
    %dma_wait3A_150 = tpu.memref_squeeze %dma_wait3A_149 : memref<1x2048xf32, #tpu.memory_space<hbm>> -> memref<2048xf32, #tpu.memory_space<hbm>>
    %dma_wait3A_151 = arith.constant 0 : i32
    %dma_wait3A_152 = tpu.memref_slice %arg16[%dma_wait3A_138, %dma_wait3A_151] : memref<2x2048xf32, #tpu.memory_space<vmem>> -> memref<1x2048xf32, #tpu.memory_space<vmem>>
    %dma_wait3A_153 = tpu.memref_squeeze %dma_wait3A_152 : memref<1x2048xf32, #tpu.memory_space<vmem>> -> memref<2048xf32, #tpu.memory_space<vmem>>
    tpu.wait_dma2 semaphore(%dma_wait3A_147 : memref<!tpu.dma_semaphore, #tpu.memory_space<semaphore_mem>>) src(%dma_wait3A_153 : memref<2048xf32, #tpu.memory_space<vmem>>) dst(%dma_wait3A_150 : memref<2048xf32, #tpu.memory_space<hbm>>)
    %dma_wait3A_154 = arith.constant 1 : i32
    %dma_wait3A_155 = arith.constant 1 : i32
    %dma_wait3A_156 = arith.constant 0 : i32
    %dma_wait3A_157 = tpu.memref_slice %arg17[%dma_wait3A_154, %dma_wait3A_156] : memref<2x2048xf32, #tpu.memory_space<vmem>> -> memref<1x2048xf32, #tpu.memory_space<vmem>>
    %dma_wait3A_158 = tpu.memref_squeeze %dma_wait3A_157 : memref<1x2048xf32, #tpu.memory_space<vmem>> -> memref<2048xf32, #tpu.memory_space<vmem>>
    %dma_wait3A_159 = arith.constant 0 : i32
    %dma_wait3A_160 = tpu.memref_slice %arg9[%mul3A_121, %dma_wait3A_159] : memref<64x16384xf32, #tpu.memory_space<hbm>> -> memref<1x2048xf32, #tpu.memory_space<hbm>>
    %dma_wait3A_161 = tpu.memref_squeeze %dma_wait3A_160 : memref<1x2048xf32, #tpu.memory_space<hbm>> -> memref<2048xf32, #tpu.memory_space<hbm>>
    %dma_wait3A_162 = tpu.memref_slice %arg19[%dma_wait3A_155] : memref<2x!tpu.dma_semaphore, #tpu.memory_space<semaphore_mem>> -> memref<1x!tpu.dma_semaphore, #tpu.memory_space<semaphore_mem>>
    %dma_wait3A_163 = tpu.memref_squeeze %dma_wait3A_162 : memref<1x!tpu.dma_semaphore, #tpu.memory_space<semaphore_mem>> -> memref<!tpu.dma_semaphore, #tpu.memory_space<semaphore_mem>>
    %dma_wait3A_164 = arith.constant 0 : i32
    %dma_wait3A_165 = tpu.memref_slice %arg9[%mul3A_121, %dma_wait3A_164] : memref<64x16384xf32, #tpu.memory_space<hbm>> -> memref<1x2048xf32, #tpu.memory_space<hbm>>
    %dma_wait3A_166 = tpu.memref_squeeze %dma_wait3A_165 : memref<1x2048xf32, #tpu.memory_space<hbm>> -> memref<2048xf32, #tpu.memory_space<hbm>>
    %dma_wait3A_167 = arith.constant 0 : i32
    %dma_wait3A_168 = tpu.memref_slice %arg17[%dma_wait3A_154, %dma_wait3A_167] : memref<2x2048xf32, #tpu.memory_space<vmem>> -> memref<1x2048xf32, #tpu.memory_space<vmem>>
    %dma_wait3A_169 = tpu.memref_squeeze %dma_wait3A_168 : memref<1x2048xf32, #tpu.memory_space<vmem>> -> memref<2048xf32, #tpu.memory_space<vmem>>
    tpu.wait_dma2 semaphore(%dma_wait3A_163 : memref<!tpu.dma_semaphore, #tpu.memory_space<semaphore_mem>>) src(%dma_wait3A_169 : memref<2048xf32, #tpu.memory_space<vmem>>) dst(%dma_wait3A_166 : memref<2048xf32, #tpu.memory_space<hbm>>)
    return
  }
}

module attributes {stable_mosaic.version = 14 : i64} {
  func.func @_tc_norm_body(%arg0: i32, %arg1: memref<64x16384xf32, #tpu.memory_space<vmem>>, %arg2: memref<64x16384xf32, #tpu.memory_space<vmem>>, %arg3: memref<1x16384xi32, #tpu.memory_space<vmem>>, %arg4: memref<1x16384xi32, #tpu.memory_space<vmem>>, %arg5: memref<64x16384xf32, #tpu.memory_space<vmem>>, %arg6: memref<64x16384xf32, #tpu.memory_space<vmem>>) attributes {dimension_semantics = [#tpu.dimension_semantics<arbitrary>], iteration_bounds = array<i64: 1>, scalar_prefetch = 0 : i64, scratch_operands = 0 : i64, tpu.core_type = #tpu.core_type<tc>, window_params = [{transform_indices = @transform_0, window_bounds = array<i64: 64, 16384>}, {transform_indices = @transform_1, window_bounds = array<i64: 64, 16384>}, {transform_indices = @transform_2, window_bounds = array<i64: 1, 16384>}, {transform_indices = @transform_3, window_bounds = array<i64: 1, 16384>}, {transform_indices = @transform_4, window_bounds = array<i64: 64, 16384>}, {transform_indices = @transform_5, window_bounds = array<i64: 64, 16384>}]} {
    %get3A = arith.constant 0 : index
    %get3A_0 = arith.constant 0 : index
    %get3A_1 = vector.load %arg1[%get3A, %get3A_0] : memref<64x16384xf32, #tpu.memory_space<vmem>>, vector<64x16384xf32>
    %get3A_2 = arith.constant 0 : index
    %get3A_3 = arith.constant 0 : index
    %get3A_4 = vector.load %arg3[%get3A_2, %get3A_3] : memref<1x16384xi32, #tpu.memory_space<vmem>>, vector<1x16384xi32>
    %mul3A = arith.mulf %get3A_1, %get3A_1 : vector<64x16384xf32>
    %reduce_sum3A = arith.constant dense<0.000000e+00> : vector<16384xf32>
    %reduce_sum3A_5 = vector.multi_reduction <add>, %mul3A, %reduce_sum3A [0] : vector<64x16384xf32> to vector<16384xf32>
    %broadcast_in_dim3A = vector.shape_cast %reduce_sum3A_5 : vector<16384xf32> to vector<1x16384xf32>
    %sqrt3A = math.sqrt %broadcast_in_dim3A : vector<1x16384xf32>
    %eq3A = arith.constant 99999 : i32
    %eq3A_6 = vector.broadcast %eq3A : i32 to vector<1x16384xi32>
    %eq3A_7 = arith.cmpi eq, %get3A_4, %eq3A_6 : vector<1x16384xi32>
    %broadcast_in_dim3A_8 = arith.constant 1.000000e+00 : f32
    %broadcast_in_dim3A_9 = vector.broadcast %broadcast_in_dim3A_8 : f32 to vector<1x16384xf32>
    %div3A = arith.constant 1.000000e+00 : f32
    %div3A_10 = vector.broadcast %div3A : f32 to vector<1x16384xf32>
    %div3A_11 = arith.divf %div3A_10, %sqrt3A : vector<1x16384xf32>
    %select_n3A = arith.select %eq3A_7, %broadcast_in_dim3A_9, %div3A_11 : vector<1x16384xi1>, vector<1x16384xf32>
    %mul3A_12 = vector.broadcast %select_n3A : vector<1x16384xf32> to vector<64x16384xf32>
    %mul3A_13 = arith.mulf %get3A_1, %mul3A_12 : vector<64x16384xf32>
    %swap3A = arith.constant 0 : index
    %swap3A_14 = arith.constant 0 : index
    %swap3A_15 = vector.load %arg5[%swap3A, %swap3A_14] : memref<64x16384xf32, #tpu.memory_space<vmem>>, vector<64x16384xf32>
    tpu.vector_store %arg5[%swap3A, %swap3A_14], %mul3A_13 {strides = array<i32>} : memref<64x16384xf32, #tpu.memory_space<vmem>>, vector<64x16384xf32>,
    %get3A_16 = arith.constant 0 : index
    %get3A_17 = arith.constant 0 : index
    %get3A_18 = vector.load %arg2[%get3A_16, %get3A_17] : memref<64x16384xf32, #tpu.memory_space<vmem>>, vector<64x16384xf32>
    %get3A_19 = arith.constant 0 : index
    %get3A_20 = arith.constant 0 : index
    %get3A_21 = vector.load %arg4[%get3A_19, %get3A_20] : memref<1x16384xi32, #tpu.memory_space<vmem>>, vector<1x16384xi32>
    %mul3A_22 = arith.mulf %get3A_18, %get3A_18 : vector<64x16384xf32>
    %reduce_sum3A_23 = arith.constant dense<0.000000e+00> : vector<16384xf32>
    %reduce_sum3A_24 = vector.multi_reduction <add>, %mul3A_22, %reduce_sum3A_23 [0] : vector<64x16384xf32> to vector<16384xf32>
    %broadcast_in_dim3A_25 = vector.shape_cast %reduce_sum3A_24 : vector<16384xf32> to vector<1x16384xf32>
    %sqrt3A_26 = math.sqrt %broadcast_in_dim3A_25 : vector<1x16384xf32>
    %eq3A_27 = arith.constant 99999 : i32
    %eq3A_28 = vector.broadcast %eq3A_27 : i32 to vector<1x16384xi32>
    %eq3A_29 = arith.cmpi eq, %get3A_21, %eq3A_28 : vector<1x16384xi32>
    %broadcast_in_dim3A_30 = arith.constant 1.000000e+00 : f32
    %broadcast_in_dim3A_31 = vector.broadcast %broadcast_in_dim3A_30 : f32 to vector<1x16384xf32>
    %div3A_32 = arith.constant 1.000000e+00 : f32
    %div3A_33 = vector.broadcast %div3A_32 : f32 to vector<1x16384xf32>
    %div3A_34 = arith.divf %div3A_33, %sqrt3A_26 : vector<1x16384xf32>
    %select_n3A_35 = arith.select %eq3A_29, %broadcast_in_dim3A_31, %div3A_34 : vector<1x16384xi1>, vector<1x16384xf32>
    %mul3A_36 = vector.broadcast %select_n3A_35 : vector<1x16384xf32> to vector<64x16384xf32>
    %mul3A_37 = arith.mulf %get3A_18, %mul3A_36 : vector<64x16384xf32>
    %swap3A_38 = arith.constant 0 : index
    %swap3A_39 = arith.constant 0 : index
    %swap3A_40 = vector.load %arg6[%swap3A_38, %swap3A_39] : memref<64x16384xf32, #tpu.memory_space<vmem>>, vector<64x16384xf32>
    tpu.vector_store %arg6[%swap3A_38, %swap3A_39], %mul3A_37 {strides = array<i32>} : memref<64x16384xf32, #tpu.memory_space<vmem>>, vector<64x16384xf32>,
    return
  }
  func.func @transform_0(%arg0: i32) -> (i32, i32) {
    %c0_i32 = arith.constant 0 : i32
    %c0_i32_0 = arith.constant 0 : i32
    return %c0_i32, %arg0 : i32, i32
  }
  func.func @transform_1(%arg0: i32) -> (i32, i32) {
    %c0_i32 = arith.constant 0 : i32
    %c0_i32_0 = arith.constant 0 : i32
    return %c0_i32, %arg0 : i32, i32
  }
  func.func @transform_2(%arg0: i32) -> (i32, i32) {
    %c0_i32 = arith.constant 0 : i32
    %c0_i32_0 = arith.constant 0 : i32
    return %c0_i32, %arg0 : i32, i32
  }
  func.func @transform_3(%arg0: i32) -> (i32, i32) {
    %c0_i32 = arith.constant 0 : i32
    %c0_i32_0 = arith.constant 0 : i32
    return %c0_i32, %arg0 : i32, i32
  }
  func.func @transform_4(%arg0: i32) -> (i32, i32) {
    %c0_i32 = arith.constant 0 : i32
    %c0_i32_0 = arith.constant 0 : i32
    return %c0_i32, %arg0 : i32, i32
  }
  func.func @transform_5(%arg0: i32) -> (i32, i32) {
    %c0_i32 = arith.constant 0 : i32
    %c0_i32_0 = arith.constant 0 : i32
    return %c0_i32, %arg0 : i32, i32
  }
}

</mosaic_0001>

<sc_bundles>
// kernel: kernel.4.cloned.1.call-start
scs
__scs_entry_jumppad:
0x0: {  	(pc) =	sbr.rel $0x88, $3  }
0x1: {  	(tag) =	ssettag $0x0;
	lr =	simm.s32 $0x1  }
0x2: {  	[smem:$0x3F9C] =	sst lr;
	_ =	strace $0xD0000000  }
0x3: {  	_ = 	snop  }
0x4: {  	_ = 	snop  }
0x5: {  	_ = 	snop  }
0x6: {  	_ = 	snop  }
0x7: {  	_ = 	snop  }
__scs_overlays_trampoline_lowered:
0x8: {  	[smem:$0x3FAB] =	sst s0  }
0x9: {  	[smem:$0x3FAC] =	sst s1  }
0xa: {  	[smem:$0x3FAD] =	sst s2  }
0xb: {  	[smem:$0x3FAE] =	sst s3  }
0xc: {  	[smem:$0x3FAF] =	sst s4  }
0xd: {  	[smem:$0x3FB0] =	sst s5  }
0xe: {  	[smem:$0x3FB1] =	sst s6  }
0xf: {  	[smem:$0x3FB2] =	sst s7  }
0x10: {  	[smem:$0x3FB3] =	sst s8  }
0x11: {  	[smem:$0x3FB4] =	sst s9;
	s0 =	simm.s32 @!p0 $0x0  }
0x12: {  	s1 =	sld [smem:$0x3F9A];
	s0 =	simm.s32 @p0 $0x1  }
0x13: {  	[smem:$0x3FB5] =	sst s0;
	s0 =	simm.s32 @!p1 $0x0  }
0x14: {  	s2 =	sld [smem:$0x3F99];
	s0 =	simm.s32 @p1 $0x1  }
0x15: {  	[smem:$0x3FB6] =	sst s0;
	s0 =	simm.s32 @!p2 $0x0  }
0x16: {  	s3 =	sld [smem:$0x3FDB];
	s0 =	simm.s32 @p2 $0x1  }
0x17: {  	s4 =	simm.s32 $0x1BF5;
	[smem:$0x3FB8] =	sst s0  }
0x18: {  	s0 =	sld [smem:$0x3F9B];
	_ =	swait.ge [sflag:s4], $0x0  }
0x19: {  	s7 =	sld [smem:$0x3F9C]  }
0x1a: {  	s8 =	sadd.s32 $0xFFFFE003, lr  }
0x1b: {  	s9 =	sadd.s32 $0xFFFFFEF7, lr;
	s5 =	simm.s32 $0xFFFFFFFF;
	p2 =	slt.u32 s8, $0xFFFFF086  }
0x1c: {  	p1 =	slt.u32 s9, $0xF7A;
	s5 =	simm.s32 @!p2 $0x0  }
0x1d: {  	s5 =	simm.s32 @p1 $0x1;
	p0 =	seq.s32 s7, s2  }
0x1e: {  	s7 =	smul.u32 @!p0 $0xF7A, s2;
	p2 =	seq.s32 @!p0 s5, $0x0  }
0x1f: {  	s9 =	smul.u32 $0xF7A, s1;
	s8 =	simm.s32 @!p0 $0x1BF5;
	p2 =	por !p2, p0  }
0x20: {  	[sflag:s8] =	ssyncset.s32 @!p0 $0xFFFFF086;
	s6 =	sadd.s32 @!p0 s3, s7;
	s7 =	simm.s32 @!p0 $0x108  }
0x21: {  	s3 =	sadd.s32 s3, s9;
	s6 =	sadd.s32 @!p0 $0x88, s6;
	s7 =	simm.s32 @p2 $0x1082  }
0x22: {  	[simem:s7], [sflag:s8] =	dma.local @!p0 [hbm:s6], $0xF7A  }
0x23: {  	s9 =	sor.u32 $0xD0000000, s2;
	s6 =	simm.s32 $0x108;
	_ =	swait.ge @!p0 [sflag:s8], $0x0  }
0x24: {  	s3 =	sadd.s32 $0x88, s3;
	s6 =	simm.s32 @!p1 $0x1082;
	[sflag:s4] =	ssyncset.s32 $0xFFFFF086  }
0x25: {  	[simem:s6], [sflag:s4] =	dma.local [hbm:s3], $0xF7A  }
0x26: {  	[smem:$0x3F9C] =	sst s1;
	(tag) =	ssettag s2;
	_ =	strace s9  }
0x27: {  	s1 =	sld [smem:$0x3FAC]  }
0x28: {  	s2 =	sld [smem:$0x3FAD]  }
0x29: {  	s4 =	sld [smem:$0x3FAF]  }
0x2a: {  	p0 =	seq.s32 s5, $0x0;
	s5 =	sld [smem:$0x3FB0]  }
0x2b: {  	s6 =	sld [smem:$0x3FB1]  }
0x2c: {  	s7 =	sld [smem:$0x3FB2]  }
0x2d: {  	s3 =	simm.s32 $0x108;
	s8 =	sld [smem:$0x3FB3]  }
0x2e: {  	s3 =	simm.s32 @!p0 $0x1082;
	s9 =	sld [smem:$0x3FB4]  }
0x2f: {  	lr =	sadd.s32 s0, s3;
	s0 =	sld [smem:$0x3FAB]  }
0x30: {  	s3 =	sld [smem:$0x3FAE]  }
0x31: {  	[smem:$0x3FB7] =	sst s10  }
0x32: {  	s10 =	sld [smem:$0x3FB5];
	_ =	sdelay $0x3  }
0x33: {  	p0 =	seq.s32 s10, $0x1;
	s10 =	sld [smem:$0x3FB7];
	_ =	sdelay $0x3  }
0x34: {  	[smem:$0x3FB7] =	sst s10  }
0x35: {  	s10 =	sld [smem:$0x3FB6];
	_ =	sdelay $0x3  }
0x36: {  	p1 =	seq.s32 s10, $0x1;
	s10 =	sld [smem:$0x3FB7];
	_ =	sdelay $0x3  }
0x37: {  	[smem:$0x3FB7] =	sst s10  }
0x38: {  	s10 =	sld [smem:$0x3FB8]  }
0x39: {  	_ = 	snop;
	(pc) =	sbr.ind lr, $3  }
0x3a: {  	_ = 	snop  }
0x3b: {  	_ = 	snop  }
0x3c: {  	p2 =	seq.s32 s10, $0x1;
	s10 =	sld [smem:$0x3FB7]  }
0x3d: {  	_ =	shalt  }
0x3e: {  	_ =	shalt  }
0x3f: {  	_ =	shalt  }
0x40: {  	_ =	shalt  }
0x41: {  	_ =	shalt  }
0x42: {  	_ =	shalt  }
0x43: {  	_ =	shalt  }
0x44: {  	_ =	shalt  }
0x45: {  	_ =	shalt  }
0x46: {  	_ =	shalt  }
0x47: {  	_ =	shalt  }
0x48: {  	_ =	shalt  }
0x49: {  	_ =	shalt  }
0x4a: {  	_ =	shalt  }
0x4b: {  	_ =	shalt  }
0x4c: {  	_ =	shalt  }
0x4d: {  	_ =	shalt  }
0x4e: {  	_ =	shalt  }
0x4f: {  	_ =	shalt  }
0x50: {  	_ =	shalt  }
0x51: {  	_ =	shalt  }
0x52: {  	_ =	shalt  }
0x53: {  	_ =	shalt  }
0x54: {  	_ =	shalt  }
0x55: {  	_ =	shalt  }
0x56: {  	_ =	shalt  }
0x57: {  	_ =	shalt  }
0x58: {  	_ =	shalt  }
0x59: {  	_ =	shalt  }
0x5a: {  	_ =	shalt  }
0x5b: {  	_ =	shalt  }
0x5c: {  	_ =	shalt  }
0x5d: {  	_ =	shalt  }
0x5e: {  	_ =	shalt  }
0x5f: {  	_ =	shalt  }
0x60: {  	_ =	shalt  }
0x61: {  	_ =	shalt  }
0x62: {  	_ =	shalt  }
0x63: {  	_ =	shalt  }
0x64: {  	_ =	shalt  }
0x65: {  	_ =	shalt  }
0x66: {  	_ =	shalt  }
0x67: {  	_ =	shalt  }
0x68: {  	_ =	shalt  }
0x69: {  	_ =	shalt  }
0x6a: {  	_ =	shalt  }
0x6b: {  	_ =	shalt  }
0x6c: {  	_ =	shalt  }
0x6d: {  	_ =	shalt  }
0x6e: {  	_ =	shalt  }
0x6f: {  	_ =	shalt  }
0x70: {  	_ =	shalt  }
0x71: {  	_ =	shalt  }
0x72: {  	_ =	shalt  }
0x73: {  	_ =	shalt  }
0x74: {  	_ =	shalt  }
0x75: {  	_ =	shalt  }
0x76: {  	_ =	shalt  }
0x77: {  	_ =	shalt  }
0x78: {  	_ =	shalt  }
0x79: {  	_ =	shalt  }
0x7a: {  	_ =	shalt  }
0x7b: {  	_ =	shalt  }
0x7c: {  	_ =	shalt  }
0x7d: {  	_ =	shalt  }
0x7e: {  	_ =	shalt  }
0x7f: {  	_ =	shalt  }
0x80: {  	_ =	shalt  }
0x81: {  	_ =	shalt  }
0x82: {  	_ =	shalt  }
0x83: {  	_ =	shalt  }
0x84: {  	_ =	shalt  }
0x85: {  	_ =	shalt  }
0x86: {  	_ =	shalt  }
0x87: {  	_ =	shalt  }
.Lfunc_end0:
.L_simem_size_0:
called_computation_lowered:
.L_overlay_start_0:
0x88: {  	s2 =	sld [smem:$0x3FD9]  }
0x89: {  	s3 =	sld [smem:$0x3FFE];
	_ =	sdelay $0x1  }
0x8a: {  	s1 =	srdreg.scid  }
0x8b: {  	s0 =	sand.u32 $0x1, s1  }
0x8c: {  	s15 =	sshll.u32 s0, $0xA;
	s2 =	sadd.s32 s3, s2  }
0x8d: {  	s2 =	sadd.s32 s2, s15  }
0x8e: {  	[smem:$0x3FC3] =	sst s2  }
0x8f: {  	_ = 	snop  }
0x90: {  	s2 =	sld [smem:$0x3FC9]  }
0x91: {  	s16 =	sld [smem:$0x3FC8]  }
0x92: {  	s4 =	sld [smem:$0x3FD0]  }
0x93: {  	s5 =	sld [smem:$0x3FC7]  }
0x94: {  	s6 =	sld [smem:$0x3FC6]  }
0x95: {  	s8 =	simm.s32 $0xA;
	s9 =	simm.s32 $0x10;
	s7 =	sld [smem:$0x3FC5]  }
0x96: {  	[smem:s9], [sflag:s8] =	dma.local [hbm:s4], $0x1  }
0x97: {  	_ =	swait.eq [sflag:s8], $0x1  }
0x98: {  	s17 =	sld [smem:$0x10];
	[sflag:s8] =	ssyncset.done $0x0  }
0x99: {  	s18 =	sld [smem:$0x11];
	[sflag:s8] =	ssyncadd.s32 $0xFFFFFFFF  }
0x9a: {  	s19 =	sld [smem:$0x12];
	(tm) =	ssettm $0x1  }
0x9b: {  	s10 =	sld [smem:$0x3FFB];
	_ =	sdelay $0x3  }
0x9c: {  	_ =	strace s10  }
0x9d: {  	s10 =	sld [smem:$0x3FFC];
	_ =	sdelay $0x3  }
0x9e: {  	_ =	strace s10  }
0x9f: {  	s10 =	sld [smem:$0x3FFD];
	_ =	sdelay $0x3  }
0xa0: {  	_ =	strace s10  }
0xa1: {  	_ =	strace $0x8FFFFFFF  }
0xa2: {  	s20 =	sld [smem:$0x3FDB];
	_ =	sdelay $0x1  }
0xa3: {  	s11 =	simm.s32 $_scs_section_size  }
0xa4: {  	s12 =	simm.s32 $_size__tile_overlayer_lowered;
	s13 =	simm.s32 $_tile_overlayer_lowered  }
0xa5: {  	s23 =	simm.s32 $0x1BFF;
	s22 =	sshll.u32 s13, $0x1;
	s10 =	sadd.s32 s11, s20  }
0xa6: {  	s14 =	simm.s32 $0x0;
	s21 =	sshll.u32 s12, $0x1;
	s12 =	sadd.s32 s22, s10  }
0xa7: {  	[timem:s14], [sflag:s23] =	dma.local [hbm:s12], s21  }
0xa8: {  	_ =	swait.ge [sflag:s23], s21  }
0xa9: {  	s11 =	ssub.s32 $0x0, s21;
	[sflag:s23] =	ssyncset.done $0x0  }
0xaa: {  	[sflag:s23] =	ssyncadd.s32 s11;
	_ =	sdelay $0x1  }
0xab: {  	s24 =	simm.s32 $0x1B8B  }
0xac: {  	_ =	swait.ge [sflag:s24], $0x1  }
0xad: {  	[sflag:s24] =	ssyncset.done $0x0  }
0xae: {  	s25 =	simm.s32 $0x1B8E;
	[sflag:s24] =	ssyncadd.s32 $0xFFFFFFFF  }
0xaf: {  	s26 =	simm.s32 $execute0_lowered;
	[smem:$0x3FD2] =	sst s25  }
0xb0: {  	s11 =	sshll.u32 s26, $0x1;
	_ =	strace $0x80000046;
	[dreg:$0x1] =	wrdreg $0xFFFFFFFF  }
0xb1: {  	s28 =	simm.s32 $_size_execute0_lowered;
	s10 =	sadd.s32 s10, s11;
	[dreg:$0x0] =	wrdreg $0x0  }
0xb2: {  	s11 =	sshll.u32 s28, $0x1;
	[dreg:$0x2] =	wrdreg s10  }
0xb3: {  	[dreg:$0x3] =	wrdreg s11  }
0xb4: {  	[dreg:$0x4] =	wrdreg $0xC0  }
0xb5: {  	_ =	task [dreg:s14], $0x5FFFF  }
0xb6: {  	[dreg:$0x1] =	wrdreg $0xFFFFFFFF  }
0xb7: {  	[dreg:$0x0] =	wrdreg $0x60  }
0xb8: {  	[dreg:$0x2] =	wrdreg s2  }
0xb9: {  	[dreg:$0x3] =	wrdreg s5  }
0xba: {  	[dreg:$0x4] =	wrdreg s16  }
0xbb: {  	[dreg:$0x5] =	wrdreg s6  }
0xbc: {  	[dreg:$0x6] =	wrdreg s7  }
0xbd: {  	[dreg:$0x7] =	wrdreg s18  }
0xbe: {  	[dreg:$0x8] =	wrdreg s17  }
0xbf: {  	[dreg:$0x9] =	wrdreg s19  }
0xc0: {  	[dreg:$0xa] =	wrdreg $0x1EB000  }
0xc1: {  	[dreg:$0xb] =	wrdreg $0x9  }
0xc2: {  	_ =	task.clear_ibuf [dreg:s14], $0xCFFFF;
	_ =	strace $0x90000046  }
0xc3: {  	s29 =	simm.s32 $0x9;
	_ =	strace $0x80000048  }
0xc4: {  	_ =	swait.ge [sflag:s29], $0x1  }
0xc5: {  	[sflag:s29] =	ssyncadd.s32 $0xFFFFFFFF  }
0xc6: {  	_ =	strace $0x90000048  }
0xc7: {  	_ =	sfence  }
0xc8: {  	s30 =	sld [smem:$0x0];
	_ =	sdelay $0x2  }
0xc9: {  	s31 =	sshll.u32 s1, $0xD;
	s1 =	sshrl.u32 s1, $0x2  }
0xca: {  	s3 =	sand.u32 $0x4000, s31;
	s1 =	sadd.s32 s1, s30  }
0xcb: {  	s0 =	sor.u32 s3, s0;
	s1 =	sshll.u32 s1, $0x11  }
0xcc: {  	s0 =	sor.u32 s1, s0  }
0xcd: {  	s0 =	sadd.s32 $0x8F2B, s0  }
0xce: {  	[sflag:s0] =	ssyncadd.remote.s32 $0x1  }
0xcf: {  	_ =	sfence.sel $0xFFFF  }
0xd0: {  	[dreg:$0x0] =	wrdreg $0xFFFFFFFF;
	(pc) =	sbr.abs _section_cstart, $3  }
0xd1: {  	[dreg:$0x1] =	wrdreg $0xFFFFFFFF  }
0xd2: {  	_ =	task.clear_ibuf [dreg:s14], $0x2FFFF;
	_ =	strace $0x9FFFFFFF  }
0xd3: {  	(tm) =	ssettm $0x7FFFFFFF  }
tec
execute0_lowered:
.L_overlay_start_1:
0x0: {  	(tag) =	ssettag $0x1  }
0x1: {  	s0 =	rddreg [dreg:$0x0]  }
0x2: {  	s1 =	rddreg [dreg:$0x1]  }
0x3: {  	s2 =	rddreg [dreg:$0x2]  }
0x4: {  	s17 =	rddreg [dreg:$0x3]  }
0x5: {  	s18 =	rddreg [dreg:$0x4]  }
0x6: {  	s3 =	rddreg [dreg:$0x5]  }
0x7: {  	s4 =	rddreg [dreg:$0x6]  }
0x8: {  	s6 =	rddreg [dreg:$0x7]  }
0x9: {  	s19 =	stileid.u32;
	s7 =	rddreg [dreg:$0x8];
	s9 =	simm.s32 $0x0  }
0xa: {  	[smem:$0x7FF] =	sst s9;
	s22 =	sshll.u32 s19, $0x7;
	s31 =	sadd.s32 $0x4000, s7  }
0xb: {  	s20 =	sadd.s32 $0x180, s7;
	_ =	strace $0x80000047;
	[dreg:$0x11] =	wrdreg s31  }
0xc: {  	s23 =	sshll.u32 s19, $0x6;
	s0 =	sadd.s32 s0, s22;
	[dreg:$0x18] =	wrdreg s20  }
0xd: {  	s24 =	sor.u32 $0x1C06, s23;
	[dreg:$0xc] =	wrdreg s0  }
0xe: {  	s16 =	sshll.u32 s19, $0xA;
	s1 =	sadd.s32 s1, s22;
	[dreg:$0xd] =	wrdreg s24  }
0xf: {  	s21 =	sadd.s32 s16, s7;
	[dreg:$0xe] =	wrdreg s1  }
0x10: {  	s5 =	srdreg.scid;
	s2 =	sadd.s32 s2, s22;
	[dreg:$0xb] =	wrdreg s21  }
0x11: {  	s5 =	sand.u32 $0x1, s5;
	s23 =	sadd.s32 $0x200, s7;
	[dreg:$0xf] =	wrdreg s2  }
0x12: {  	s11 =	sshll.u32 s19, $0x2;
	s31 =	sadd.s32 $0x480, s7;
	[dreg:$0x19] =	wrdreg s23  }
0x13: {  	s8 =	sshll.u32 s5, $0x1;
	s20 =	sadd.s32 $0x4300, s7;
	[dreg:$0x1e] =	wrdreg s31  }
0x14: {  	s8 =	sor.u32 s8, s11;
	s2 =	sadd.s32 $0x8000, s7;
	[smem:$0x7E5] =	sst s20  }
0x15: {  	s26 =	sadd.s32 $0x4000, s21;
	s24 =	sadd.s32 $0x280, s7;
	[dreg:$0x12] =	wrdreg s2  }
0x16: {  	s30 =	sadd.s32 $0x8000, s21;
	s1 =	sadd.s32 $0x500, s7;
	[dreg:$0x1a] =	wrdreg s24  }
0x17: {  	s21 =	sand.u32 $0x38, s11;
	s11 =	sadd.s32 $0x680, s7;
	[dreg:$0x1f] =	wrdreg s1  }
0x18: {  	s23 =	sadd.s32 $0x4380, s7;
	[smem:$0x7DD] =	sst s11  }
0x19: {  	s31 =	sadd.s32 $0x4600, s7;
	[smem:$0x7E6] =	sst s23  }
0x1a: {  	s20 =	sadd.s32 $0x8480, s7;
	[smem:$0x7EB] =	sst s31  }
0x1b: {  	s16 =	sshrl.u32 s26, $0x3;
	[smem:$0x7F7] =	sst s20  }
0x1c: {  	s26 =	sadd.s32 $0x380, s7;
	[dreg:$0x14] =	wrdreg s16  }
0x1d: {  	s2 =	sadd.s32 $0x580, s7;
	[dreg:$0x1c] =	wrdreg s26  }
0x1e: {  	s24 =	sadd.s32 $0x4400, s7;
	[smem:$0x7DB] =	sst s2  }
0x1f: {  	s1 =	sadd.s32 $0x4680, s7;
	[smem:$0x7E7] =	sst s24  }
0x20: {  	s5 =	ssub.s32 $0x2, s5;
	s11 =	sadd.s32 $0x8080, s7;
	[smem:$0x7EC] =	sst s1  }
0x21: {  	s15 =	sshrl.u32 s5, $0x1;
	s23 =	sadd.s32 $0x8500, s7;
	[smem:$0x7EF] =	sst s11  }
0x22: {  	s5 =	ssub.s32 s5, s15;
	s31 =	sadd.s32 $0x8780, s7;
	[smem:$0x7F8] =	sst s23  }
0x23: {  	s15 =	smax.u32 s5, $0x1;
	[smem:$0x7FD] =	sst s31  }
0x24: {  	s5 =	sadd.s32 $0x600, s7;
	[dreg:$0x13] =	wrdreg s15  }
0x25: {  	s16 =	sadd.s32 $0x4100, s7;
	[smem:$0x7DC] =	sst s5  }
0x26: {  	s26 =	sadd.s32 $0x4500, s7;
	[smem:$0x7E1] =	sst s16  }
0x27: {  	s2 =	sadd.s32 $0x4700, s7;
	[smem:$0x7E9] =	sst s26  }
0x28: {  	s12 =	sshrl.u32 s19, $0x1;
	s24 =	sadd.s32 $0x8580, s7;
	[smem:$0x7ED] =	sst s2  }
0x29: {  	s10 =	smul.u32 $0xC3800, s12;
	s15 =	sadd.s32 $0x4080, s7;
	[smem:$0x7F9] =	sst s24  }
0x2a: {  	s13 =	sshll.u32 s8, $0x7;
	s5 =	sadd.s32 $0x4780, s7;
	[smem:$0x7E0] =	sst s15  }
0x2b: {  	s14 =	sand.u32 $0x300, s13;
	s16 =	sadd.s32 $0x8280, s7;
	[smem:$0x7EE] =	sst s5  }
0x2c: {  	s13 =	sor.u32 s10, s14;
	s26 =	sadd.s32 $0x8680, s7;
	[smem:$0x7F3] =	sst s16  }
0x2d: {  	s13 =	sshrl.u32 s13, $0x3;
	s15 =	sadd.s32 $0x8200, s7;
	[smem:$0x7FB] =	sst s26  }
0x2e: {  	s13 =	sadd.s32 s17, s13;
	[smem:$0x7F2] =	sst s15  }
0x2f: {  	s17 =	sshrl.u32 s30, $0x3;
	[dreg:$0xa] =	wrdreg s13  }
0x30: {  	s30 =	sadd.s32 $0x400, s7;
	[dreg:$0x15] =	wrdreg s17  }
0x31: {  	s13 =	sshll.u32 s12, $0xD;
	[dreg:$0x1d] =	wrdreg s30;
	s12 =	sadd.s32 $0x700, s7  }
0x32: {  	s17 =	sadd.s32 $0x4180, s7;
	[smem:$0x7DE] =	sst s12  }
0x33: {  	s30 =	sadd.s32 $0x4580, s7;
	s25 =	sor.u32 s13, s14;
	[smem:$0x7E2] =	sst s17  }
0x34: {  	s14 =	sshll.u32 s19, $0xD;
	s19 =	sadd.s32 $0x100, s7;
	[smem:$0x7EA] =	sst s30  }
0x35: {  	s12 =	sadd.s32 $0x8100, s7;
	[dreg:$0x17] =	wrdreg s19  }
0x36: {  	s17 =	sadd.s32 $0x8300, s7;
	[smem:$0x7F0] =	sst s12  }
0x37: {  	s30 =	sadd.s32 $0x8700, s7;
	[smem:$0x7F4] =	sst s17  }
0x38: {  	s0 =	sshrl.u32 s25, $0x3;
	s25 =	sadd.s32 $0x300, s7;
	[smem:$0x7FC] =	sst s30  }
0x39: {  	s22 =	sand.u32 $0x1C000, s14;
	s14 =	sadd.s32 $0x780, s7;
	[dreg:$0x1b] =	wrdreg s25  }
0x3a: {  	s28 =	simm.s32 $0x1E980;
	s19 =	sadd.s32 $0x4280, s7;
	[smem:$0x7DF] =	sst s14  }
0x3b: {  	s29 =	simm.s32 $0x1EA80;
	s0 =	sadd.s32 s18, s0;
	[smem:$0x7E4] =	sst s19  }
0x3c: {  	s20 =	simm.s32 $0x1E580;
	s18 =	sadd.s32 $0x80, s7;
	[dreg:$0x10] =	wrdreg s0  }
0x3d: {  	s1 =	simm.s32 $0x2;
	s25 =	sadd.s32 $0x4480, s7;
	[dreg:$0x16] =	wrdreg s18  }
0x3e: {  	s23 =	simm.s32 $0x1E680;
	s14 =	sadd.s32 $0x8180, s7;
	[smem:$0x7E8] =	sst s25  }
0x3f: {  	s24 =	simm.s32 $0x1;
	s19 =	sadd.s32 $0x8400, s7;
	[smem:$0x7F1] =	sst s14  }
0x40: {  	s26 =	simm.s32 $0x1E880;
	s18 =	sadd.s32 $0x4200, s7;
	[smem:$0x7F6] =	sst s19  }
0x41: {  	s5 =	simm.s32 $0x0;
	s25 =	sadd.s32 $0x8600, s7;
	[smem:$0x7E3] =	sst s18  }
0x42: {  	s19 =	simm.s32 $0x18700;
	s18 =	sadd.s32 $0x8380, s7;
	[smem:$0x7FA] =	sst s25  }
0x43: {  	s25 =	simm.s32 $0x1E780;
	[smem:$0x7F5] =	sst s18;
	s18 =	simm.s32 $0x1E480  }
.LBB2_1:
0x44: {  	[smem:$0x7DA] =	sst s5  }
0x45: {  	s0 =	rddreg [dreg:$0xa]  }
0x46: {  	s14 =	rddreg [dreg:$0xb]  }
0x47: {  	s11 =	simm.s32 $0x80;
	s12 =	simm.s32 $0x400;
	s2 =	rddreg [dreg:$0xc]  }
0x48: {  	[tilespmem:s9], [sflag:$0x5] =	stream.strided.gather [hbm4b:s0+s11], $0x18700, s12, s11, $0x38;
	[tilespmem:$0x1F700] =	vst v63  }
0x49: {  	s5 =	rddreg [dreg:$0xd];
	s0 =	sshrl.u32 s14, $0x3;
	s14 =	simm.s32 $0x6  }
0x4a: {  	[spmem:s0], [sflag:s5] =	dma.local [hbm:s2], $0x80  }
0x4b: {  	_ =	swait.ge [sflag:s14], $0x80  }
0x4c: {  	[sflag:s14] =	ssyncset.done $0x0;
	s15 =	rddreg [dreg:$0xe]  }
0x4d: {  	s16 =	rddreg [dreg:$0x14];
	[sflag:s14] =	ssyncadd.s32 $0xFFFFFF80  }
0x4e: {  	[spmem:s16], [sflag:s5] =	dma.local [hbm:s15], $0x80  }
0x4f: {  	_ =	swait.ge [sflag:s14], $0x80  }
0x50: {  	[sflag:s14] =	ssyncset.done $0x0;
	s17 =	rddreg [dreg:$0xf]  }
0x51: {  	s31 =	rddreg [dreg:$0x15];
	[sflag:s14] =	ssyncadd.s32 $0xFFFFFF80  }
0x52: {  	[spmem:s31], [sflag:s5] =	dma.local [hbm:s17], $0x80  }
0x53: {  	_ =	swait.ge [sflag:s14], $0x80  }
0x54: {  	[sflag:s14] =	ssyncset.done $0x0  }
0x55: {  	s5 =	rddreg [dreg:$0x10];
	[sflag:s14] =	ssyncadd.s32 $0xFFFFFF80  }
0x56: {  	[tilespmem:s19], [sflag:$0x6] =	stream.strided.gather [hbm4b:s5+s11], $0x400, s12, s11, $0x38;
	[tilespmem:$0x1F700] =	vst v63  }
0x57: {  	_ =	swait.ge [sflag:s14], $0x400  }
0x58: {  	[sflag:s14] =	ssyncset.done $0x0  }
0x59: {  	[sflag:s14] =	ssyncadd.s32 $0xFFFFFC00  }
0x5a: {  	s11 =	simm.s32 $0x18B00;
	[bflag:$0x0] =	sbarrier.arrive $0xFFFF  }
0x5b: {  	[tilespmem:s11], [sflag:$0x1] =	stream.linear.gather [spmem:s7], $0x80, $0x38;
	[tilespmem:$0x1F700] =	vst v63  }
0x5c: {  	s12 =	rddreg [dreg:$0x16]  }
0x5d: {  	s14 =	simm.s32 $0x18C00;
	s15 =	rddreg [dreg:$0x17]  }
0x5e: {  	[tilespmem:s14], [sflag:$0x1] =	stream.linear.gather [spmem:s12], $0x80, $0x38;
	[tilespmem:$0x1F700] =	vst v63  }
0x5f: {  	s16 =	simm.s32 $0x18D00;
	s17 =	rddreg [dreg:$0x18]  }
0x60: {  	[tilespmem:s16], [sflag:$0x1] =	stream.linear.gather [spmem:s15], $0x80, $0x38;
	[tilespmem:$0x1F700] =	vst v63  }
0x61: {  	s31 =	simm.s32 $0x18E00;
	s5 =	rddreg [dreg:$0x19]  }
0x62: {  	[tilespmem:s31], [sflag:$0x1] =	stream.linear.gather [spmem:s17], $0x80, $0x38;
	[tilespmem:$0x1F700] =	vst v63  }
0x63: {  	s11 =	simm.s32 $0x18F00;
	s12 =	rddreg [dreg:$0x1a]  }
0x64: {  	[tilespmem:s11], [sflag:$0x1] =	stream.linear.gather [spmem:s5], $0x80, $0x38;
	[tilespmem:$0x1F700] =	vst v63  }
0x65: {  	s14 =	simm.s32 $0x19000;
	s15 =	rddreg [dreg:$0x1b]  }
0x66: {  	[tilespmem:s14], [sflag:$0x1] =	stream.linear.gather [spmem:s12], $0x80, $0x38;
	[tilespmem:$0x1F700] =	vst v63  }
0x67: {  	s16 =	simm.s32 $0x19100;
	s17 =	rddreg [dreg:$0x1c]  }
0x68: {  	[tilespmem:s16], [sflag:$0x1] =	stream.linear.gather [spmem:s15], $0x80, $0x38;
	[tilespmem:$0x1F700] =	vst v63  }
0x69: {  	s31 =	simm.s32 $0x19200;
	s5 =	rddreg [dreg:$0x1d]  }
0x6a: {  	[tilespmem:s31], [sflag:$0x1] =	stream.linear.gather [spmem:s17], $0x80, $0x38;
	[tilespmem:$0x1F700] =	vst v63  }
0x6b: {  	s11 =	simm.s32 $0x19300;
	s12 =	rddreg [dreg:$0x1e]  }
0x6c: {  	[tilespmem:s11], [sflag:$0x1] =	stream.linear.gather [spmem:s5], $0x80, $0x38;
	[tilespmem:$0x1F700] =	vst v63  }
0x6d: {  	s14 =	simm.s32 $0x19400;
	s15 =	rddreg [dreg:$0x1f]  }
0x6e: {  	[tilespmem:s14], [sflag:$0x1] =	stream.linear.gather [spmem:s12], $0x80, $0x38;
	[tilespmem:$0x1F700] =	vst v63  }
0x6f: {  	s16 =	simm.s32 $0x19500;
	s17 =	sld [smem:$0x7DB]  }
0x70: {  	[tilespmem:s16], [sflag:$0x1] =	stream.linear.gather [spmem:s15], $0x80, $0x38;
	[tilespmem:$0x1F700] =	vst v63  }
0x71: {  	s31 =	simm.s32 $0x19600;
	s5 =	sld [smem:$0x7DC]  }
0x72: {  	[tilespmem:s31], [sflag:$0x1] =	stream.linear.gather [spmem:s17], $0x80, $0x38;
	[tilespmem:$0x1F700] =	vst v63  }
0x73: {  	s11 =	simm.s32 $0x19700;
	s12 =	sld [smem:$0x7DD]  }
0x74: {  	[tilespmem:s11], [sflag:$0x1] =	stream.linear.gather [spmem:s5], $0x80, $0x38;
	[tilespmem:$0x1F700] =	vst v63  }
0x75: {  	s14 =	simm.s32 $0x19800;
	s15 =	sld [smem:$0x7DE]  }
0x76: {  	[tilespmem:s14], [sflag:$0x1] =	stream.linear.gather [spmem:s12], $0x80, $0x38;
	[tilespmem:$0x1F700] =	vst v63  }
0x77: {  	s16 =	simm.s32 $0x19900;
	s17 =	sld [smem:$0x7DF]  }
0x78: {  	[tilespmem:s16], [sflag:$0x1] =	stream.linear.gather [spmem:s15], $0x80, $0x38;
	[tilespmem:$0x1F700] =	vst v63  }
0x79: {  	s31 =	simm.s32 $0x19A00;
	s5 =	rddreg [dreg:$0x11]  }
0x7a: {  	[tilespmem:s31], [sflag:$0x1] =	stream.linear.gather [spmem:s17], $0x80, $0x38;
	[tilespmem:$0x1F700] =	vst v63  }
0x7b: {  	s11 =	simm.s32 $0x19B00;
	s12 =	sld [smem:$0x7E0]  }
0x7c: {  	[tilespmem:s11], [sflag:$0x1] =	stream.linear.gather [spmem:s5], $0x80, $0x38;
	[tilespmem:$0x1F700] =	vst v63  }
0x7d: {  	s14 =	simm.s32 $0x19C00;
	s15 =	sld [smem:$0x7E1]  }
0x7e: {  	[tilespmem:s14], [sflag:$0x1] =	stream.linear.gather [spmem:s12], $0x80, $0x38;
	[tilespmem:$0x1F700] =	vst v63  }
0x7f: {  	s16 =	simm.s32 $0x19D00;
	s17 =	sld [smem:$0x7E2]  }
0x80: {  	[tilespmem:s16], [sflag:$0x1] =	stream.linear.gather [spmem:s15], $0x80, $0x38;
	[tilespmem:$0x1F700] =	vst v63  }
0x81: {  	s31 =	simm.s32 $0x19E00;
	s5 =	sld [smem:$0x7E3]  }
0x82: {  	[tilespmem:s31], [sflag:$0x1] =	stream.linear.gather [spmem:s17], $0x80, $0x38;
	[tilespmem:$0x1F700] =	vst v63  }
0x83: {  	s11 =	simm.s32 $0x19F00;
	s12 =	sld [smem:$0x7E4]  }
0x84: {  	[tilespmem:s11], [sflag:$0x1] =	stream.linear.gather [spmem:s5], $0x80, $0x38;
	[tilespmem:$0x1F700] =	vst v63  }
0x85: {  	s14 =	simm.s32 $0x1A000;
	s15 =	sld [smem:$0x7E5]  }
0x86: {  	[tilespmem:s14], [sflag:$0x1] =	stream.linear.gather [spmem:s12], $0x80, $0x38;
	[tilespmem:$0x1F700] =	vst v63  }
0x87: {  	s16 =	simm.s32 $0x1A100;
	s17 =	sld [smem:$0x7E6]  }
0x88: {  	[tilespmem:s16], [sflag:$0x1] =	stream.linear.gather [spmem:s15], $0x80, $0x38;
	[tilespmem:$0x1F700] =	vst v63  }
0x89: {  	s31 =	simm.s32 $0x1A200;
	s5 =	sld [smem:$0x7E7]  }
0x8a: {  	[tilespmem:s31], [sflag:$0x1] =	stream.linear.gather [spmem:s17], $0x80, $0x38;
	[tilespmem:$0x1F700] =	vst v63  }
0x8b: {  	s11 =	simm.s32 $0x1A300;
	s12 =	sld [smem:$0x7E8]  }
0x8c: {  	[tilespmem:s11], [sflag:$0x1] =	stream.linear.gather [spmem:s5], $0x80, $0x38;
	[tilespmem:$0x1F700] =	vst v63  }
0x8d: {  	s14 =	simm.s32 $0x1A400;
	s15 =	sld [smem:$0x7E9]  }
0x8e: {  	[tilespmem:s14], [sflag:$0x1] =	stream.linear.gather [spmem:s12], $0x80, $0x38;
	[tilespmem:$0x1F700] =	vst v63  }
0x8f: {  	s16 =	simm.s32 $0x1A500;
	s17 =	sld [smem:$0x7EA]  }
0x90: {  	[tilespmem:s16], [sflag:$0x1] =	stream.linear.gather [spmem:s15], $0x80, $0x38;
	[tilespmem:$0x1F700] =	vst v63  }
0x91: {  	s31 =	simm.s32 $0x1A600;
	s5 =	sld [smem:$0x7EB]  }
0x92: {  	[tilespmem:s31], [sflag:$0x1] =	stream.linear.gather [spmem:s17], $0x80, $0x38;
	[tilespmem:$0x1F700] =	vst v63  }
0x93: {  	s11 =	simm.s32 $0x1A700;
	s12 =	sld [smem:$0x7EC]  }
0x94: {  	[tilespmem:s11], [sflag:$0x1] =	stream.linear.gather [spmem:s5], $0x80, $0x38;
	[tilespmem:$0x1F700] =	vst v63  }
0x95: {  	s14 =	simm.s32 $0x1A800;
	s15 =	sld [smem:$0x7ED]  }
0x96: {  	[tilespmem:s14], [sflag:$0x1] =	stream.linear.gather [spmem:s12], $0x80, $0x38;
	[tilespmem:$0x1F700] =	vst v63  }
0x97: {  	s16 =	simm.s32 $0x1A900;
	s17 =	sld [smem:$0x7EE]  }
0x98: {  	[tilespmem:s16], [sflag:$0x1] =	stream.linear.gather [spmem:s15], $0x80, $0x38;
	[tilespmem:$0x1F700] =	vst v63  }
0x99: {  	s31 =	simm.s32 $0x1AA00;
	s5 =	rddreg [dreg:$0x12]  }
0x9a: {  	[tilespmem:s31], [sflag:$0x1] =	stream.linear.gather [spmem:s17], $0x80, $0x38;
	[tilespmem:$0x1F700] =	vst v63  }
0x9b: {  	s11 =	simm.s32 $0x1AB00;
	s12 =	sld [smem:$0x7EF]  }
0x9c: {  	[tilespmem:s11], [sflag:$0x1] =	stream.linear.gather [spmem:s5], $0x80, $0x38;
	[tilespmem:$0x1F700] =	vst v63  }
0x9d: {  	s14 =	simm.s32 $0x1AC00;
	s15 =	sld [smem:$0x7F0]  }
0x9e: {  	[tilespmem:s14], [sflag:$0x1] =	stream.linear.gather [spmem:s12], $0x80, $0x38;
	[tilespmem:$0x1F700] =	vst v63  }
0x9f: {  	s16 =	simm.s32 $0x1AD00;
	s17 =	sld [smem:$0x7F1]  }
0xa0: {  	[tilespmem:s16], [sflag:$0x1] =	stream.linear.gather [spmem:s15], $0x80, $0x38;
	[tilespmem:$0x1F700] =	vst v63  }
0xa1: {  	s31 =	simm.s32 $0x1AE00;
	s5 =	sld [smem:$0x7F2]  }
0xa2: {  	[tilespmem:s31], [sflag:$0x1] =	stream.linear.gather [spmem:s17], $0x80, $0x38;
	[tilespmem:$0x1F700] =	vst v63  }
0xa3: {  	s11 =	simm.s32 $0x1AF00;
	s12 =	sld [smem:$0x7F3]  }
0xa4: {  	[tilespmem:s11], [sflag:$0x1] =	stream.linear.gather [spmem:s5], $0x80, $0x38;
	[tilespmem:$0x1F700] =	vst v63  }
0xa5: {  	s14 =	simm.s32 $0x1B000;
	s15 =	sld [smem:$0x7F4]  }
0xa6: {  	[tilespmem:s14], [sflag:$0x1] =	stream.linear.gather [spmem:s12], $0x80, $0x38;
	[tilespmem:$0x1F700] =	vst v63  }
0xa7: {  	s16 =	simm.s32 $0x1B100;
	s17 =	sld [smem:$0x7F5]  }
0xa8: {  	[tilespmem:s16], [sflag:$0x1] =	stream.linear.gather [spmem:s15], $0x80, $0x38;
	[tilespmem:$0x1F700] =	vst v63  }
0xa9: {  	s31 =	simm.s32 $0x1B200;
	s5 =	sld [smem:$0x7F6]  }
0xaa: {  	[tilespmem:s31], [sflag:$0x1] =	stream.linear.gather [spmem:s17], $0x80, $0x38;
	[tilespmem:$0x1F700] =	vst v63  }
0xab: {  	s11 =	simm.s32 $0x1B300;
	s12 =	sld [smem:$0x7F7]  }
0xac: {  	[tilespmem:s11], [sflag:$0x1] =	stream.linear.gather [spmem:s5], $0x80, $0x38;
	[tilespmem:$0x1F700] =	vst v63  }
0xad: {  	s14 =	simm.s32 $0x1B400;
	s15 =	sld [smem:$0x7F8]  }
0xae: {  	[tilespmem:s14], [sflag:$0x1] =	stream.linear.gather [spmem:s12], $0x80, $0x38;
	[tilespmem:$0x1F700] =	vst v63  }
0xaf: {  	s16 =	simm.s32 $0x1B500;
	s17 =	sld [smem:$0x7F9]  }
0xb0: {  	[tilespmem:s16], [sflag:$0x1] =	stream.linear.gather [spmem:s15], $0x80, $0x38;
	[tilespmem:$0x1F700] =	vst v63  }
0xb1: {  	s2 =	sld [smem:$0x7FA];
	s31 =	simm.s32 $0x1B600  }
0xb2: {  	[tilespmem:s31], [sflag:$0x1] =	stream.linear.gather [spmem:s17], $0x80, $0x38;
	[tilespmem:$0x1F700] =	vst v63  }
0xb3: {  	s5 =	simm.s32 $0x1B700;
	s11 =	sld [smem:$0x7FB]  }
0xb4: {  	[tilespmem:s5], [sflag:$0x1] =	stream.linear.gather [spmem:s2], $0x80, $0x38;
	[tilespmem:$0x1F700] =	vst v63  }
0xb5: {  	s12 =	simm.s32 $0x1B800;
	s14 =	sld [smem:$0x7FC]  }
0xb6: {  	[tilespmem:s12], [sflag:$0x1] =	stream.linear.gather [spmem:s11], $0x80, $0x38;
	[tilespmem:$0x1F700] =	vst v63  }
0xb7: {  	s15 =	simm.s32 $0x1B900;
	s16 =	sld [smem:$0x7FD]  }
0xb8: {  	[tilespmem:s15], [sflag:$0x1] =	stream.linear.gather [spmem:s14], $0x80, $0x38;
	[tilespmem:$0x1F700] =	vst v63  }
0xb9: {  	s17 =	simm.s32 $0x1BA00;
	s31 =	simm.s32 $0x5  }
0xba: {  	[tilespmem:s17], [sflag:$0x1] =	stream.linear.gather [spmem:s16], $0x80, $0x38;
	[tilespmem:$0x1F700] =	vst v63  }
0xbb: {  	_ =	swait.ge [sflag:s31], $0x18700  }
0xbc: {  	[sflag:s31] =	ssyncset.done $0x0  }
0xbd: {  	s30 =	simm.s32 $0x0;
	[sflag:s31] =	ssyncadd.s32 $0xFFFE7900  }
.LBB2_2:
0xbe: {  	s5 =	sshll.u32 s30, $0xC  }
0xbf: {  	s0 =	sand.u32 $0x3000, s5  }
0xc0: {  	s31 =	sor.u32 $0x800, s0  }
0xc1: {  	s2 =	simm.s32 $0x18B80;
	s0 =	sadd.s32 s31, s7  }
0xc2: {  	[tilespmem:s2], [sflag:$0x2] =	stream.linear.gather [spmem:s0], $0x80, $0x38;
	[tilespmem:$0x1F700] =	vst v63  }
0xc3: {  	s11 =	simm.s32 $0x18C80;
	s12 =	sadd.s32 $0x80, s0  }
0xc4: {  	[tilespmem:s11], [sflag:$0x2] =	stream.linear.gather [spmem:s12], $0x80, $0x38;
	[tilespmem:$0x1F700] =	vst v63  }
0xc5: {  	s15 =	simm.s32 $0x18D80;
	s14 =	sadd.s32 $0x100, s0  }
0xc6: {  	[tilespmem:s15], [sflag:$0x2] =	stream.linear.gather [spmem:s14], $0x80, $0x38;
	[tilespmem:$0x1F700] =	vst v63  }
0xc7: {  	s17 =	simm.s32 $0x18E80;
	s16 =	sadd.s32 $0x180, s0  }
0xc8: {  	[tilespmem:s17], [sflag:$0x2] =	stream.linear.gather [spmem:s16], $0x80, $0x38;
	[tilespmem:$0x1F700] =	vst v63  }
0xc9: {  	s11 =	sadd.s32 $0x200, s0;
	s12 =	simm.s32 $0x18F80  }
0xca: {  	[tilespmem:s12], [sflag:$0x2] =	stream.linear.gather [spmem:s11], $0x80, $0x38;
	[tilespmem:$0x1F700] =	vst v63  }
0xcb: {  	s14 =	sadd.s32 $0x280, s0;
	s15 =	simm.s32 $0x19080  }
0xcc: {  	[tilespmem:s15], [sflag:$0x2] =	stream.linear.gather [spmem:s14], $0x80, $0x38;
	[tilespmem:$0x1F700] =	vst v63  }
0xcd: {  	s16 =	sadd.s32 $0x300, s0;
	s17 =	simm.s32 $0x19180  }
0xce: {  	[tilespmem:s17], [sflag:$0x2] =	stream.linear.gather [spmem:s16], $0x80, $0x38;
	[tilespmem:$0x1F700] =	vst v63  }
0xcf: {  	s11 =	sadd.s32 $0x380, s0;
	s12 =	simm.s32 $0x19280  }
0xd0: {  	[tilespmem:s12], [sflag:$0x2] =	stream.linear.gather [spmem:s11], $0x80, $0x38;
	[tilespmem:$0x1F700] =	vst v63  }
0xd1: {  	s14 =	sadd.s32 $0x400, s0;
	s15 =	simm.s32 $0x19380  }
0xd2: {  	[tilespmem:s15], [sflag:$0x2] =	stream.linear.gather [spmem:s14], $0x80, $0x38;
	[tilespmem:$0x1F700] =	vst v63  }
0xd3: {  	s16 =	sadd.s32 $0x480, s0;
	s17 =	simm.s32 $0x19480  }
0xd4: {  	[tilespmem:s17], [sflag:$0x2] =	stream.linear.gather [spmem:s16], $0x80, $0x38;
	[tilespmem:$0x1F700] =	vst v63  }
0xd5: {  	s11 =	sadd.s32 $0x500, s0;
	s12 =	simm.s32 $0x19580  }
0xd6: {  	[tilespmem:s12], [sflag:$0x2] =	stream.linear.gather [spmem:s11], $0x80, $0x38;
	[tilespmem:$0x1F700] =	vst v63  }
0xd7: {  	s14 =	sadd.s32 $0x580, s0;
	s15 =	simm.s32 $0x19680  }
0xd8: {  	[tilespmem:s15], [sflag:$0x2] =	stream.linear.gather [spmem:s14], $0x80, $0x38;
	[tilespmem:$0x1F700] =	vst v63  }
0xd9: {  	s16 =	sadd.s32 $0x600, s0;
	s17 =	simm.s32 $0x19780  }
0xda: {  	[tilespmem:s17], [sflag:$0x2] =	stream.linear.gather [spmem:s16], $0x80, $0x38;
	[tilespmem:$0x1F700] =	vst v63  }
0xdb: {  	s11 =	sadd.s32 $0x680, s0;
	s12 =	simm.s32 $0x19880  }
0xdc: {  	[tilespmem:s12], [sflag:$0x2] =	stream.linear.gather [spmem:s11], $0x80, $0x38;
	[tilespmem:$0x1F700] =	vst v63  }
0xdd: {  	s14 =	sadd.s32 $0x700, s0;
	s15 =	simm.s32 $0x19980  }
0xde: {  	[tilespmem:s15], [sflag:$0x2] =	stream.linear.gather [spmem:s14], $0x80, $0x38;
	[tilespmem:$0x1F700] =	vst v63  }
0xdf: {  	s16 =	sadd.s32 $0x780, s0;
	s17 =	simm.s32 $0x19A80  }
0xe0: {  	[tilespmem:s17], [sflag:$0x2] =	stream.linear.gather [spmem:s16], $0x80, $0x38;
	[tilespmem:$0x1F700] =	vst v63  }
0xe1: {  	s11 =	sadd.s32 $0x4000, s0;
	s12 =	simm.s32 $0x19B80  }
0xe2: {  	[tilespmem:s12], [sflag:$0x2] =	stream.linear.gather [spmem:s11], $0x80, $0x38;
	[tilespmem:$0x1F700] =	vst v63  }
0xe3: {  	s14 =	sadd.s32 $0x4080, s0;
	s15 =	simm.s32 $0x19C80  }
0xe4: {  	[tilespmem:s15], [sflag:$0x2] =	stream.linear.gather [spmem:s14], $0x80, $0x38;
	[tilespmem:$0x1F700] =	vst v63  }
0xe5: {  	s16 =	sadd.s32 $0x4100, s0;
	s17 =	simm.s32 $0x19D80  }
0xe6: {  	[tilespmem:s17], [sflag:$0x2] =	stream.linear.gather [spmem:s16], $0x80, $0x38;
	[tilespmem:$0x1F700] =	vst v63  }
0xe7: {  	s11 =	sadd.s32 $0x4180, s0;
	s12 =	simm.s32 $0x19E80  }
0xe8: {  	[tilespmem:s12], [sflag:$0x2] =	stream.linear.gather [spmem:s11], $0x80, $0x38;
	[tilespmem:$0x1F700] =	vst v63  }
0xe9: {  	s14 =	sadd.s32 $0x4200, s0;
	s15 =	simm.s32 $0x19F80  }
0xea: {  	[tilespmem:s15], [sflag:$0x2] =	stream.linear.gather [spmem:s14], $0x80, $0x38;
	[tilespmem:$0x1F700] =	vst v63  }
0xeb: {  	s16 =	sadd.s32 $0x4280, s0;
	s17 =	simm.s32 $0x1A080  }
0xec: {  	[tilespmem:s17], [sflag:$0x2] =	stream.linear.gather [spmem:s16], $0x80, $0x38;
	[tilespmem:$0x1F700] =	vst v63  }
0xed: {  	s11 =	sadd.s32 $0x4300, s0;
	s12 =	simm.s32 $0x1A180  }
0xee: {  	[tilespmem:s12], [sflag:$0x2] =	stream.linear.gather [spmem:s11], $0x80, $0x38;
	[tilespmem:$0x1F700] =	vst v63  }
0xef: {  	s14 =	sadd.s32 $0x4380, s0;
	s15 =	simm.s32 $0x1A280  }
0xf0: {  	[tilespmem:s15], [sflag:$0x2] =	stream.linear.gather [spmem:s14], $0x80, $0x38;
	[tilespmem:$0x1F700] =	vst v63  }
0xf1: {  	s16 =	sadd.s32 $0x4400, s0;
	s17 =	simm.s32 $0x1A380  }
0xf2: {  	[tilespmem:s17], [sflag:$0x2] =	stream.linear.gather [spmem:s16], $0x80, $0x38;
	[tilespmem:$0x1F700] =	vst v63  }
0xf3: {  	s11 =	sadd.s32 $0x4480, s0;
	s12 =	simm.s32 $0x1A480  }
0xf4: {  	[tilespmem:s12], [sflag:$0x2] =	stream.linear.gather [spmem:s11], $0x80, $0x38;
	[tilespmem:$0x1F700] =	vst v63  }
0xf5: {  	s14 =	sadd.s32 $0x4500, s0;
	s15 =	simm.s32 $0x1A580  }
0xf6: {  	[tilespmem:s15], [sflag:$0x2] =	stream.linear.gather [spmem:s14], $0x80, $0x38;
	[tilespmem:$0x1F700] =	vst v63  }
0xf7: {  	s16 =	sadd.s32 $0x4580, s0;
	s17 =	simm.s32 $0x1A680  }
0xf8: {  	[tilespmem:s17], [sflag:$0x2] =	stream.linear.gather [spmem:s16], $0x80, $0x38;
	[tilespmem:$0x1F700] =	vst v63  }
0xf9: {  	s11 =	sadd.s32 $0x4600, s0;
	s12 =	simm.s32 $0x1A780  }
0xfa: {  	[tilespmem:s12], [sflag:$0x2] =	stream.linear.gather [spmem:s11], $0x80, $0x38;
	[tilespmem:$0x1F700] =	vst v63  }
0xfb: {  	s14 =	sadd.s32 $0x4680, s0;
	s15 =	simm.s32 $0x1A880  }
0xfc: {  	[tilespmem:s15], [sflag:$0x2] =	stream.linear.gather [spmem:s14], $0x80, $0x38;
	[tilespmem:$0x1F700] =	vst v63  }
0xfd: {  	s16 =	sadd.s32 $0x4700, s0;
	s17 =	simm.s32 $0x1A980  }
0xfe: {  	[tilespmem:s17], [sflag:$0x2] =	stream.linear.gather [spmem:s16], $0x80, $0x38;
	[tilespmem:$0x1F700] =	vst v63  }
0xff: {  	s11 =	sadd.s32 $0x4780, s0;
	s12 =	simm.s32 $0x1AA80  }
0x100: {  	[tilespmem:s12], [sflag:$0x2] =	stream.linear.gather [spmem:s11], $0x80, $0x38;
	[tilespmem:$0x1F700] =	vst v63  }
0x101: {  	s14 =	sadd.s32 $0x8000, s0;
	s15 =	simm.s32 $0x1AB80  }
0x102: {  	[tilespmem:s15], [sflag:$0x2] =	stream.linear.gather [spmem:s14], $0x80, $0x38;
	[tilespmem:$0x1F700] =	vst v63  }
0x103: {  	s16 =	sadd.s32 $0x8080, s0;
	s17 =	simm.s32 $0x1AC80  }
0x104: {  	[tilespmem:s17], [sflag:$0x2] =	stream.linear.gather [spmem:s16], $0x80, $0x38;
	[tilespmem:$0x1F700] =	vst v63  }
0x105: {  	s11 =	sadd.s32 $0x8100, s0;
	s12 =	simm.s32 $0x1AD80  }
0x106: {  	[tilespmem:s12], [sflag:$0x2] =	stream.linear.gather [spmem:s11], $0x80, $0x38;
	[tilespmem:$0x1F700] =	vst v63  }
0x107: {  	s14 =	sadd.s32 $0x8180, s0;
	s15 =	simm.s32 $0x1AE80  }
0x108: {  	[tilespmem:s15], [sflag:$0x2] =	stream.linear.gather [spmem:s14], $0x80, $0x38;
	[tilespmem:$0x1F700] =	vst v63  }
0x109: {  	s16 =	sadd.s32 $0x8200, s0;
	s17 =	simm.s32 $0x1AF80  }
0x10a: {  	[tilespmem:s17], [sflag:$0x2] =	stream.linear.gather [spmem:s16], $0x80, $0x38;
	[tilespmem:$0x1F700] =	vst v63  }
0x10b: {  	s11 =	sadd.s32 $0x8280, s0;
	s12 =	simm.s32 $0x1B080  }
0x10c: {  	[tilespmem:s12], [sflag:$0x2] =	stream.linear.gather [spmem:s11], $0x80, $0x38;
	[tilespmem:$0x1F700] =	vst v63  }
0x10d: {  	s14 =	sadd.s32 $0x8300, s0;
	s15 =	simm.s32 $0x1B180  }
0x10e: {  	[tilespmem:s15], [sflag:$0x2] =	stream.linear.gather [spmem:s14], $0x80, $0x38;
	[tilespmem:$0x1F700] =	vst v63  }
0x10f: {  	s16 =	sadd.s32 $0x8380, s0;
	s17 =	simm.s32 $0x1B280  }
0x110: {  	[tilespmem:s17], [sflag:$0x2] =	stream.linear.gather [spmem:s16], $0x80, $0x38;
	[tilespmem:$0x1F700] =	vst v63  }
0x111: {  	s11 =	sadd.s32 $0x8400, s0;
	s12 =	simm.s32 $0x1B380  }
0x112: {  	[tilespmem:s12], [sflag:$0x2] =	stream.linear.gather [spmem:s11], $0x80, $0x38;
	[tilespmem:$0x1F700] =	vst v63  }
0x113: {  	s14 =	sadd.s32 $0x8480, s0;
	s15 =	simm.s32 $0x1B480  }
0x114: {  	[tilespmem:s15], [sflag:$0x2] =	stream.linear.gather [spmem:s14], $0x80, $0x38;
	[tilespmem:$0x1F700] =	vst v63  }
0x115: {  	s16 =	sadd.s32 $0x8500, s0;
	s17 =	simm.s32 $0x1B580  }
0x116: {  	[tilespmem:s17], [sflag:$0x2] =	stream.linear.gather [spmem:s16], $0x80, $0x38;
	[tilespmem:$0x1F700] =	vst v63  }
0x117: {  	s11 =	sadd.s32 $0x8580, s0;
	s12 =	simm.s32 $0x1B680  }
0x118: {  	[tilespmem:s12], [sflag:$0x2] =	stream.linear.gather [spmem:s11], $0x80, $0x38;
	[tilespmem:$0x1F700] =	vst v63  }
0x119: {  	s14 =	sadd.s32 $0x8600, s0;
	s15 =	simm.s32 $0x1B780  }
0x11a: {  	[tilespmem:s15], [sflag:$0x2] =	stream.linear.gather [spmem:s14], $0x80, $0x38;
	[tilespmem:$0x1F700] =	vst v63  }
0x11b: {  	s16 =	sadd.s32 $0x8680, s0;
	s17 =	simm.s32 $0x1B880  }
0x11c: {  	[tilespmem:s17], [sflag:$0x2] =	stream.linear.gather [spmem:s16], $0x80, $0x38;
	[tilespmem:$0x1F700] =	vst v63  }
0x11d: {  	p0 =	seq.s32 s30, $0x0;
	s16 =	sshll.u32 s30, $0x1  }
0x11e: {  	s12 =	sadd.s32 $0x8700, s0;
	s14 =	simm.s32 $0x1B980;
	s2 =	sand.u32 $0x6, s16  }
0x11f: {  	[tilespmem:s14], [sflag:$0x2] =	stream.linear.gather [spmem:s12], $0x80, $0x38;
	[tilespmem:$0x1F700] =	vst v63  }
0x120: {  	p1 =	sne.s32 @!p0 s2, $0x0  }
0x121: {  	s0 =	sadd.s32 $0x8780, s0;
	s15 =	simm.s32 $0x1BA80;
	p1 =	por p1, p0  }
0x122: {  	[tilespmem:s15], [sflag:$0x2] =	stream.linear.gather [spmem:s0], $0x80, $0x38;
	[tilespmem:$0x1F700] =	vst v63  }
0x123: {  	s0 =	sshrl.u32 @!p1 s30, $0x2  }
0x124: {  	s0 =	sadd.s32 @!p1 s8, s0  }
0x125: {  	s0 =	sshll.u32 @!p1 s0, $0x7  }
0x126: {  	s0 =	sand.u32 @!p1 $0x380, s0  }
0x127: {  	s11 =	sor.u32 @!p1 s10, s0  }
0x128: {  	s12 =	rddreg [dreg:$0x3];
	s14 =	simm.s32 @!p1 $0x400;
	s11 =	sshrl.u32 @!p1 s11, $0x3  }
0x129: {  	s15 =	simm.s32 @!p1 $0x0;
	s11 =	sadd.s32 @!p1 s12, s11;
	s12 =	simm.s32 @!p1 $0x80  }
0x12a: {  	[tilespmem:s15], [sflag:$0x6] =	stream.strided.gather @!p1 [hbm4b:s11+s12], $0x18700, s14, s12, $0x38;
	[tilespmem:$0x1F700] =	vst v63  }
0x12b: {  	s11 =	simm.s32 @!p1 $0x6  }
0x12c: {  	_ =	swait.ge @!p1 [sflag:s11], $0x18700  }
0x12d: {  	[sflag:s11] =	ssyncset.done @!p1 $0x0  }
0x12e: {  	s0 =	sor.u32 @!p1 s13, s0;
	[sflag:s11] =	ssyncadd.s32 @!p1 $0xFFFE7900  }
0x12f: {  	s0 =	sshrl.u32 @!p1 s0, $0x3;
	s15 =	rddreg [dreg:$0x4]  }
0x130: {  	s0 =	sadd.s32 @!p1 s15, s0;
	s15 =	simm.s32 @!p1 $0x18700  }
0x131: {  	[tilespmem:s15], [sflag:$0x6] =	stream.strided.gather @!p1 [hbm4b:s0+s12], $0x400, s14, s12, $0x38;
	[tilespmem:$0x1F700] =	vst v63  }
0x132: {  	_ =	swait.ge @!p1 [sflag:s11], $0x400  }
0x133: {  	[sflag:s11] =	ssyncset.done @!p1 $0x0  }
0x134: {  	[sflag:s11] =	ssyncadd.s32 @!p1 $0xFFFFFC00  }
0x135: {  	_ =	swait.ge [sflag:s24], $0x800  }
0x136: {  	[sflag:s24] =	ssyncset.done $0x0  }
0x137: {  	[sflag:s24] =	ssyncadd.s32 $0xFFFFF800  }
0x138: {  	_ =	swait.ge [sflag:s24], $0x800  }
0x139: {  	[sflag:s24] =	ssyncset.done $0x0  }
0x13a: {  	[sflag:s24] =	ssyncadd.s32 $0xFFFFF800  }
0x13b: {  	_ =	swait.ge [sflag:s24], $0x800  }
0x13c: {  	[sflag:s24] =	ssyncset.done $0x0  }
0x13d: {  	s0 =	simm.s32 @!p0 $0x3;
	[sflag:s24] =	ssyncadd.s32 $0xFFFFF800  }
0x13e: {  	_ =	swait.ge @!p0 [sflag:s0], $0x800  }
0x13f: {  	[sflag:s0] =	ssyncset.done @!p0 $0x0  }
0x140: {  	[sflag:s0] =	ssyncadd.s32 @!p0 $0xFFFFF800  }
0x141: {  	_ =	swait.ge @!p0 [sflag:s0], $0x800  }
0x142: {  	[sflag:s0] =	ssyncset.done @!p0 $0x0  }
0x143: {  	[sflag:s0] =	ssyncadd.s32 @!p0 $0xFFFFF800  }
0x144: {  	_ =	swait.ge @!p0 [sflag:s0], $0x800  }
0x145: {  	[sflag:s0] =	ssyncset.done @!p0 $0x0  }
0x146: {  	s17 =	simm.s32 $0x18C00;
	[sflag:s0] =	ssyncadd.s32 @!p0 $0xFFFFF800  }
0x147: {  	v0 =	vld [tilespmem:s17+$0x70]  }
0x148: {  	v1 =	vld [tilespmem:s17+$0xFFFFFF10]  }
0x149: {  	v2 =	vld [tilespmem:s17+$0xFFFFFF20]  }
0x14a: {  	v3 =	vld [tilespmem:s17+$0xFFFFFF30]  }
0x14b: {  	v4 =	vld [tilespmem:s17+$0xFFFFFF40]  }
0x14c: {  	v5 =	vld [tilespmem:s17+$0xFFFFFF50]  }
0x14d: {  	v6 =	vld [tilespmem:s17+$0xFFFFFF60]  }
0x14e: {  	v7 =	vld [tilespmem:s17+$0xFFFFFF70]  }
0x14f: {  	v8 =	vld [tilespmem:s17+$0x0]  }
0x150: {  	v9 =	vld [tilespmem:s17+$0x10]  }
0x151: {  	v10 =	vld [tilespmem:s17+$0x20]  }
0x152: {  	v11 =	vld [tilespmem:s17+$0x30]  }
0x153: {  	v12 =	vld [tilespmem:s17+$0x40]  }
0x154: {  	v13 =	vld [tilespmem:s17+$0x50]  }
0x155: {  	v14 =	vld [tilespmem:s17+$0x60]  }
0x156: {  	v15 =	vld [tilespmem:s17+$0xFFFFFF00]  }
0x157: {  	v0 =	vld.idx.msk [tilespmem:v0+s9+$0x0], $0xffff  }
0x158: {  	v1 =	vld.idx.msk [tilespmem:v1+s9+$0x0], $0xffff  }
0x159: {  	v2 =	vld.idx.msk [tilespmem:v2+s9+$0x0], $0xffff  }
0x15a: {  	v3 =	vld.idx.msk [tilespmem:v3+s9+$0x0], $0xffff  }
0x15b: {  	v4 =	vld.idx.msk [tilespmem:v4+s9+$0x0], $0xffff  }
0x15c: {  	v5 =	vld.idx.msk [tilespmem:v5+s9+$0x0], $0xffff  }
0x15d: {  	v6 =	vld.idx.msk [tilespmem:v6+s9+$0x0], $0xffff  }
0x15e: {  	v15 =	vld.idx.msk [tilespmem:v15+s9+$0x0], $0xffff  }
0x15f: {  	v7 =	vld.idx.msk [tilespmem:v7+s9+$0x0], $0xffff  }
0x160: {  	v8 =	vld.idx.msk [tilespmem:v8+s9+$0x0], $0xffff  }
0x161: {  	v9 =	vld.idx.msk [tilespmem:v9+s9+$0x0], $0xffff  }
0x162: {  	v10 =	vld.idx.msk [tilespmem:v10+s9+$0x0], $0xffff  }
0x163: {  	v11 =	vld.idx.msk [tilespmem:v11+s9+$0x0], $0xffff  }
0x164: {  	v12 =	vld.idx.msk [tilespmem:v12+s9+$0x0], $0xffff  }
0x165: {  	s11 =	simm.s32 $0x1BC00;
	v13 =	vld.idx.msk [tilespmem:v13+s9+$0x0], $0xffff  }
0x166: {  	s0 =	simm.s32 $0x19C00;
	v14 =	vld.idx.msk [tilespmem:v14+s9+$0x0], $0xffff;
	[tilespmem:s11+$0x70] =	vst v0  }
0x167: {  	[tilespmem:s11+$0xFFFFFF00] =	vst v15;
	v0 =	vld [tilespmem:s0+$0x70]  }
0x168: {  	[tilespmem:s11+$0xFFFFFF10] =	vst v1;
	v1 =	vld [tilespmem:s0+$0xFFFFFF00]  }
0x169: {  	[tilespmem:s11+$0xFFFFFF20] =	vst v2;
	v2 =	vld [tilespmem:s0+$0xFFFFFF10]  }
0x16a: {  	[tilespmem:s11+$0xFFFFFF30] =	vst v3;
	v54 =	vld [tilespmem:s0+$0xFFFFFF20]  }
0x16b: {  	[tilespmem:s11+$0xFFFFFF40] =	vst v4;
	v3 =	vld [tilespmem:s0+$0xFFFFFF30]  }
0x16c: {  	[tilespmem:s11+$0xFFFFFF50] =	vst v5;
	v4 =	vld [tilespmem:s0+$0xFFFFFF40]  }
0x16d: {  	[tilespmem:s11+$0xFFFFFF60] =	vst v6;
	v5 =	vld [tilespmem:s0+$0xFFFFFF50]  }
0x16e: {  	[tilespmem:s11+$0xFFFFFF70] =	vst v7;
	v6 =	vld [tilespmem:s0+$0xFFFFFF60]  }
0x16f: {  	[tilespmem:s11+$0x0] =	vst v8;
	v7 =	vld [tilespmem:s0+$0xFFFFFF70]  }
0x170: {  	[tilespmem:s11+$0x10] =	vst v9;
	v8 =	vld [tilespmem:s0+$0x0]  }
0x171: {  	[tilespmem:s11+$0x20] =	vst v10;
	v9 =	vld [tilespmem:s0+$0x10]  }
0x172: {  	[tilespmem:s11+$0x30] =	vst v11;
	v10 =	vld [tilespmem:s0+$0x20]  }
0x173: {  	[tilespmem:s11+$0x40] =	vst v12;
	v11 =	vld [tilespmem:s0+$0x30]  }
0x174: {  	[tilespmem:s11+$0x50] =	vst v13;
	v12 =	vld [tilespmem:s0+$0x40]  }
0x175: {  	[tilespmem:s11+$0x60] =	vst v14;
	v13 =	vld [tilespmem:s0+$0x50]  }
0x176: {  	v14 =	vld [tilespmem:s0+$0x60]  }
0x177: {  	v0 =	vld.idx.msk [tilespmem:v0+s9+$0x0], $0xffff  }
0x178: {  	v1 =	vld.idx.msk [tilespmem:v1+s9+$0x0], $0xffff  }
0x179: {  	v2 =	vld.idx.msk [tilespmem:v2+s9+$0x0], $0xffff  }
0x17a: {  	v15 =	vld.idx.msk [tilespmem:v54+s9+$0x0], $0xffff  }
0x17b: {  	v3 =	vld.idx.msk [tilespmem:v3+s9+$0x0], $0xffff  }
0x17c: {  	v4 =	vld.idx.msk [tilespmem:v4+s9+$0x0], $0xffff  }
0x17d: {  	v5 =	vld.idx.msk [tilespmem:v5+s9+$0x0], $0xffff  }
0x17e: {  	v6 =	vld.idx.msk [tilespmem:v6+s9+$0x0], $0xffff  }
0x17f: {  	v7 =	vld.idx.msk [tilespmem:v7+s9+$0x0], $0xffff  }
0x180: {  	v8 =	vld.idx.msk [tilespmem:v8+s9+$0x0], $0xffff  }
0x181: {  	v9 =	vld.idx.msk [tilespmem:v9+s9+$0x0], $0xffff  }
0x182: {  	v10 =	vld.idx.msk [tilespmem:v10+s9+$0x0], $0xffff  }
0x183: {  	v11 =	vld.idx.msk [tilespmem:v11+s9+$0x0], $0xffff  }
0x184: {  	s14 =	simm.s32 $0x1CC00;
	v12 =	vld.idx.msk [tilespmem:v12+s9+$0x0], $0xffff  }
0x185: {  	v13 =	vld.idx.msk [tilespmem:v13+s9+$0x0], $0xffff;
	[tilespmem:s14+$0x70] =	vst v0  }
0x186: {  	s16 =	simm.s32 $0x1AC00;
	[tilespmem:s14+$0xFFFFFF00] =	vst v1;
	v1 =	vld.idx.msk [tilespmem:v14+s9+$0x0], $0xffff  }
0x187: {  	v0 =	vld [tilespmem:s16+$0x70]  }
0x188: {  	[tilespmem:s14+$0xFFFFFF10] =	vst v2;
	v2 =	vld [tilespmem:s16+$0xFFFFFF00]  }
0x189: {  	[tilespmem:s14+$0xFFFFFF20] =	vst v15;
	v55 =	vld [tilespmem:s16+$0xFFFFFF10]  }
0x18a: {  	[tilespmem:s14+$0xFFFFFF30] =	vst v3;
	v3 =	vld [tilespmem:s16+$0xFFFFFF20]  }
0x18b: {  	[tilespmem:s14+$0xFFFFFF40] =	vst v4;
	v4 =	vld [tilespmem:s16+$0xFFFFFF30]  }
0x18c: {  	[tilespmem:s14+$0xFFFFFF50] =	vst v5;
	v5 =	vld [tilespmem:s16+$0xFFFFFF40]  }
0x18d: {  	[tilespmem:s14+$0xFFFFFF60] =	vst v6;
	v6 =	vld [tilespmem:s16+$0xFFFFFF50]  }
0x18e: {  	[tilespmem:s14+$0xFFFFFF70] =	vst v7;
	v7 =	vld [tilespmem:s16+$0xFFFFFF60]  }
0x18f: {  	[tilespmem:s14+$0x0] =	vst v8;
	v56 =	vld [tilespmem:s16+$0xFFFFFF70]  }
0x190: {  	[tilespmem:s14+$0x10] =	vst v9;
	v57 =	vld [tilespmem:s16+$0x0]  }
0x191: {  	[tilespmem:s14+$0x20] =	vst v10;
	v58 =	vld [tilespmem:s16+$0x10]  }
0x192: {  	[tilespmem:s14+$0x30] =	vst v11;
	v59 =	vld [tilespmem:s16+$0x20]  }
0x193: {  	[tilespmem:s14+$0x40] =	vst v12;
	v60 =	vld [tilespmem:s16+$0x30]  }
0x194: {  	[tilespmem:s14+$0x50] =	vst v13;
	v61 =	vld [tilespmem:s16+$0x40]  }
0x195: {  	v62 =	vld [tilespmem:s16+$0x50];
	[tilespmem:s14+$0x60] =	vst v1  }
0x196: {  	v16 =	vld [tilespmem:s16+$0x60]  }
0x197: {  	v0 =	vld.idx.msk [tilespmem:v0+s19+$0x0], $0xffff  }
0x198: {  	v1 =	vld.idx.msk [tilespmem:v2+s19+$0x0], $0xffff  }
0x199: {  	v2 =	vld.idx.msk [tilespmem:v55+s19+$0x0], $0xffff  }
0x19a: {  	v3 =	vld.idx.msk [tilespmem:v3+s19+$0x0], $0xffff  }
0x19b: {  	v4 =	vld.idx.msk [tilespmem:v4+s19+$0x0], $0xffff  }
0x19c: {  	s17 =	simm.s32 $0x1DC00;
	v63 =	vld.idx.msk [tilespmem:v5+s19+$0x0], $0xffff  }
0x19d: {  	v5 =	vld.idx.msk [tilespmem:v58+s19+$0x0], $0xffff;
	[tilespmem:s17+$0x70] =	vst v0  }
0x19e: {  	v0 =	vld.idx.msk [tilespmem:v6+s19+$0x0], $0xffff;
	[tilespmem:s17+$0xFFFFFF00] =	vst v1  }
0x19f: {  	v1 =	vld.idx.msk [tilespmem:v7+s19+$0x0], $0xffff;
	[tilespmem:s17+$0xFFFFFF10] =	vst v2  }
0x1a0: {  	v2 =	vld.idx.msk [tilespmem:v56+s19+$0x0], $0xffff;
	[tilespmem:s17+$0xFFFFFF20] =	vst v3  }
0x1a1: {  	v6 =	vld.idx.msk [tilespmem:v57+s19+$0x0], $0xffff;
	[tilespmem:s17+$0xFFFFFF30] =	vst v4  }
0x1a2: {  	[tilespmem:s17+$0xFFFFFF40] =	vst v63;
	v3 =	vld.idx.msk [tilespmem:v59+s19+$0x0], $0xffff  }
0x1a3: {  	v4 =	vld.idx.msk [tilespmem:v60+s19+$0x0], $0xffff;
	[tilespmem:s17+$0xFFFFFF50] =	vst v0  }
0x1a4: {  	[tilespmem:s17+$0xFFFFFF60] =	vst v1;
	v1 =	vld.idx.msk [tilespmem:v61+s19+$0x0], $0xffff  }
0x1a5: {  	[tilespmem:s17+$0xFFFFFF70] =	vst v2;
	v0 =	vld.idx.msk [tilespmem:v62+s19+$0x0], $0xffff  }
0x1a6: {  	s12 =	simm.s32 $0x0;
	s15 =	simm.s32 $0x18E00;
	[tilespmem:s17+$0x0] =	vst v6;
	v2 =	vld.idx.msk [tilespmem:v16+s19+$0x0], $0xffff  }
.LBB2_3:
0x1a7: {  	v6 =	vld [tilespmem:s15+$0x70];
	s12 =	sadd.s32 $0x100, s12;
	[tilespmem:s17+$0x10] =	vst v5  }
0x1a8: {  	v5 =	vld [tilespmem:s15+$0xFFFFFF10];
	p1 =	slt.u32 s12, $0x700;
	[tilespmem:s17+$0x20] =	vst v3  }
0x1a9: {  	v3 =	vld [tilespmem:s15+$0xFFFFFF20];
	[tilespmem:s17+$0x30] =	vst v4  }
0x1aa: {  	v4 =	vld [tilespmem:s15+$0xFFFFFF30];
	[tilespmem:s17+$0x40] =	vst v1  }
0x1ab: {  	v1 =	vld [tilespmem:s15+$0xFFFFFF40];
	[tilespmem:s17+$0x50] =	vst v0  }
0x1ac: {  	v0 =	vld [tilespmem:s15+$0xFFFFFF50];
	[tilespmem:s17+$0x60] =	vst v2  }
0x1ad: {  	v2 =	vld [tilespmem:s15+$0xFFFFFF60]  }
0x1ae: {  	v7 =	vld [tilespmem:s15+$0xFFFFFF70]  }
0x1af: {  	v6 =	vld.idx.msk [tilespmem:v6+s9+$0x0], $0xffff  }
0x1b0: {  	v8 =	vld [tilespmem:s15+$0x0]  }
0x1b1: {  	v9 =	vld [tilespmem:s15+$0x10]  }
0x1b2: {  	v10 =	vld [tilespmem:s15+$0x20]  }
0x1b3: {  	v11 =	vld [tilespmem:s15+$0x30]  }
0x1b4: {  	s11 =	sadd.s32 $0x200, s11;
	v12 =	vld [tilespmem:s15+$0x40]  }
0x1b5: {  	s0 =	sadd.s32 $0x200, s0;
	v13 =	vld [tilespmem:s15+$0x50];
	[tilespmem:s11+$0x70] =	vst v6  }
0x1b6: {  	v6 =	vld [tilespmem:s0+$0x70]  }
0x1b7: {  	v14 =	vld [tilespmem:s15+$0x60]  }
0x1b8: {  	v15 =	vld [tilespmem:s15+$0xFFFFFF00]  }
0x1b9: {  	v5 =	vld.idx.msk [tilespmem:v5+s9+$0x0], $0xffff  }
0x1ba: {  	v3 =	vld.idx.msk [tilespmem:v3+s9+$0x0], $0xffff  }
0x1bb: {  	v4 =	vld.idx.msk [tilespmem:v4+s9+$0x0], $0xffff  }
0x1bc: {  	v1 =	vld.idx.msk [tilespmem:v1+s9+$0x0], $0xffff  }
0x1bd: {  	v0 =	vld.idx.msk [tilespmem:v0+s9+$0x0], $0xffff  }
0x1be: {  	v6 =	vld.idx.msk [tilespmem:v6+s9+$0x0], $0xffff  }
0x1bf: {  	[tilespmem:s11+$0xFFFFFF10] =	vst v5;
	v2 =	vld.idx.msk [tilespmem:v2+s9+$0x0], $0xffff  }
0x1c0: {  	v5 =	vld.idx.msk [tilespmem:v15+s9+$0x0], $0xffff;
	[tilespmem:s11+$0xFFFFFF20] =	vst v3  }
0x1c1: {  	[tilespmem:s11+$0xFFFFFF30] =	vst v4;
	v3 =	vld.idx.msk [tilespmem:v7+s9+$0x0], $0xffff  }
0x1c2: {  	[tilespmem:s11+$0xFFFFFF40] =	vst v1;
	v1 =	vld.idx.msk [tilespmem:v8+s9+$0x0], $0xffff  }
0x1c3: {  	s14 =	sadd.s32 $0x200, s14;
	[tilespmem:s11+$0xFFFFFF50] =	vst v0;
	v0 =	vld.idx.msk [tilespmem:v9+s9+$0x0], $0xffff  }
0x1c4: {  	s16 =	sadd.s32 $0x200, s16;
	v4 =	vld.idx.msk [tilespmem:v10+s9+$0x0], $0xffff;
	[tilespmem:s14+$0x70] =	vst v6  }
0x1c5: {  	[tilespmem:s11+$0xFFFFFF60] =	vst v2;
	v2 =	vld [tilespmem:s16+$0x70]  }
0x1c6: {  	[tilespmem:s11+$0xFFFFFF00] =	vst v5;
	v5 =	vld.idx.msk [tilespmem:v11+s9+$0x0], $0xffff  }
0x1c7: {  	[tilespmem:s11+$0xFFFFFF70] =	vst v3;
	v3 =	vld.idx.msk [tilespmem:v12+s9+$0x0], $0xffff  }
0x1c8: {  	[tilespmem:s11+$0x0] =	vst v1;
	v1 =	vld.idx.msk [tilespmem:v13+s9+$0x0], $0xffff  }
0x1c9: {  	[tilespmem:s11+$0x10] =	vst v0;
	v0 =	vld.idx.msk [tilespmem:v14+s9+$0x0], $0xffff  }
0x1ca: {  	v6 =	vld [tilespmem:s0+$0xFFFFFF00];
	[tilespmem:s11+$0x20] =	vst v4  }
0x1cb: {  	v4 =	vld [tilespmem:s0+$0xFFFFFF10]  }
0x1cc: {  	v7 =	vld [tilespmem:s0+$0xFFFFFF20];
	[tilespmem:s11+$0x30] =	vst v5  }
0x1cd: {  	[tilespmem:s11+$0x40] =	vst v3;
	v2 =	vld.idx.msk [tilespmem:v2+s19+$0x0], $0xffff  }
0x1ce: {  	v3 =	vld [tilespmem:s0+$0xFFFFFF30];
	[tilespmem:s11+$0x50] =	vst v1  }
0x1cf: {  	v1 =	vld [tilespmem:s0+$0xFFFFFF40];
	[tilespmem:s11+$0x60] =	vst v0  }
0x1d0: {  	v0 =	vld [tilespmem:s0+$0xFFFFFF50]  }
0x1d1: {  	v5 =	vld [tilespmem:s0+$0xFFFFFF60]  }
0x1d2: {  	s17 =	sadd.s32 $0x200, s17;
	v8 =	vld [tilespmem:s0+$0xFFFFFF70]  }
0x1d3: {  	v9 =	vld [tilespmem:s0+$0x0];
	[tilespmem:s17+$0x70] =	vst v2  }
0x1d4: {  	v2 =	vld [tilespmem:s0+$0x10]  }
0x1d5: {  	v10 =	vld [tilespmem:s0+$0x20]  }
0x1d6: {  	v11 =	vld [tilespmem:s0+$0x30]  }
0x1d7: {  	v12 =	vld [tilespmem:s0+$0x40]  }
0x1d8: {  	v13 =	vld [tilespmem:s0+$0x50]  }
0x1d9: {  	v14 =	vld [tilespmem:s0+$0x60]  }
0x1da: {  	v6 =	vld.idx.msk [tilespmem:v6+s9+$0x0], $0xffff  }
0x1db: {  	v4 =	vld.idx.msk [tilespmem:v4+s9+$0x0], $0xffff  }
0x1dc: {  	v7 =	vld.idx.msk [tilespmem:v7+s9+$0x0], $0xffff  }
0x1dd: {  	v3 =	vld.idx.msk [tilespmem:v3+s9+$0x0], $0xffff  }
0x1de: {  	v1 =	vld.idx.msk [tilespmem:v1+s9+$0x0], $0xffff  }
0x1df: {  	v0 =	vld.idx.msk [tilespmem:v0+s9+$0x0], $0xffff  }
0x1e0: {  	[tilespmem:s14+$0xFFFFFF00] =	vst v6;
	v5 =	vld.idx.msk [tilespmem:v5+s9+$0x0], $0xffff  }
0x1e1: {  	[tilespmem:s14+$0xFFFFFF10] =	vst v4;
	v4 =	vld.idx.msk [tilespmem:v8+s9+$0x0], $0xffff  }
0x1e2: {  	[tilespmem:s14+$0xFFFFFF20] =	vst v7;
	v6 =	vld.idx.msk [tilespmem:v9+s9+$0x0], $0xffff  }
0x1e3: {  	[tilespmem:s14+$0xFFFFFF30] =	vst v3;
	v2 =	vld.idx.msk [tilespmem:v2+s9+$0x0], $0xffff  }
0x1e4: {  	[tilespmem:s14+$0xFFFFFF40] =	vst v1;
	v1 =	vld.idx.msk [tilespmem:v10+s9+$0x0], $0xffff  }
0x1e5: {  	[tilespmem:s14+$0xFFFFFF50] =	vst v0;
	v0 =	vld.idx.msk [tilespmem:v11+s9+$0x0], $0xffff  }
0x1e6: {  	[tilespmem:s14+$0xFFFFFF60] =	vst v5;
	v3 =	vld.idx.msk [tilespmem:v12+s9+$0x0], $0xffff  }
0x1e7: {  	[tilespmem:s14+$0xFFFFFF70] =	vst v4;
	v4 =	vld.idx.msk [tilespmem:v13+s9+$0x0], $0xffff  }
0x1e8: {  	[tilespmem:s14+$0x0] =	vst v6;
	v5 =	vld.idx.msk [tilespmem:v14+s9+$0x0], $0xffff  }
0x1e9: {  	v6 =	vld [tilespmem:s16+$0xFFFFFF00];
	[tilespmem:s14+$0x10] =	vst v2  }
0x1ea: {  	v2 =	vld [tilespmem:s16+$0xFFFFFF10];
	[tilespmem:s14+$0x20] =	vst v1  }
0x1eb: {  	v1 =	vld [tilespmem:s16+$0xFFFFFF20];
	[tilespmem:s14+$0x30] =	vst v0  }
0x1ec: {  	v0 =	vld [tilespmem:s16+$0xFFFFFF30];
	[tilespmem:s14+$0x40] =	vst v3  }
0x1ed: {  	v3 =	vld [tilespmem:s16+$0xFFFFFF40];
	[tilespmem:s14+$0x50] =	vst v4  }
0x1ee: {  	v4 =	vld [tilespmem:s16+$0xFFFFFF50];
	[tilespmem:s14+$0x60] =	vst v5  }
0x1ef: {  	v5 =	vld [tilespmem:s16+$0xFFFFFF60]  }
0x1f0: {  	v7 =	vld [tilespmem:s16+$0xFFFFFF70]  }
0x1f1: {  	v8 =	vld [tilespmem:s16+$0x0]  }
0x1f2: {  	v9 =	vld [tilespmem:s16+$0x10]  }
0x1f3: {  	v10 =	vld [tilespmem:s16+$0x20]  }
0x1f4: {  	v11 =	vld [tilespmem:s16+$0x30]  }
0x1f5: {  	v12 =	vld [tilespmem:s16+$0x40]  }
0x1f6: {  	v13 =	vld [tilespmem:s16+$0x50]  }
0x1f7: {  	v14 =	vld [tilespmem:s16+$0x60]  }
0x1f8: {  	v6 =	vld.idx.msk [tilespmem:v6+s19+$0x0], $0xffff  }
0x1f9: {  	v2 =	vld.idx.msk [tilespmem:v2+s19+$0x0], $0xffff  }
0x1fa: {  	v1 =	vld.idx.msk [tilespmem:v1+s19+$0x0], $0xffff  }
0x1fb: {  	v0 =	vld.idx.msk [tilespmem:v0+s19+$0x0], $0xffff  }
0x1fc: {  	v3 =	vld.idx.msk [tilespmem:v3+s19+$0x0], $0xffff  }
0x1fd: {  	v4 =	vld.idx.msk [tilespmem:v4+s19+$0x0], $0xffff  }
0x1fe: {  	[tilespmem:s17+$0xFFFFFF00] =	vst v6;
	v6 =	vld.idx.msk [tilespmem:v5+s19+$0x0], $0xffff  }
0x1ff: {  	[tilespmem:s17+$0xFFFFFF10] =	vst v2;
	v2 =	vld.idx.msk [tilespmem:v7+s19+$0x0], $0xffff  }
0x200: {  	[tilespmem:s17+$0xFFFFFF20] =	vst v1;
	v7 =	vld.idx.msk [tilespmem:v8+s19+$0x0], $0xffff  }
0x201: {  	[tilespmem:s17+$0xFFFFFF30] =	vst v0;
	v5 =	vld.idx.msk [tilespmem:v9+s19+$0x0], $0xffff  }
.Ltmp0:
0x202: {  	[tilespmem:s17+$0xFFFFFF40] =	vst v3;
	v3 =	vld.idx.msk [tilespmem:v10+s19+$0x0], $0xffff;
	(pc) =	sbr.rel @p1 .LBB2_3-.Ltmp0, $4  }
0x203: {  	[tilespmem:s17+$0xFFFFFF50] =	vst v4;
	v4 =	vld.idx.msk [tilespmem:v11+s19+$0x0], $0xffff  }
0x204: {  	[tilespmem:s17+$0xFFFFFF60] =	vst v6;
	v1 =	vld.idx.msk [tilespmem:v12+s19+$0x0], $0xffff  }
0x205: {  	[tilespmem:s17+$0xFFFFFF70] =	vst v2;
	v0 =	vld.idx.msk [tilespmem:v13+s19+$0x0], $0xffff  }
0x206: {  	s15 =	sadd.s32 $0x200, s15;
	[tilespmem:s17+$0x0] =	vst v7;
	v2 =	vld.idx.msk [tilespmem:v14+s19+$0x0], $0xffff  }
0x207: {  	[tilespmem:s17+$0x10] =	vst v5;
	s0 =	sshrl.u32 s30, $0x2  }
0x208: {  	[tilespmem:s17+$0x20] =	vst v3;
	s0 =	sadd.s32 s8, s0  }
0x209: {  	s2 =	sor.u32 s21, s2;
	[tilespmem:s17+$0x30] =	vst v4;
	s0 =	sshll.u32 s0, $0x4  }
0x20a: {  	s11 =	sshll.u32 s2, $0xB;
	[tilespmem:s17+$0x40] =	vst v1;
	s2 =	sand.u32 $0x70, s0  }
0x20b: {  	[tilespmem:s17+$0x50] =	vst v0;
	s0 =	sor.u32 s2, s11  }
0x20c: {  	s12 =	simm.s32 $0x1BB00;
	[tilespmem:s17+$0x60] =	vst v2;
	s11 =	sadd.s32 s3, s0  }
0x20d: {  	[hbm4b:s11+s9] =	stream.linear.scatter [tilespmem:s12], [sflag:$0x3], $0x80, $0x38;
	[tilespmem:$0x1F700] =	vst v63  }
0x20e: {  	s14 =	simm.s32 $0x1BC00;
	s15 =	sadd.s32 $0x80, s11  }
0x20f: {  	[hbm4b:s15+s9] =	stream.linear.scatter [tilespmem:s14], [sflag:$0x3], $0x80, $0x38;
	[tilespmem:$0x1F700] =	vst v63  }
0x210: {  	s17 =	simm.s32 $0x1BD00;
	s16 =	sadd.s32 $0x100, s11  }
0x211: {  	[hbm4b:s16+s9] =	stream.linear.scatter [tilespmem:s17], [sflag:$0x3], $0x80, $0x38;
	[tilespmem:$0x1F700] =	vst v63  }
0x212: {  	s14 =	sadd.s32 $0x180, s11;
	s15 =	simm.s32 $0x1BE00  }
0x213: {  	[hbm4b:s14+s9] =	stream.linear.scatter [tilespmem:s15], [sflag:$0x3], $0x80, $0x38;
	[tilespmem:$0x1F700] =	vst v63  }
0x214: {  	s16 =	sadd.s32 $0x200, s11;
	s17 =	simm.s32 $0x1BF00  }
0x215: {  	[hbm4b:s16+s9] =	stream.linear.scatter [tilespmem:s17], [sflag:$0x3], $0x80, $0x38;
	[tilespmem:$0x1F700] =	vst v63  }
0x216: {  	s14 =	sadd.s32 $0x280, s11;
	s15 =	simm.s32 $0x1C000  }
0x217: {  	[hbm4b:s14+s9] =	stream.linear.scatter [tilespmem:s15], [sflag:$0x3], $0x80, $0x38;
	[tilespmem:$0x1F700] =	vst v63  }
0x218: {  	s16 =	sadd.s32 $0x300, s11;
	s17 =	simm.s32 $0x1C100  }
0x219: {  	[hbm4b:s16+s9] =	stream.linear.scatter [tilespmem:s17], [sflag:$0x3], $0x80, $0x38;
	[tilespmem:$0x1F700] =	vst v63  }
0x21a: {  	s14 =	sadd.s32 $0x380, s11;
	s15 =	simm.s32 $0x1C200  }
0x21b: {  	[hbm4b:s14+s9] =	stream.linear.scatter [tilespmem:s15], [sflag:$0x3], $0x80, $0x38;
	[tilespmem:$0x1F700] =	vst v63  }
0x21c: {  	s16 =	sadd.s32 $0x400, s11;
	s17 =	simm.s32 $0x1C300  }
0x21d: {  	[hbm4b:s16+s9] =	stream.linear.scatter [tilespmem:s17], [sflag:$0x3], $0x80, $0x38;
	[tilespmem:$0x1F700] =	vst v63  }
0x21e: {  	s14 =	sadd.s32 $0x480, s11;
	s15 =	simm.s32 $0x1C400  }
0x21f: {  	[hbm4b:s14+s9] =	stream.linear.scatter [tilespmem:s15], [sflag:$0x3], $0x80, $0x38;
	[tilespmem:$0x1F700] =	vst v63  }
0x220: {  	s16 =	sadd.s32 $0x500, s11;
	s17 =	simm.s32 $0x1C500  }
0x221: {  	[hbm4b:s16+s9] =	stream.linear.scatter [tilespmem:s17], [sflag:$0x3], $0x80, $0x38;
	[tilespmem:$0x1F700] =	vst v63  }
0x222: {  	s14 =	sadd.s32 $0x580, s11;
	s15 =	simm.s32 $0x1C600  }
0x223: {  	[hbm4b:s14+s9] =	stream.linear.scatter [tilespmem:s15], [sflag:$0x3], $0x80, $0x38;
	[tilespmem:$0x1F700] =	vst v63  }
0x224: {  	s16 =	sadd.s32 $0x600, s11;
	s17 =	simm.s32 $0x1C700  }
0x225: {  	[hbm4b:s16+s9] =	stream.linear.scatter [tilespmem:s17], [sflag:$0x3], $0x80, $0x38;
	[tilespmem:$0x1F700] =	vst v63  }
0x226: {  	s14 =	sadd.s32 $0x680, s11;
	s15 =	simm.s32 $0x1C800  }
0x227: {  	[hbm4b:s14+s9] =	stream.linear.scatter [tilespmem:s15], [sflag:$0x3], $0x80, $0x38;
	[tilespmem:$0x1F700] =	vst v63  }
0x228: {  	s16 =	sadd.s32 $0x700, s11;
	s17 =	simm.s32 $0x1C900  }
0x229: {  	[hbm4b:s16+s9] =	stream.linear.scatter [tilespmem:s17], [sflag:$0x3], $0x80, $0x38;
	[tilespmem:$0x1F700] =	vst v63  }
0x22a: {  	s11 =	sadd.s32 $0x780, s11;
	s14 =	simm.s32 $0x1CA00  }
0x22b: {  	[hbm4b:s11+s9] =	stream.linear.scatter [tilespmem:s14], [sflag:$0x3], $0x80, $0x38;
	[tilespmem:$0x1F700] =	vst v63  }
0x22c: {  	s15 =	simm.s32 $0x1CB00;
	s11 =	sadd.s32 s4, s0  }
0x22d: {  	[hbm4b:s11+s9] =	stream.linear.scatter [tilespmem:s15], [sflag:$0x3], $0x80, $0x38;
	[tilespmem:$0x1F700] =	vst v63  }
0x22e: {  	s17 =	simm.s32 $0x1CC00;
	s16 =	sadd.s32 $0x80, s11  }
0x22f: {  	[hbm4b:s16+s9] =	stream.linear.scatter [tilespmem:s17], [sflag:$0x3], $0x80, $0x38;
	[tilespmem:$0x1F700] =	vst v63  }
0x230: {  	s14 =	sadd.s32 $0x100, s11;
	s15 =	simm.s32 $0x1CD00  }
0x231: {  	[hbm4b:s14+s9] =	stream.linear.scatter [tilespmem:s15], [sflag:$0x3], $0x80, $0x38;
	[tilespmem:$0x1F700] =	vst v63  }
0x232: {  	s16 =	sadd.s32 $0x180, s11;
	s17 =	simm.s32 $0x1CE00  }
0x233: {  	[hbm4b:s16+s9] =	stream.linear.scatter [tilespmem:s17], [sflag:$0x3], $0x80, $0x38;
	[tilespmem:$0x1F700] =	vst v63  }
0x234: {  	s14 =	sadd.s32 $0x200, s11;
	s15 =	simm.s32 $0x1CF00  }
0x235: {  	[hbm4b:s14+s9] =	stream.linear.scatter [tilespmem:s15], [sflag:$0x3], $0x80, $0x38;
	[tilespmem:$0x1F700] =	vst v63  }
0x236: {  	s16 =	sadd.s32 $0x280, s11;
	s17 =	simm.s32 $0x1D000  }
0x237: {  	[hbm4b:s16+s9] =	stream.linear.scatter [tilespmem:s17], [sflag:$0x3], $0x80, $0x38;
	[tilespmem:$0x1F700] =	vst v63  }
0x238: {  	s14 =	sadd.s32 $0x300, s11;
	s15 =	simm.s32 $0x1D100  }
0x239: {  	[hbm4b:s14+s9] =	stream.linear.scatter [tilespmem:s15], [sflag:$0x3], $0x80, $0x38;
	[tilespmem:$0x1F700] =	vst v63  }
0x23a: {  	s16 =	sadd.s32 $0x380, s11;
	s17 =	simm.s32 $0x1D200  }
0x23b: {  	[hbm4b:s16+s9] =	stream.linear.scatter [tilespmem:s17], [sflag:$0x3], $0x80, $0x38;
	[tilespmem:$0x1F700] =	vst v63  }
0x23c: {  	s14 =	sadd.s32 $0x400, s11;
	s15 =	simm.s32 $0x1D300  }
0x23d: {  	[hbm4b:s14+s9] =	stream.linear.scatter [tilespmem:s15], [sflag:$0x3], $0x80, $0x38;
	[tilespmem:$0x1F700] =	vst v63  }
0x23e: {  	s16 =	sadd.s32 $0x480, s11;
	s17 =	simm.s32 $0x1D400  }
0x23f: {  	[hbm4b:s16+s9] =	stream.linear.scatter [tilespmem:s17], [sflag:$0x3], $0x80, $0x38;
	[tilespmem:$0x1F700] =	vst v63  }
0x240: {  	s14 =	sadd.s32 $0x500, s11;
	s15 =	simm.s32 $0x1D500  }
0x241: {  	[hbm4b:s14+s9] =	stream.linear.scatter [tilespmem:s15], [sflag:$0x3], $0x80, $0x38;
	[tilespmem:$0x1F700] =	vst v63  }
0x242: {  	s16 =	sadd.s32 $0x580, s11;
	s17 =	simm.s32 $0x1D600  }
0x243: {  	[hbm4b:s16+s9] =	stream.linear.scatter [tilespmem:s17], [sflag:$0x3], $0x80, $0x38;
	[tilespmem:$0x1F700] =	vst v63  }
0x244: {  	s14 =	sadd.s32 $0x600, s11;
	s15 =	simm.s32 $0x1D700  }
0x245: {  	[hbm4b:s14+s9] =	stream.linear.scatter [tilespmem:s15], [sflag:$0x3], $0x80, $0x38;
	[tilespmem:$0x1F700] =	vst v63  }
0x246: {  	s16 =	sadd.s32 $0x680, s11;
	s17 =	simm.s32 $0x1D800  }
0x247: {  	[hbm4b:s16+s9] =	stream.linear.scatter [tilespmem:s17], [sflag:$0x3], $0x80, $0x38;
	[tilespmem:$0x1F700] =	vst v63  }
0x248: {  	s15 =	sadd.s32 $0x700, s11;
	s16 =	simm.s32 $0x1D900  }
0x249: {  	[hbm4b:s15+s9] =	stream.linear.scatter [tilespmem:s16], [sflag:$0x3], $0x80, $0x38;
	[tilespmem:$0x1F700] =	vst v63  }
0x24a: {  	s11 =	sadd.s32 $0x780, s11;
	s17 =	simm.s32 $0x1DA00  }
0x24b: {  	[hbm4b:s11+s9] =	stream.linear.scatter [tilespmem:s17], [sflag:$0x3], $0x80, $0x38;
	[tilespmem:$0x1F700] =	vst v63  }
0x24c: {  	s12 =	simm.s32 $0x1DB00;
	s0 =	sadd.s32 s6, s0  }
0x24d: {  	[hbm4b:s0+s9] =	stream.linear.scatter [tilespmem:s12], [sflag:$0x3], $0x80, $0x38;
	[tilespmem:$0x1F700] =	vst v63  }
0x24e: {  	s14 =	sadd.s32 $0x80, s0;
	s15 =	simm.s32 $0x1DC00  }
0x24f: {  	[hbm4b:s14+s9] =	stream.linear.scatter [tilespmem:s15], [sflag:$0x3], $0x80, $0x38;
	[tilespmem:$0x1F700] =	vst v63  }
0x250: {  	s16 =	sadd.s32 $0x100, s0;
	s17 =	simm.s32 $0x1DD00  }
0x251: {  	[hbm4b:s16+s9] =	stream.linear.scatter [tilespmem:s17], [sflag:$0x3], $0x80, $0x38;
	[tilespmem:$0x1F700] =	vst v63  }
0x252: {  	s14 =	sadd.s32 $0x180, s0;
	s15 =	simm.s32 $0x1DE00  }
0x253: {  	[hbm4b:s14+s9] =	stream.linear.scatter [tilespmem:s15], [sflag:$0x3], $0x80, $0x38;
	[tilespmem:$0x1F700] =	vst v63  }
0x254: {  	s16 =	sadd.s32 $0x200, s0;
	s17 =	simm.s32 $0x1DF00  }
0x255: {  	[hbm4b:s16+s9] =	stream.linear.scatter [tilespmem:s17], [sflag:$0x3], $0x80, $0x38;
	[tilespmem:$0x1F700] =	vst v63  }
0x256: {  	s14 =	sadd.s32 $0x280, s0;
	s15 =	simm.s32 $0x1E000  }
0x257: {  	[hbm4b:s14+s9] =	stream.linear.scatter [tilespmem:s15], [sflag:$0x3], $0x80, $0x38;
	[tilespmem:$0x1F700] =	vst v63  }
0x258: {  	s16 =	sadd.s32 $0x300, s0;
	s17 =	simm.s32 $0x1E100  }
0x259: {  	[hbm4b:s16+s9] =	stream.linear.scatter [tilespmem:s17], [sflag:$0x3], $0x80, $0x38;
	[tilespmem:$0x1F700] =	vst v63  }
0x25a: {  	s14 =	sadd.s32 $0x380, s0;
	s15 =	simm.s32 $0x1E200  }
0x25b: {  	[hbm4b:s14+s9] =	stream.linear.scatter [tilespmem:s15], [sflag:$0x3], $0x80, $0x38;
	[tilespmem:$0x1F700] =	vst v63  }
0x25c: {  	s16 =	sadd.s32 $0x400, s0;
	s17 =	simm.s32 $0x1E300  }
0x25d: {  	[hbm4b:s16+s9] =	stream.linear.scatter [tilespmem:s17], [sflag:$0x3], $0x80, $0x38;
	[tilespmem:$0x1F700] =	vst v63  }
0x25e: {  	s14 =	sadd.s32 $0x480, s0;
	s15 =	simm.s32 $0x1E400  }
0x25f: {  	[hbm4b:s14+s9] =	stream.linear.scatter [tilespmem:s15], [sflag:$0x3], $0x80, $0x38;
	[tilespmem:$0x1F700] =	vst v63  }
0x260: {  	s16 =	sadd.s32 $0x500, s0;
	s17 =	simm.s32 $0x1E500  }
0x261: {  	[hbm4b:s16+s9] =	stream.linear.scatter [tilespmem:s17], [sflag:$0x3], $0x80, $0x38;
	[tilespmem:$0x1F700] =	vst v63  }
0x262: {  	s14 =	sadd.s32 $0x580, s0;
	s15 =	simm.s32 $0x1E600  }
0x263: {  	[hbm4b:s14+s9] =	stream.linear.scatter [tilespmem:s15], [sflag:$0x3], $0x80, $0x38;
	[tilespmem:$0x1F700] =	vst v63  }
0x264: {  	s16 =	sadd.s32 $0x600, s0;
	s17 =	simm.s32 $0x1E700  }
0x265: {  	[hbm4b:s16+s9] =	stream.linear.scatter [tilespmem:s17], [sflag:$0x3], $0x80, $0x38;
	[tilespmem:$0x1F700] =	vst v63  }
0x266: {  	p1 =	seq.s32 s30, $0x7;
	s12 =	sadd.s32 $0x680, s0;
	s14 =	simm.s32 $0x1E800  }
0x267: {  	[hbm4b:s12+s9] =	stream.linear.scatter [tilespmem:s14], [sflag:$0x3], $0x80, $0x38;
	[tilespmem:$0x1F700] =	vst v63  }
.Ltmp1:
0x268: {  	_ = 	snop;
	(pc) =	sbr.rel @p1 .LBB2_6-.Ltmp1, $4  }
0x269: {  	s15 =	sadd.s32 $0x700, s0;
	s16 =	simm.s32 $0x1E900  }
0x26a: {  	[hbm4b:s15+s9] =	stream.linear.scatter [tilespmem:s16], [sflag:$0x3], $0x80, $0x38;
	[tilespmem:$0x1F700] =	vst v63  }
0x26b: {  	s0 =	sadd.s32 $0x780, s0;
	s17 =	simm.s32 $0x1EA00  }
0x26c: {  	[hbm4b:s0+s9] =	stream.linear.scatter [tilespmem:s17], [sflag:$0x3], $0x80, $0x38;
	[tilespmem:$0x1F700] =	vst v63  }
0x26d: {  	s0 =	sadd.s32 $0x1000, s5  }
0x26e: {  	s0 =	sand.u32 $0x3000, s0  }
0x26f: {  	s14 =	simm.s32 $0x18B00;
	s0 =	sadd.s32 s0, s7  }
0x270: {  	[tilespmem:s14], [sflag:$0x1] =	stream.linear.gather [spmem:s0], $0x80, $0x38;
	[tilespmem:$0x1F700] =	vst v63  }
0x271: {  	s11 =	simm.s32 $0x18C00;
	s15 =	sadd.s32 $0x80, s0  }
0x272: {  	[tilespmem:s11], [sflag:$0x1] =	stream.linear.gather [spmem:s15], $0x80, $0x38;
	[tilespmem:$0x1F700] =	vst v63  }
0x273: {  	s17 =	simm.s32 $0x18D00;
	s16 =	sadd.s32 $0x100, s0  }
0x274: {  	[tilespmem:s17], [sflag:$0x1] =	stream.linear.gather [spmem:s16], $0x80, $0x38;
	[tilespmem:$0x1F700] =	vst v63  }
0x275: {  	s12 =	simm.s32 $0x18E00;
	s11 =	sadd.s32 $0x180, s0  }
0x276: {  	[tilespmem:s12], [sflag:$0x1] =	stream.linear.gather [spmem:s11], $0x80, $0x38;
	[tilespmem:$0x1F700] =	vst v63  }
0x277: {  	s14 =	sadd.s32 $0x200, s0;
	s15 =	simm.s32 $0x18F00  }
0x278: {  	[tilespmem:s15], [sflag:$0x1] =	stream.linear.gather [spmem:s14], $0x80, $0x38;
	[tilespmem:$0x1F700] =	vst v63  }
0x279: {  	s16 =	sadd.s32 $0x280, s0;
	s17 =	simm.s32 $0x19000  }
0x27a: {  	[tilespmem:s17], [sflag:$0x1] =	stream.linear.gather [spmem:s16], $0x80, $0x38;
	[tilespmem:$0x1F700] =	vst v63  }
0x27b: {  	s11 =	sadd.s32 $0x300, s0;
	s12 =	simm.s32 $0x19100  }
0x27c: {  	[tilespmem:s12], [sflag:$0x1] =	stream.linear.gather [spmem:s11], $0x80, $0x38;
	[tilespmem:$0x1F700] =	vst v63  }
0x27d: {  	s14 =	sadd.s32 $0x380, s0;
	s15 =	simm.s32 $0x19200  }
0x27e: {  	[tilespmem:s15], [sflag:$0x1] =	stream.linear.gather [spmem:s14], $0x80, $0x38;
	[tilespmem:$0x1F700] =	vst v63  }
0x27f: {  	s16 =	sadd.s32 $0x400, s0;
	s17 =	simm.s32 $0x19300  }
0x280: {  	[tilespmem:s17], [sflag:$0x1] =	stream.linear.gather [spmem:s16], $0x80, $0x38;
	[tilespmem:$0x1F700] =	vst v63  }
0x281: {  	s11 =	sadd.s32 $0x480, s0;
	s12 =	simm.s32 $0x19400  }
0x282: {  	[tilespmem:s12], [sflag:$0x1] =	stream.linear.gather [spmem:s11], $0x80, $0x38;
	[tilespmem:$0x1F700] =	vst v63  }
0x283: {  	s14 =	sadd.s32 $0x500, s0;
	s15 =	simm.s32 $0x19500  }
0x284: {  	[tilespmem:s15], [sflag:$0x1] =	stream.linear.gather [spmem:s14], $0x80, $0x38;
	[tilespmem:$0x1F700] =	vst v63  }
0x285: {  	s16 =	sadd.s32 $0x580, s0;
	s17 =	simm.s32 $0x19600  }
0x286: {  	[tilespmem:s17], [sflag:$0x1] =	stream.linear.gather [spmem:s16], $0x80, $0x38;
	[tilespmem:$0x1F700] =	vst v63  }
0x287: {  	s11 =	sadd.s32 $0x600, s0;
	s12 =	simm.s32 $0x19700  }
0x288: {  	[tilespmem:s12], [sflag:$0x1] =	stream.linear.gather [spmem:s11], $0x80, $0x38;
	[tilespmem:$0x1F700] =	vst v63  }
0x289: {  	s14 =	sadd.s32 $0x680, s0;
	s15 =	simm.s32 $0x19800  }
0x28a: {  	[tilespmem:s15], [sflag:$0x1] =	stream.linear.gather [spmem:s14], $0x80, $0x38;
	[tilespmem:$0x1F700] =	vst v63  }
0x28b: {  	s16 =	sadd.s32 $0x700, s0;
	s17 =	simm.s32 $0x19900  }
0x28c: {  	[tilespmem:s17], [sflag:$0x1] =	stream.linear.gather [spmem:s16], $0x80, $0x38;
	[tilespmem:$0x1F700] =	vst v63  }
0x28d: {  	s11 =	sadd.s32 $0x780, s0;
	s12 =	simm.s32 $0x19A00  }
0x28e: {  	[tilespmem:s12], [sflag:$0x1] =	stream.linear.gather [spmem:s11], $0x80, $0x38;
	[tilespmem:$0x1F700] =	vst v63  }
0x28f: {  	s14 =	sadd.s32 $0x4000, s0;
	s15 =	simm.s32 $0x19B00  }
0x290: {  	[tilespmem:s15], [sflag:$0x1] =	stream.linear.gather [spmem:s14], $0x80, $0x38;
	[tilespmem:$0x1F700] =	vst v63  }
0x291: {  	s16 =	sadd.s32 $0x4080, s0;
	s17 =	simm.s32 $0x19C00  }
0x292: {  	[tilespmem:s17], [sflag:$0x1] =	stream.linear.gather [spmem:s16], $0x80, $0x38;
	[tilespmem:$0x1F700] =	vst v63  }
0x293: {  	s11 =	sadd.s32 $0x4100, s0;
	s12 =	simm.s32 $0x19D00  }
0x294: {  	[tilespmem:s12], [sflag:$0x1] =	stream.linear.gather [spmem:s11], $0x80, $0x38;
	[tilespmem:$0x1F700] =	vst v63  }
0x295: {  	s14 =	sadd.s32 $0x4180, s0;
	s15 =	simm.s32 $0x19E00  }
0x296: {  	[tilespmem:s15], [sflag:$0x1] =	stream.linear.gather [spmem:s14], $0x80, $0x38;
	[tilespmem:$0x1F700] =	vst v63  }
0x297: {  	s16 =	sadd.s32 $0x4200, s0;
	s17 =	simm.s32 $0x19F00  }
0x298: {  	[tilespmem:s17], [sflag:$0x1] =	stream.linear.gather [spmem:s16], $0x80, $0x38;
	[tilespmem:$0x1F700] =	vst v63  }
0x299: {  	s11 =	sadd.s32 $0x4280, s0;
	s12 =	simm.s32 $0x1A000  }
0x29a: {  	[tilespmem:s12], [sflag:$0x1] =	stream.linear.gather [spmem:s11], $0x80, $0x38;
	[tilespmem:$0x1F700] =	vst v63  }
0x29b: {  	s14 =	sadd.s32 $0x4300, s0;
	s15 =	simm.s32 $0x1A100  }
0x29c: {  	[tilespmem:s15], [sflag:$0x1] =	stream.linear.gather [spmem:s14], $0x80, $0x38;
	[tilespmem:$0x1F700] =	vst v63  }
0x29d: {  	s16 =	sadd.s32 $0x4380, s0;
	s17 =	simm.s32 $0x1A200  }
0x29e: {  	[tilespmem:s17], [sflag:$0x1] =	stream.linear.gather [spmem:s16], $0x80, $0x38;
	[tilespmem:$0x1F700] =	vst v63  }
0x29f: {  	s11 =	sadd.s32 $0x4400, s0;
	s12 =	simm.s32 $0x1A300  }
0x2a0: {  	[tilespmem:s12], [sflag:$0x1] =	stream.linear.gather [spmem:s11], $0x80, $0x38;
	[tilespmem:$0x1F700] =	vst v63  }
0x2a1: {  	s14 =	sadd.s32 $0x4480, s0;
	s15 =	simm.s32 $0x1A400  }
0x2a2: {  	[tilespmem:s15], [sflag:$0x1] =	stream.linear.gather [spmem:s14], $0x80, $0x38;
	[tilespmem:$0x1F700] =	vst v63  }
0x2a3: {  	s16 =	sadd.s32 $0x4500, s0;
	s17 =	simm.s32 $0x1A500  }
0x2a4: {  	[tilespmem:s17], [sflag:$0x1] =	stream.linear.gather [spmem:s16], $0x80, $0x38;
	[tilespmem:$0x1F700] =	vst v63  }
0x2a5: {  	s11 =	sadd.s32 $0x4580, s0;
	s12 =	simm.s32 $0x1A600  }
0x2a6: {  	[tilespmem:s12], [sflag:$0x1] =	stream.linear.gather [spmem:s11], $0x80, $0x38;
	[tilespmem:$0x1F700] =	vst v63  }
0x2a7: {  	s14 =	sadd.s32 $0x4600, s0;
	s15 =	simm.s32 $0x1A700  }
0x2a8: {  	[tilespmem:s15], [sflag:$0x1] =	stream.linear.gather [spmem:s14], $0x80, $0x38;
	[tilespmem:$0x1F700] =	vst v63  }
0x2a9: {  	s16 =	sadd.s32 $0x4680, s0;
	s17 =	simm.s32 $0x1A800  }
0x2aa: {  	[tilespmem:s17], [sflag:$0x1] =	stream.linear.gather [spmem:s16], $0x80, $0x38;
	[tilespmem:$0x1F700] =	vst v63  }
0x2ab: {  	s11 =	sadd.s32 $0x4700, s0;
	s12 =	simm.s32 $0x1A900  }
0x2ac: {  	[tilespmem:s12], [sflag:$0x1] =	stream.linear.gather [spmem:s11], $0x80, $0x38;
	[tilespmem:$0x1F700] =	vst v63  }
0x2ad: {  	s14 =	sadd.s32 $0x4780, s0;
	s15 =	simm.s32 $0x1AA00  }
0x2ae: {  	[tilespmem:s15], [sflag:$0x1] =	stream.linear.gather [spmem:s14], $0x80, $0x38;
	[tilespmem:$0x1F700] =	vst v63  }
0x2af: {  	s16 =	sadd.s32 $0x8000, s0;
	s17 =	simm.s32 $0x1AB00  }
0x2b0: {  	[tilespmem:s17], [sflag:$0x1] =	stream.linear.gather [spmem:s16], $0x80, $0x38;
	[tilespmem:$0x1F700] =	vst v63  }
0x2b1: {  	s11 =	sadd.s32 $0x8080, s0;
	s12 =	simm.s32 $0x1AC00  }
0x2b2: {  	[tilespmem:s12], [sflag:$0x1] =	stream.linear.gather [spmem:s11], $0x80, $0x38;
	[tilespmem:$0x1F700] =	vst v63  }
0x2b3: {  	s14 =	sadd.s32 $0x8100, s0;
	s15 =	simm.s32 $0x1AD00  }
0x2b4: {  	[tilespmem:s15], [sflag:$0x1] =	stream.linear.gather [spmem:s14], $0x80, $0x38;
	[tilespmem:$0x1F700] =	vst v63  }
0x2b5: {  	s16 =	sadd.s32 $0x8180, s0;
	s17 =	simm.s32 $0x1AE00  }
0x2b6: {  	[tilespmem:s17], [sflag:$0x1] =	stream.linear.gather [spmem:s16], $0x80, $0x38;
	[tilespmem:$0x1F700] =	vst v63  }
0x2b7: {  	s11 =	sadd.s32 $0x8200, s0;
	s12 =	simm.s32 $0x1AF00  }
0x2b8: {  	[tilespmem:s12], [sflag:$0x1] =	stream.linear.gather [spmem:s11], $0x80, $0x38;
	[tilespmem:$0x1F700] =	vst v63  }
0x2b9: {  	s14 =	sadd.s32 $0x8280, s0;
	s15 =	simm.s32 $0x1B000  }
0x2ba: {  	[tilespmem:s15], [sflag:$0x1] =	stream.linear.gather [spmem:s14], $0x80, $0x38;
	[tilespmem:$0x1F700] =	vst v63  }
0x2bb: {  	s16 =	sadd.s32 $0x8300, s0;
	s17 =	simm.s32 $0x1B100  }
0x2bc: {  	[tilespmem:s17], [sflag:$0x1] =	stream.linear.gather [spmem:s16], $0x80, $0x38;
	[tilespmem:$0x1F700] =	vst v63  }
0x2bd: {  	s11 =	sadd.s32 $0x8380, s0;
	s12 =	simm.s32 $0x1B200  }
0x2be: {  	[tilespmem:s12], [sflag:$0x1] =	stream.linear.gather [spmem:s11], $0x80, $0x38;
	[tilespmem:$0x1F700] =	vst v63  }
0x2bf: {  	s14 =	sadd.s32 $0x8400, s0;
	s15 =	simm.s32 $0x1B300  }
0x2c0: {  	[tilespmem:s15], [sflag:$0x1] =	stream.linear.gather [spmem:s14], $0x80, $0x38;
	[tilespmem:$0x1F700] =	vst v63  }
0x2c1: {  	s16 =	sadd.s32 $0x8480, s0;
	s17 =	simm.s32 $0x1B400  }
0x2c2: {  	[tilespmem:s17], [sflag:$0x1] =	stream.linear.gather [spmem:s16], $0x80, $0x38;
	[tilespmem:$0x1F700] =	vst v63  }
0x2c3: {  	s11 =	sadd.s32 $0x8500, s0;
	s12 =	simm.s32 $0x1B500  }
0x2c4: {  	[tilespmem:s12], [sflag:$0x1] =	stream.linear.gather [spmem:s11], $0x80, $0x38;
	[tilespmem:$0x1F700] =	vst v63  }
0x2c5: {  	s14 =	sadd.s32 $0x8580, s0;
	s15 =	simm.s32 $0x1B600  }
0x2c6: {  	[tilespmem:s15], [sflag:$0x1] =	stream.linear.gather [spmem:s14], $0x80, $0x38;
	[tilespmem:$0x1F700] =	vst v63  }
0x2c7: {  	s16 =	sadd.s32 $0x8600, s0;
	s17 =	simm.s32 $0x1B700  }
0x2c8: {  	[tilespmem:s17], [sflag:$0x1] =	stream.linear.gather [spmem:s16], $0x80, $0x38;
	[tilespmem:$0x1F700] =	vst v63  }
0x2c9: {  	s12 =	sadd.s32 $0x8680, s0;
	s14 =	simm.s32 $0x1B800  }
0x2ca: {  	[tilespmem:s14], [sflag:$0x1] =	stream.linear.gather [spmem:s12], $0x80, $0x38;
	[tilespmem:$0x1F700] =	vst v63  }
0x2cb: {  	s15 =	sadd.s32 $0x8700, s0;
	s16 =	simm.s32 $0x1B900  }
0x2cc: {  	[tilespmem:s16], [sflag:$0x1] =	stream.linear.gather [spmem:s15], $0x80, $0x38;
	[tilespmem:$0x1F700] =	vst v63  }
0x2cd: {  	s0 =	sadd.s32 $0x8780, s0;
	s17 =	simm.s32 $0x1BA00  }
0x2ce: {  	[tilespmem:s17], [sflag:$0x1] =	stream.linear.gather [spmem:s0], $0x80, $0x38;
	[tilespmem:$0x1F700] =	vst v63  }
.LBB2_6:
0x2cf: {  	_ =	swait.ge [sflag:s1], $0x800  }
0x2d0: {  	[sflag:s1] =	ssyncset.done $0x0  }
0x2d1: {  	[sflag:s1] =	ssyncadd.s32 $0xFFFFF800  }
0x2d2: {  	_ =	swait.ge [sflag:s1], $0x800  }
0x2d3: {  	[sflag:s1] =	ssyncset.done $0x0  }
0x2d4: {  	[sflag:s1] =	ssyncadd.s32 $0xFFFFF800  }
0x2d5: {  	_ =	swait.ge [sflag:s1], $0x800  }
0x2d6: {  	[sflag:s1] =	ssyncset.done $0x0  }
0x2d7: {  	s0 =	simm.s32 @!p0 $0x4;
	[sflag:s1] =	ssyncadd.s32 $0xFFFFF800  }
0x2d8: {  	_ =	swait.ge @!p0 [sflag:s0], $0x800  }
0x2d9: {  	[sflag:s0] =	ssyncset.done @!p0 $0x0  }
0x2da: {  	[sflag:s0] =	ssyncadd.s32 @!p0 $0xFFFFF800  }
0x2db: {  	_ =	swait.ge @!p0 [sflag:s0], $0x800  }
0x2dc: {  	[sflag:s0] =	ssyncset.done @!p0 $0x0  }
0x2dd: {  	[sflag:s0] =	ssyncadd.s32 @!p0 $0xFFFFF800  }
0x2de: {  	_ =	swait.ge @!p0 [sflag:s0], $0x800  }
0x2df: {  	[sflag:s0] =	ssyncset.done @!p0 $0x0  }
0x2e0: {  	s11 =	simm.s32 $0x18C80;
	[sflag:s0] =	ssyncadd.s32 @!p0 $0xFFFFF800  }
0x2e1: {  	v0 =	vld [tilespmem:s11+$0x70]  }
0x2e2: {  	v1 =	vld [tilespmem:s11+$0xFFFFFF10]  }
0x2e3: {  	v2 =	vld [tilespmem:s11+$0xFFFFFF20]  }
0x2e4: {  	v3 =	vld [tilespmem:s11+$0xFFFFFF30]  }
0x2e5: {  	v4 =	vld [tilespmem:s11+$0xFFFFFF40]  }
0x2e6: {  	v5 =	vld [tilespmem:s11+$0xFFFFFF50]  }
0x2e7: {  	v6 =	vld [tilespmem:s11+$0xFFFFFF60]  }
0x2e8: {  	v7 =	vld [tilespmem:s11+$0xFFFFFF70]  }
0x2e9: {  	v8 =	vld [tilespmem:s11+$0x0]  }
0x2ea: {  	v9 =	vld [tilespmem:s11+$0x10]  }
0x2eb: {  	v10 =	vld [tilespmem:s11+$0x20]  }
0x2ec: {  	v11 =	vld [tilespmem:s11+$0x30]  }
0x2ed: {  	v12 =	vld [tilespmem:s11+$0x40]  }
0x2ee: {  	v13 =	vld [tilespmem:s11+$0x50]  }
0x2ef: {  	v14 =	vld [tilespmem:s11+$0x60]  }
0x2f0: {  	v15 =	vld [tilespmem:s11+$0xFFFFFF00]  }
0x2f1: {  	v0 =	vld.idx.msk [tilespmem:v0+s9+$0x0], $0xffff  }
0x2f2: {  	v1 =	vld.idx.msk [tilespmem:v1+s9+$0x0], $0xffff  }
0x2f3: {  	v2 =	vld.idx.msk [tilespmem:v2+s9+$0x0], $0xffff  }
0x2f4: {  	v3 =	vld.idx.msk [tilespmem:v3+s9+$0x0], $0xffff  }
0x2f5: {  	v4 =	vld.idx.msk [tilespmem:v4+s9+$0x0], $0xffff  }
0x2f6: {  	v5 =	vld.idx.msk [tilespmem:v5+s9+$0x0], $0xffff  }
0x2f7: {  	v6 =	vld.idx.msk [tilespmem:v6+s9+$0x0], $0xffff  }
0x2f8: {  	v15 =	vld.idx.msk [tilespmem:v15+s9+$0x0], $0xffff  }
0x2f9: {  	v7 =	vld.idx.msk [tilespmem:v7+s9+$0x0], $0xffff  }
0x2fa: {  	v8 =	vld.idx.msk [tilespmem:v8+s9+$0x0], $0xffff  }
0x2fb: {  	v9 =	vld.idx.msk [tilespmem:v9+s9+$0x0], $0xffff  }
0x2fc: {  	v10 =	vld.idx.msk [tilespmem:v10+s9+$0x0], $0xffff  }
0x2fd: {  	v11 =	vld.idx.msk [tilespmem:v11+s9+$0x0], $0xffff  }
0x2fe: {  	v12 =	vld.idx.msk [tilespmem:v12+s9+$0x0], $0xffff  }
0x2ff: {  	s5 =	simm.s32 $0x1BC80;
	v13 =	vld.idx.msk [tilespmem:v13+s9+$0x0], $0xffff  }
0x300: {  	s0 =	simm.s32 $0x19C80;
	v14 =	vld.idx.msk [tilespmem:v14+s9+$0x0], $0xffff;
	[tilespmem:s5+$0x70] =	vst v0  }
0x301: {  	[tilespmem:s5+$0xFFFFFF00] =	vst v15;
	v0 =	vld [tilespmem:s0+$0x70]  }
0x302: {  	[tilespmem:s5+$0xFFFFFF10] =	vst v1;
	v1 =	vld [tilespmem:s0+$0xFFFFFF00]  }
0x303: {  	[tilespmem:s5+$0xFFFFFF20] =	vst v2;
	v2 =	vld [tilespmem:s0+$0xFFFFFF10]  }
0x304: {  	[tilespmem:s5+$0xFFFFFF30] =	vst v3;
	v55 =	vld [tilespmem:s0+$0xFFFFFF20]  }
0x305: {  	[tilespmem:s5+$0xFFFFFF40] =	vst v4;
	v3 =	vld [tilespmem:s0+$0xFFFFFF30]  }
0x306: {  	[tilespmem:s5+$0xFFFFFF50] =	vst v5;
	v4 =	vld [tilespmem:s0+$0xFFFFFF40]  }
0x307: {  	[tilespmem:s5+$0xFFFFFF60] =	vst v6;
	v5 =	vld [tilespmem:s0+$0xFFFFFF50]  }
0x308: {  	[tilespmem:s5+$0xFFFFFF70] =	vst v7;
	v6 =	vld [tilespmem:s0+$0xFFFFFF60]  }
0x309: {  	[tilespmem:s5+$0x0] =	vst v8;
	v7 =	vld [tilespmem:s0+$0xFFFFFF70]  }
0x30a: {  	[tilespmem:s5+$0x10] =	vst v9;
	v8 =	vld [tilespmem:s0+$0x0]  }
0x30b: {  	[tilespmem:s5+$0x20] =	vst v10;
	v9 =	vld [tilespmem:s0+$0x10]  }
0x30c: {  	[tilespmem:s5+$0x30] =	vst v11;
	v10 =	vld [tilespmem:s0+$0x20]  }
0x30d: {  	[tilespmem:s5+$0x40] =	vst v12;
	v11 =	vld [tilespmem:s0+$0x30]  }
0x30e: {  	[tilespmem:s5+$0x50] =	vst v13;
	v12 =	vld [tilespmem:s0+$0x40]  }
0x30f: {  	[tilespmem:s5+$0x60] =	vst v14;
	v13 =	vld [tilespmem:s0+$0x50]  }
0x310: {  	v14 =	vld [tilespmem:s0+$0x60]  }
0x311: {  	v0 =	vld.idx.msk [tilespmem:v0+s9+$0x0], $0xffff  }
0x312: {  	v1 =	vld.idx.msk [tilespmem:v1+s9+$0x0], $0xffff  }
0x313: {  	v2 =	vld.idx.msk [tilespmem:v2+s9+$0x0], $0xffff  }
0x314: {  	v15 =	vld.idx.msk [tilespmem:v55+s9+$0x0], $0xffff  }
0x315: {  	v3 =	vld.idx.msk [tilespmem:v3+s9+$0x0], $0xffff  }
0x316: {  	v4 =	vld.idx.msk [tilespmem:v4+s9+$0x0], $0xffff  }
0x317: {  	v5 =	vld.idx.msk [tilespmem:v5+s9+$0x0], $0xffff  }
0x318: {  	v6 =	vld.idx.msk [tilespmem:v6+s9+$0x0], $0xffff  }
0x319: {  	v7 =	vld.idx.msk [tilespmem:v7+s9+$0x0], $0xffff  }
0x31a: {  	v8 =	vld.idx.msk [tilespmem:v8+s9+$0x0], $0xffff  }
0x31b: {  	v9 =	vld.idx.msk [tilespmem:v9+s9+$0x0], $0xffff  }
0x31c: {  	v10 =	vld.idx.msk [tilespmem:v10+s9+$0x0], $0xffff  }
0x31d: {  	v11 =	vld.idx.msk [tilespmem:v11+s9+$0x0], $0xffff  }
0x31e: {  	s11 =	simm.s32 $0x1CC80;
	v12 =	vld.idx.msk [tilespmem:v12+s9+$0x0], $0xffff  }
0x31f: {  	v13 =	vld.idx.msk [tilespmem:v13+s9+$0x0], $0xffff;
	[tilespmem:s11+$0x70] =	vst v0  }
0x320: {  	s14 =	simm.s32 $0x1AC80;
	[tilespmem:s11+$0xFFFFFF00] =	vst v1;
	v1 =	vld.idx.msk [tilespmem:v14+s9+$0x0], $0xffff  }
0x321: {  	v0 =	vld [tilespmem:s14+$0x70]  }
0x322: {  	[tilespmem:s11+$0xFFFFFF10] =	vst v2;
	v2 =	vld [tilespmem:s14+$0xFFFFFF00]  }
0x323: {  	[tilespmem:s11+$0xFFFFFF20] =	vst v15;
	v56 =	vld [tilespmem:s14+$0xFFFFFF10]  }
0x324: {  	[tilespmem:s11+$0xFFFFFF30] =	vst v3;
	v3 =	vld [tilespmem:s14+$0xFFFFFF20]  }
0x325: {  	[tilespmem:s11+$0xFFFFFF40] =	vst v4;
	v4 =	vld [tilespmem:s14+$0xFFFFFF30]  }
0x326: {  	[tilespmem:s11+$0xFFFFFF50] =	vst v5;
	v5 =	vld [tilespmem:s14+$0xFFFFFF40]  }
0x327: {  	[tilespmem:s11+$0xFFFFFF60] =	vst v6;
	v6 =	vld [tilespmem:s14+$0xFFFFFF50]  }
0x328: {  	[tilespmem:s11+$0xFFFFFF70] =	vst v7;
	v7 =	vld [tilespmem:s14+$0xFFFFFF60]  }
0x329: {  	[tilespmem:s11+$0x0] =	vst v8;
	v57 =	vld [tilespmem:s14+$0xFFFFFF70]  }
0x32a: {  	[tilespmem:s11+$0x10] =	vst v9;
	v58 =	vld [tilespmem:s14+$0x0]  }
0x32b: {  	[tilespmem:s11+$0x20] =	vst v10;
	v59 =	vld [tilespmem:s14+$0x10]  }
0x32c: {  	[tilespmem:s11+$0x30] =	vst v11;
	v60 =	vld [tilespmem:s14+$0x20]  }
0x32d: {  	[tilespmem:s11+$0x40] =	vst v12;
	v61 =	vld [tilespmem:s14+$0x30]  }
0x32e: {  	[tilespmem:s11+$0x50] =	vst v13;
	v62 =	vld [tilespmem:s14+$0x40]  }
0x32f: {  	v63 =	vld [tilespmem:s14+$0x50];
	[tilespmem:s11+$0x60] =	vst v1  }
0x330: {  	v16 =	vld [tilespmem:s14+$0x60]  }
0x331: {  	v0 =	vld.idx.msk [tilespmem:v0+s19+$0x0], $0xffff  }
0x332: {  	v1 =	vld.idx.msk [tilespmem:v2+s19+$0x0], $0xffff  }
0x333: {  	v2 =	vld.idx.msk [tilespmem:v56+s19+$0x0], $0xffff  }
0x334: {  	v3 =	vld.idx.msk [tilespmem:v3+s19+$0x0], $0xffff  }
0x335: {  	v4 =	vld.idx.msk [tilespmem:v4+s19+$0x0], $0xffff  }
0x336: {  	s16 =	simm.s32 $0x1DC80;
	v5 =	vld.idx.msk [tilespmem:v5+s19+$0x0], $0xffff  }
0x337: {  	v6 =	vld.idx.msk [tilespmem:v6+s19+$0x0], $0xffff;
	[tilespmem:s16+$0x70] =	vst v0  }
0x338: {  	v7 =	vld.idx.msk [tilespmem:v7+s19+$0x0], $0xffff;
	[tilespmem:s16+$0xFFFFFF00] =	vst v1  }
0x339: {  	v8 =	vld.idx.msk [tilespmem:v57+s19+$0x0], $0xffff;
	[tilespmem:s16+$0xFFFFFF10] =	vst v2  }
0x33a: {  	v9 =	vld.idx.msk [tilespmem:v58+s19+$0x0], $0xffff;
	[tilespmem:s16+$0xFFFFFF20] =	vst v3  }
0x33b: {  	[tilespmem:s16+$0xFFFFFF30] =	vst v4;
	v0 =	vld.idx.msk [tilespmem:v59+s19+$0x0], $0xffff  }
0x33c: {  	[tilespmem:s16+$0xFFFFFF40] =	vst v5;
	v1 =	vld.idx.msk [tilespmem:v60+s19+$0x0], $0xffff  }
0x33d: {  	[tilespmem:s16+$0xFFFFFF50] =	vst v6;
	v2 =	vld.idx.msk [tilespmem:v61+s19+$0x0], $0xffff  }
0x33e: {  	[tilespmem:s16+$0xFFFFFF60] =	vst v7;
	v3 =	vld.idx.msk [tilespmem:v62+s19+$0x0], $0xffff  }
0x33f: {  	[tilespmem:s16+$0xFFFFFF70] =	vst v8;
	v4 =	vld.idx.msk [tilespmem:v63+s19+$0x0], $0xffff  }
0x340: {  	s12 =	simm.s32 $0x0;
	s15 =	simm.s32 $0x18E80;
	[tilespmem:s16+$0x0] =	vst v9;
	v5 =	vld.idx.msk [tilespmem:v16+s19+$0x0], $0xffff  }
.LBB2_7:
0x341: {  	v6 =	vld [tilespmem:s15+$0x70];
	s12 =	sadd.s32 $0x100, s12;
	[tilespmem:s16+$0x10] =	vst v0  }
0x342: {  	v0 =	vld [tilespmem:s15+$0xFFFFFF10];
	p0 =	slt.u32 s12, $0x700;
	[tilespmem:s16+$0x20] =	vst v1  }
0x343: {  	v1 =	vld [tilespmem:s15+$0xFFFFFF20];
	[tilespmem:s16+$0x30] =	vst v2  }
0x344: {  	v2 =	vld [tilespmem:s15+$0xFFFFFF30];
	[tilespmem:s16+$0x40] =	vst v3  }
0x345: {  	v3 =	vld [tilespmem:s15+$0xFFFFFF40];
	[tilespmem:s16+$0x50] =	vst v4  }
0x346: {  	v4 =	vld [tilespmem:s15+$0xFFFFFF50];
	[tilespmem:s16+$0x60] =	vst v5  }
0x347: {  	v5 =	vld [tilespmem:s15+$0xFFFFFF60]  }
0x348: {  	v7 =	vld [tilespmem:s15+$0xFFFFFF70]  }
0x349: {  	v6 =	vld.idx.msk [tilespmem:v6+s9+$0x0], $0xffff  }
0x34a: {  	v8 =	vld [tilespmem:s15+$0x0]  }
0x34b: {  	v9 =	vld [tilespmem:s15+$0x10]  }
0x34c: {  	v10 =	vld [tilespmem:s15+$0x20]  }
0x34d: {  	v11 =	vld [tilespmem:s15+$0x30]  }
0x34e: {  	s5 =	sadd.s32 $0x200, s5;
	v12 =	vld [tilespmem:s15+$0x40]  }
0x34f: {  	s0 =	sadd.s32 $0x200, s0;
	v13 =	vld [tilespmem:s15+$0x50];
	[tilespmem:s5+$0x70] =	vst v6  }
0x350: {  	v6 =	vld [tilespmem:s0+$0x70]  }
0x351: {  	v14 =	vld [tilespmem:s15+$0x60]  }
0x352: {  	v15 =	vld [tilespmem:s15+$0xFFFFFF00]  }
0x353: {  	v0 =	vld.idx.msk [tilespmem:v0+s9+$0x0], $0xffff  }
0x354: {  	v1 =	vld.idx.msk [tilespmem:v1+s9+$0x0], $0xffff  }
0x355: {  	v2 =	vld.idx.msk [tilespmem:v2+s9+$0x0], $0xffff  }
0x356: {  	v3 =	vld.idx.msk [tilespmem:v3+s9+$0x0], $0xffff  }
0x357: {  	v4 =	vld.idx.msk [tilespmem:v4+s9+$0x0], $0xffff  }
0x358: {  	v6 =	vld.idx.msk [tilespmem:v6+s9+$0x0], $0xffff  }
0x359: {  	[tilespmem:s5+$0xFFFFFF10] =	vst v0;
	v0 =	vld.idx.msk [tilespmem:v5+s9+$0x0], $0xffff  }
0x35a: {  	v5 =	vld.idx.msk [tilespmem:v15+s9+$0x0], $0xffff;
	[tilespmem:s5+$0xFFFFFF20] =	vst v1  }
0x35b: {  	[tilespmem:s5+$0xFFFFFF30] =	vst v2;
	v1 =	vld.idx.msk [tilespmem:v7+s9+$0x0], $0xffff  }
0x35c: {  	[tilespmem:s5+$0xFFFFFF40] =	vst v3;
	v2 =	vld.idx.msk [tilespmem:v8+s9+$0x0], $0xffff  }
0x35d: {  	s11 =	sadd.s32 $0x200, s11;
	[tilespmem:s5+$0xFFFFFF50] =	vst v4;
	v3 =	vld.idx.msk [tilespmem:v9+s9+$0x0], $0xffff  }
0x35e: {  	s14 =	sadd.s32 $0x200, s14;
	v4 =	vld.idx.msk [tilespmem:v10+s9+$0x0], $0xffff;
	[tilespmem:s11+$0x70] =	vst v6  }
0x35f: {  	[tilespmem:s5+$0xFFFFFF60] =	vst v0;
	v0 =	vld [tilespmem:s14+$0x70]  }
0x360: {  	[tilespmem:s5+$0xFFFFFF00] =	vst v5;
	v5 =	vld.idx.msk [tilespmem:v11+s9+$0x0], $0xffff  }
0x361: {  	[tilespmem:s5+$0xFFFFFF70] =	vst v1;
	v1 =	vld.idx.msk [tilespmem:v12+s9+$0x0], $0xffff  }
0x362: {  	[tilespmem:s5+$0x0] =	vst v2;
	v2 =	vld.idx.msk [tilespmem:v13+s9+$0x0], $0xffff  }
0x363: {  	[tilespmem:s5+$0x10] =	vst v3;
	v3 =	vld.idx.msk [tilespmem:v14+s9+$0x0], $0xffff  }
0x364: {  	v6 =	vld [tilespmem:s0+$0xFFFFFF00];
	[tilespmem:s5+$0x20] =	vst v4  }
0x365: {  	v4 =	vld [tilespmem:s0+$0xFFFFFF10]  }
0x366: {  	v7 =	vld [tilespmem:s0+$0xFFFFFF20];
	[tilespmem:s5+$0x30] =	vst v5  }
0x367: {  	[tilespmem:s5+$0x40] =	vst v1;
	v0 =	vld.idx.msk [tilespmem:v0+s19+$0x0], $0xffff  }
0x368: {  	v1 =	vld [tilespmem:s0+$0xFFFFFF30];
	[tilespmem:s5+$0x50] =	vst v2  }
0x369: {  	v2 =	vld [tilespmem:s0+$0xFFFFFF40];
	[tilespmem:s5+$0x60] =	vst v3  }
0x36a: {  	v3 =	vld [tilespmem:s0+$0xFFFFFF50]  }
0x36b: {  	v5 =	vld [tilespmem:s0+$0xFFFFFF60]  }
0x36c: {  	s16 =	sadd.s32 $0x200, s16;
	v8 =	vld [tilespmem:s0+$0xFFFFFF70]  }
0x36d: {  	v9 =	vld [tilespmem:s0+$0x0];
	[tilespmem:s16+$0x70] =	vst v0  }
0x36e: {  	v0 =	vld [tilespmem:s0+$0x10]  }
0x36f: {  	v10 =	vld [tilespmem:s0+$0x20]  }
0x370: {  	v11 =	vld [tilespmem:s0+$0x30]  }
0x371: {  	v12 =	vld [tilespmem:s0+$0x40]  }
0x372: {  	v13 =	vld [tilespmem:s0+$0x50]  }
0x373: {  	v14 =	vld [tilespmem:s0+$0x60]  }
0x374: {  	v6 =	vld.idx.msk [tilespmem:v6+s9+$0x0], $0xffff  }
0x375: {  	v4 =	vld.idx.msk [tilespmem:v4+s9+$0x0], $0xffff  }
0x376: {  	v7 =	vld.idx.msk [tilespmem:v7+s9+$0x0], $0xffff  }
0x377: {  	v1 =	vld.idx.msk [tilespmem:v1+s9+$0x0], $0xffff  }
0x378: {  	v2 =	vld.idx.msk [tilespmem:v2+s9+$0x0], $0xffff  }
0x379: {  	v3 =	vld.idx.msk [tilespmem:v3+s9+$0x0], $0xffff  }
0x37a: {  	[tilespmem:s11+$0xFFFFFF00] =	vst v6;
	v5 =	vld.idx.msk [tilespmem:v5+s9+$0x0], $0xffff  }
0x37b: {  	[tilespmem:s11+$0xFFFFFF10] =	vst v4;
	v4 =	vld.idx.msk [tilespmem:v8+s9+$0x0], $0xffff  }
0x37c: {  	[tilespmem:s11+$0xFFFFFF20] =	vst v7;
	v6 =	vld.idx.msk [tilespmem:v9+s9+$0x0], $0xffff  }
0x37d: {  	[tilespmem:s11+$0xFFFFFF30] =	vst v1;
	v0 =	vld.idx.msk [tilespmem:v0+s9+$0x0], $0xffff  }
0x37e: {  	[tilespmem:s11+$0xFFFFFF40] =	vst v2;
	v1 =	vld.idx.msk [tilespmem:v10+s9+$0x0], $0xffff  }
0x37f: {  	[tilespmem:s11+$0xFFFFFF50] =	vst v3;
	v2 =	vld.idx.msk [tilespmem:v11+s9+$0x0], $0xffff  }
0x380: {  	[tilespmem:s11+$0xFFFFFF60] =	vst v5;
	v3 =	vld.idx.msk [tilespmem:v12+s9+$0x0], $0xffff  }
0x381: {  	[tilespmem:s11+$0xFFFFFF70] =	vst v4;
	v4 =	vld.idx.msk [tilespmem:v13+s9+$0x0], $0xffff  }
0x382: {  	[tilespmem:s11+$0x0] =	vst v6;
	v5 =	vld.idx.msk [tilespmem:v14+s9+$0x0], $0xffff  }
0x383: {  	v6 =	vld [tilespmem:s14+$0xFFFFFF00];
	[tilespmem:s11+$0x10] =	vst v0  }
0x384: {  	v0 =	vld [tilespmem:s14+$0xFFFFFF10];
	[tilespmem:s11+$0x20] =	vst v1  }
0x385: {  	v1 =	vld [tilespmem:s14+$0xFFFFFF20];
	[tilespmem:s11+$0x30] =	vst v2  }
0x386: {  	v2 =	vld [tilespmem:s14+$0xFFFFFF30];
	[tilespmem:s11+$0x40] =	vst v3  }
0x387: {  	v3 =	vld [tilespmem:s14+$0xFFFFFF40];
	[tilespmem:s11+$0x50] =	vst v4  }
0x388: {  	v4 =	vld [tilespmem:s14+$0xFFFFFF50];
	[tilespmem:s11+$0x60] =	vst v5  }
0x389: {  	v5 =	vld [tilespmem:s14+$0xFFFFFF60]  }
0x38a: {  	v7 =	vld [tilespmem:s14+$0xFFFFFF70]  }
0x38b: {  	v8 =	vld [tilespmem:s14+$0x0]  }
0x38c: {  	v9 =	vld [tilespmem:s14+$0x10]  }
0x38d: {  	v10 =	vld [tilespmem:s14+$0x20]  }
0x38e: {  	v11 =	vld [tilespmem:s14+$0x30]  }
0x38f: {  	v12 =	vld [tilespmem:s14+$0x40]  }
0x390: {  	v13 =	vld [tilespmem:s14+$0x50]  }
0x391: {  	v14 =	vld [tilespmem:s14+$0x60]  }
0x392: {  	v6 =	vld.idx.msk [tilespmem:v6+s19+$0x0], $0xffff  }
0x393: {  	v0 =	vld.idx.msk [tilespmem:v0+s19+$0x0], $0xffff  }
0x394: {  	v1 =	vld.idx.msk [tilespmem:v1+s19+$0x0], $0xffff  }
0x395: {  	v2 =	vld.idx.msk [tilespmem:v2+s19+$0x0], $0xffff  }
0x396: {  	v3 =	vld.idx.msk [tilespmem:v3+s19+$0x0], $0xffff  }
0x397: {  	v4 =	vld.idx.msk [tilespmem:v4+s19+$0x0], $0xffff  }
0x398: {  	[tilespmem:s16+$0xFFFFFF00] =	vst v6;
	v5 =	vld.idx.msk [tilespmem:v5+s19+$0x0], $0xffff  }
0x399: {  	[tilespmem:s16+$0xFFFFFF10] =	vst v0;
	v6 =	vld.idx.msk [tilespmem:v7+s19+$0x0], $0xffff  }
0x39a: {  	[tilespmem:s16+$0xFFFFFF20] =	vst v1;
	v7 =	vld.idx.msk [tilespmem:v8+s19+$0x0], $0xffff  }
0x39b: {  	[tilespmem:s16+$0xFFFFFF30] =	vst v2;
	v0 =	vld.idx.msk [tilespmem:v9+s19+$0x0], $0xffff  }
.Ltmp2:
0x39c: {  	[tilespmem:s16+$0xFFFFFF40] =	vst v3;
	v1 =	vld.idx.msk [tilespmem:v10+s19+$0x0], $0xffff;
	(pc) =	sbr.rel @p0 .LBB2_7-.Ltmp2, $4  }
0x39d: {  	[tilespmem:s16+$0xFFFFFF50] =	vst v4;
	v2 =	vld.idx.msk [tilespmem:v11+s19+$0x0], $0xffff  }
0x39e: {  	[tilespmem:s16+$0xFFFFFF60] =	vst v5;
	v3 =	vld.idx.msk [tilespmem:v12+s19+$0x0], $0xffff  }
0x39f: {  	[tilespmem:s16+$0xFFFFFF70] =	vst v6;
	v4 =	vld.idx.msk [tilespmem:v13+s19+$0x0], $0xffff  }
0x3a0: {  	s15 =	sadd.s32 $0x200, s15;
	[tilespmem:s16+$0x0] =	vst v7;
	v5 =	vld.idx.msk [tilespmem:v14+s19+$0x0], $0xffff  }
0x3a1: {  	[tilespmem:s16+$0x10] =	vst v0  }
0x3a2: {  	[tilespmem:s16+$0x20] =	vst v1  }
0x3a3: {  	[tilespmem:s16+$0x30] =	vst v2  }
0x3a4: {  	s0 =	sor.u32 s22, s31;
	[tilespmem:s16+$0x40] =	vst v3  }
0x3a5: {  	s0 =	sor.u32 s2, s0;
	[tilespmem:s16+$0x50] =	vst v4  }
0x3a6: {  	s5 =	simm.s32 $0x1BB80;
	s2 =	sadd.s32 s3, s0;
	[tilespmem:s16+$0x60] =	vst v5  }
0x3a7: {  	[hbm4b:s2+s9] =	stream.linear.scatter [tilespmem:s5], [sflag:$0x4], $0x80, $0x38;
	[tilespmem:$0x1F700] =	vst v63  }
0x3a8: {  	s11 =	simm.s32 $0x1BC80;
	s16 =	sadd.s32 $0x80, s2  }
0x3a9: {  	[hbm4b:s16+s9] =	stream.linear.scatter [tilespmem:s11], [sflag:$0x4], $0x80, $0x38;
	[tilespmem:$0x1F700] =	vst v63  }
0x3aa: {  	s31 =	simm.s32 $0x1BD80;
	s17 =	sadd.s32 $0x100, s2  }
0x3ab: {  	[hbm4b:s17+s9] =	stream.linear.scatter [tilespmem:s31], [sflag:$0x4], $0x80, $0x38;
	[tilespmem:$0x1F700] =	vst v63  }
0x3ac: {  	s14 =	simm.s32 $0x1BE80;
	s12 =	sadd.s32 $0x180, s2  }
0x3ad: {  	[hbm4b:s12+s9] =	stream.linear.scatter [tilespmem:s14], [sflag:$0x4], $0x80, $0x38;
	[tilespmem:$0x1F700] =	vst v63  }
0x3ae: {  	s15 =	sadd.s32 $0x200, s2;
	s16 =	simm.s32 $0x1BF80  }
0x3af: {  	[hbm4b:s15+s9] =	stream.linear.scatter [tilespmem:s16], [sflag:$0x4], $0x80, $0x38;
	[tilespmem:$0x1F700] =	vst v63  }
0x3b0: {  	s17 =	sadd.s32 $0x280, s2;
	s31 =	simm.s32 $0x1C080  }
0x3b1: {  	[hbm4b:s17+s9] =	stream.linear.scatter [tilespmem:s31], [sflag:$0x4], $0x80, $0x38;
	[tilespmem:$0x1F700] =	vst v63  }
0x3b2: {  	s12 =	sadd.s32 $0x300, s2;
	s14 =	simm.s32 $0x1C180  }
0x3b3: {  	[hbm4b:s12+s9] =	stream.linear.scatter [tilespmem:s14], [sflag:$0x4], $0x80, $0x38;
	[tilespmem:$0x1F700] =	vst v63  }
0x3b4: {  	s15 =	sadd.s32 $0x380, s2;
	s16 =	simm.s32 $0x1C280  }
0x3b5: {  	[hbm4b:s15+s9] =	stream.linear.scatter [tilespmem:s16], [sflag:$0x4], $0x80, $0x38;
	[tilespmem:$0x1F700] =	vst v63  }
0x3b6: {  	s17 =	sadd.s32 $0x400, s2;
	s31 =	simm.s32 $0x1C380  }
0x3b7: {  	[hbm4b:s17+s9] =	stream.linear.scatter [tilespmem:s31], [sflag:$0x4], $0x80, $0x38;
	[tilespmem:$0x1F700] =	vst v63  }
0x3b8: {  	s12 =	sadd.s32 $0x480, s2;
	s14 =	simm.s32 $0x1C480  }
0x3b9: {  	[hbm4b:s12+s9] =	stream.linear.scatter [tilespmem:s14], [sflag:$0x4], $0x80, $0x38;
	[tilespmem:$0x1F700] =	vst v63  }
0x3ba: {  	s15 =	sadd.s32 $0x500, s2;
	s16 =	simm.s32 $0x1C580  }
0x3bb: {  	[hbm4b:s15+s9] =	stream.linear.scatter [tilespmem:s16], [sflag:$0x4], $0x80, $0x38;
	[tilespmem:$0x1F700] =	vst v63  }
0x3bc: {  	s17 =	sadd.s32 $0x580, s2;
	s31 =	simm.s32 $0x1C680  }
0x3bd: {  	[hbm4b:s17+s9] =	stream.linear.scatter [tilespmem:s31], [sflag:$0x4], $0x80, $0x38;
	[tilespmem:$0x1F700] =	vst v63  }
0x3be: {  	s12 =	sadd.s32 $0x600, s2;
	s14 =	simm.s32 $0x1C780  }
0x3bf: {  	[hbm4b:s12+s9] =	stream.linear.scatter [tilespmem:s14], [sflag:$0x4], $0x80, $0x38;
	[tilespmem:$0x1F700] =	vst v63  }
0x3c0: {  	s15 =	sadd.s32 $0x680, s2;
	s16 =	simm.s32 $0x1C880  }
0x3c1: {  	[hbm4b:s15+s9] =	stream.linear.scatter [tilespmem:s16], [sflag:$0x4], $0x80, $0x38;
	[tilespmem:$0x1F700] =	vst v63  }
0x3c2: {  	s17 =	sadd.s32 $0x700, s2;
	s31 =	simm.s32 $0x1C980  }
0x3c3: {  	[hbm4b:s17+s9] =	stream.linear.scatter [tilespmem:s31], [sflag:$0x4], $0x80, $0x38;
	[tilespmem:$0x1F700] =	vst v63  }
0x3c4: {  	s2 =	sadd.s32 $0x780, s2;
	s12 =	simm.s32 $0x1CA80  }
0x3c5: {  	[hbm4b:s2+s9] =	stream.linear.scatter [tilespmem:s12], [sflag:$0x4], $0x80, $0x38;
	[tilespmem:$0x1F700] =	vst v63  }
0x3c6: {  	s14 =	simm.s32 $0x1CB80;
	s2 =	sadd.s32 s4, s0  }
0x3c7: {  	[hbm4b:s2+s9] =	stream.linear.scatter [tilespmem:s14], [sflag:$0x4], $0x80, $0x38;
	[tilespmem:$0x1F700] =	vst v63  }
0x3c8: {  	s16 =	simm.s32 $0x1CC80;
	s15 =	sadd.s32 $0x80, s2  }
0x3c9: {  	[hbm4b:s15+s9] =	stream.linear.scatter [tilespmem:s16], [sflag:$0x4], $0x80, $0x38;
	[tilespmem:$0x1F700] =	vst v63  }
0x3ca: {  	s31 =	simm.s32 $0x1CD80;
	s17 =	sadd.s32 $0x100, s2  }
0x3cb: {  	[hbm4b:s17+s9] =	stream.linear.scatter [tilespmem:s31], [sflag:$0x4], $0x80, $0x38;
	[tilespmem:$0x1F700] =	vst v63  }
0x3cc: {  	s12 =	sadd.s32 $0x180, s2;
	s14 =	simm.s32 $0x1CE80  }
0x3cd: {  	[hbm4b:s12+s9] =	stream.linear.scatter [tilespmem:s14], [sflag:$0x4], $0x80, $0x38;
	[tilespmem:$0x1F700] =	vst v63  }
0x3ce: {  	s15 =	sadd.s32 $0x200, s2;
	s16 =	simm.s32 $0x1CF80  }
0x3cf: {  	[hbm4b:s15+s9] =	stream.linear.scatter [tilespmem:s16], [sflag:$0x4], $0x80, $0x38;
	[tilespmem:$0x1F700] =	vst v63  }
0x3d0: {  	s17 =	sadd.s32 $0x280, s2;
	s31 =	simm.s32 $0x1D080  }
0x3d1: {  	[hbm4b:s17+s9] =	stream.linear.scatter [tilespmem:s31], [sflag:$0x4], $0x80, $0x38;
	[tilespmem:$0x1F700] =	vst v63  }
0x3d2: {  	s12 =	sadd.s32 $0x300, s2;
	s14 =	simm.s32 $0x1D180  }
0x3d3: {  	[hbm4b:s12+s9] =	stream.linear.scatter [tilespmem:s14], [sflag:$0x4], $0x80, $0x38;
	[tilespmem:$0x1F700] =	vst v63  }
0x3d4: {  	s15 =	sadd.s32 $0x380, s2;
	s16 =	simm.s32 $0x1D280  }
0x3d5: {  	[hbm4b:s15+s9] =	stream.linear.scatter [tilespmem:s16], [sflag:$0x4], $0x80, $0x38;
	[tilespmem:$0x1F700] =	vst v63  }
0x3d6: {  	s17 =	sadd.s32 $0x400, s2;
	s31 =	simm.s32 $0x1D380  }
0x3d7: {  	[hbm4b:s17+s9] =	stream.linear.scatter [tilespmem:s31], [sflag:$0x4], $0x80, $0x38;
	[tilespmem:$0x1F700] =	vst v63  }
0x3d8: {  	s12 =	sadd.s32 $0x480, s2;
	s14 =	simm.s32 $0x1D480  }
0x3d9: {  	[hbm4b:s12+s9] =	stream.linear.scatter [tilespmem:s14], [sflag:$0x4], $0x80, $0x38;
	[tilespmem:$0x1F700] =	vst v63  }
0x3da: {  	s15 =	sadd.s32 $0x500, s2;
	s16 =	simm.s32 $0x1D580  }
0x3db: {  	[hbm4b:s15+s9] =	stream.linear.scatter [tilespmem:s16], [sflag:$0x4], $0x80, $0x38;
	[tilespmem:$0x1F700] =	vst v63  }
0x3dc: {  	s17 =	sadd.s32 $0x580, s2;
	s31 =	simm.s32 $0x1D680  }
0x3dd: {  	[hbm4b:s17+s9] =	stream.linear.scatter [tilespmem:s31], [sflag:$0x4], $0x80, $0x38;
	[tilespmem:$0x1F700] =	vst v63  }
0x3de: {  	s11 =	sadd.s32 $0x600, s2;
	s12 =	simm.s32 $0x1D780  }
0x3df: {  	[hbm4b:s11+s9] =	stream.linear.scatter [tilespmem:s12], [sflag:$0x4], $0x80, $0x38;
	[tilespmem:$0x1F700] =	vst v63  }
0x3e0: {  	s14 =	sadd.s32 $0x680, s2;
	s15 =	simm.s32 $0x1D880  }
0x3e1: {  	[hbm4b:s14+s9] =	stream.linear.scatter [tilespmem:s15], [sflag:$0x4], $0x80, $0x38;
	[tilespmem:$0x1F700] =	vst v63  }
0x3e2: {  	s16 =	sadd.s32 $0x700, s2;
	s17 =	simm.s32 $0x1D980  }
0x3e3: {  	[hbm4b:s16+s9] =	stream.linear.scatter [tilespmem:s17], [sflag:$0x4], $0x80, $0x38;
	[tilespmem:$0x1F700] =	vst v63  }
0x3e4: {  	s2 =	sadd.s32 $0x780, s2;
	s31 =	simm.s32 $0x1DA80  }
0x3e5: {  	[hbm4b:s2+s9] =	stream.linear.scatter [tilespmem:s31], [sflag:$0x4], $0x80, $0x38;
	[tilespmem:$0x1F700] =	vst v63  }
0x3e6: {  	s0 =	sadd.s32 s6, s0;
	s11 =	simm.s32 $0x1DB80  }
0x3e7: {  	[hbm4b:s0+s9] =	stream.linear.scatter [tilespmem:s11], [sflag:$0x4], $0x80, $0x38;
	[tilespmem:$0x1F700] =	vst v63  }
0x3e8: {  	s12 =	sadd.s32 $0x80, s0;
	s14 =	simm.s32 $0x1DC80  }
0x3e9: {  	[hbm4b:s12+s9] =	stream.linear.scatter [tilespmem:s14], [sflag:$0x4], $0x80, $0x38;
	[tilespmem:$0x1F700] =	vst v63  }
0x3ea: {  	s15 =	sadd.s32 $0x100, s0;
	s16 =	simm.s32 $0x1DD80  }
0x3eb: {  	[hbm4b:s15+s9] =	stream.linear.scatter [tilespmem:s16], [sflag:$0x4], $0x80, $0x38;
	[tilespmem:$0x1F700] =	vst v63  }
0x3ec: {  	s17 =	sadd.s32 $0x180, s0;
	s31 =	simm.s32 $0x1DE80  }
0x3ed: {  	[hbm4b:s17+s9] =	stream.linear.scatter [tilespmem:s31], [sflag:$0x4], $0x80, $0x38;
	[tilespmem:$0x1F700] =	vst v63  }
0x3ee: {  	s5 =	sadd.s32 $0x200, s0;
	s11 =	simm.s32 $0x1DF80  }
0x3ef: {  	[hbm4b:s5+s9] =	stream.linear.scatter [tilespmem:s11], [sflag:$0x4], $0x80, $0x38;
	[tilespmem:$0x1F700] =	vst v63  }
0x3f0: {  	s12 =	sadd.s32 $0x280, s0;
	s14 =	simm.s32 $0x1E080  }
0x3f1: {  	[hbm4b:s12+s9] =	stream.linear.scatter [tilespmem:s14], [sflag:$0x4], $0x80, $0x38;
	[tilespmem:$0x1F700] =	vst v63  }
0x3f2: {  	s15 =	sadd.s32 $0x300, s0;
	s16 =	simm.s32 $0x1E180  }
0x3f3: {  	[hbm4b:s15+s9] =	stream.linear.scatter [tilespmem:s16], [sflag:$0x4], $0x80, $0x38;
	[tilespmem:$0x1F700] =	vst v63  }
0x3f4: {  	s17 =	sadd.s32 $0x380, s0;
	s31 =	simm.s32 $0x1E280  }
0x3f5: {  	[hbm4b:s17+s9] =	stream.linear.scatter [tilespmem:s31], [sflag:$0x4], $0x80, $0x38;
	[tilespmem:$0x1F700] =	vst v63  }
0x3f6: {  	s5 =	sadd.s32 $0x400, s0;
	s11 =	simm.s32 $0x1E380  }
0x3f7: {  	[hbm4b:s5+s9] =	stream.linear.scatter [tilespmem:s11], [sflag:$0x4], $0x80, $0x38;
	[tilespmem:$0x1F700] =	vst v63  }
0x3f8: {  	s12 =	sadd.s32 $0x480, s0  }
0x3f9: {  	[hbm4b:s12+s9] =	stream.linear.scatter [tilespmem:s18], [sflag:$0x4], $0x80, $0x38;
	[tilespmem:$0x1F700] =	vst v63  }
0x3fa: {  	s14 =	sadd.s32 $0x500, s0  }
0x3fb: {  	[hbm4b:s14+s9] =	stream.linear.scatter [tilespmem:s20], [sflag:$0x4], $0x80, $0x38;
	[tilespmem:$0x1F700] =	vst v63  }
0x3fc: {  	s15 =	sadd.s32 $0x580, s0  }
0x3fd: {  	[hbm4b:s15+s9] =	stream.linear.scatter [tilespmem:s23], [sflag:$0x4], $0x80, $0x38;
	[tilespmem:$0x1F700] =	vst v63  }
0x3fe: {  	s30 =	sadd.s32 $0x1, s30;
	s16 =	sadd.s32 $0x600, s0  }
0x3ff: {  	[hbm4b:s16+s9] =	stream.linear.scatter [tilespmem:s25], [sflag:$0x4], $0x80, $0x38;
	[tilespmem:$0x1F700] =	vst v63  }
0x400: {  	p0 =	sne.s32 s30, $0x8;
	s17 =	sadd.s32 $0x680, s0  }
0x401: {  	[hbm4b:s17+s9] =	stream.linear.scatter [tilespmem:s26], [sflag:$0x4], $0x80, $0x38;
	[tilespmem:$0x1F700] =	vst v63  }
.Ltmp3:
0x402: {  	_ = 	snop;
	(pc) =	sbr.rel @p0 .LBB2_2-.Ltmp3, $4  }
0x403: {  	s31 =	sadd.s32 $0x700, s0  }
0x404: {  	[hbm4b:s31+s9] =	stream.linear.scatter [tilespmem:s28], [sflag:$0x4], $0x80, $0x38;
	[tilespmem:$0x1F700] =	vst v63  }
0x405: {  	s0 =	sadd.s32 $0x780, s0  }
0x406: {  	[hbm4b:s0+s9] =	stream.linear.scatter [tilespmem:s29], [sflag:$0x4], $0x80, $0x38;
	[tilespmem:$0x1F700] =	vst v63  }
0x407: {  	s0 =	simm.s32 $0x3  }
0x408: {  	_ =	swait.ge [sflag:s0], $0x800  }
0x409: {  	[sflag:s0] =	ssyncset.done $0x0  }
0x40a: {  	[sflag:s0] =	ssyncadd.s32 $0xFFFFF800  }
0x40b: {  	_ =	swait.ge [sflag:s0], $0x800  }
0x40c: {  	[sflag:s0] =	ssyncset.done $0x0  }
0x40d: {  	[sflag:s0] =	ssyncadd.s32 $0xFFFFF800  }
0x40e: {  	_ =	swait.ge [sflag:s0], $0x800  }
0x40f: {  	[sflag:s0] =	ssyncset.done $0x0  }
0x410: {  	s2 =	simm.s32 $0x4;
	[sflag:s0] =	ssyncadd.s32 $0xFFFFF800  }
0x411: {  	_ =	swait.ge [sflag:s2], $0x800  }
0x412: {  	[sflag:s2] =	ssyncset.done $0x0  }
0x413: {  	[sflag:s2] =	ssyncadd.s32 $0xFFFFF800  }
0x414: {  	_ =	swait.ge [sflag:s2], $0x800  }
0x415: {  	[sflag:s2] =	ssyncset.done $0x0  }
0x416: {  	[sflag:s2] =	ssyncadd.s32 $0xFFFFF800  }
0x417: {  	_ =	swait.ge [sflag:s2], $0x800  }
0x418: {  	s5 =	sld [smem:$0x7DA];
	_ =	sdelay $0x2  }
0x419: {  	s31 =	rddreg [dreg:$0x13];
	s5 =	sadd.s32 $0x1, s5  }
0x41a: {  	p0 =	sne.s32 s5, s31  }
.Ltmp4:
0x41b: {  	_ = 	snop;
	(pc) =	sbr.rel @p0 .LBB2_1-.Ltmp4, $3  }
0x41c: {  	_ =	sdelay $0x1  }
0x41d: {  	[sflag:s2] =	ssyncset.done $0x0  }
0x41e: {  	[sflag:s2] =	ssyncadd.s32 $0xFFFFF800  }
0x41f: {  	_ =	sfence.sel $0x180000  }
0x420: {  	[bflag:$0x0] =	sbarrier.arrive $0xFFFF  }
0x421: {  	_ =	strace $0x90000047  }
0x422: {  	s0 =	stileid.u32;
	[bflag:$0x2] =	sbarrier.arrive $0xFFFF  }
0x423: {  	p0 =	sne.s32 s0, $0x0;
	s0 =	rddreg [dreg:$0x9]  }
0x424: {  	s0 =	sadd.s32 @!p0 $0x100000, s0  }
0x425: {  	[sflag:s0] =	ssyncadd.tile.s32 @!p0 $0x1;
	_ =	shalt  }
.Lfunc_end2:
_tile_overlayer_lowered:
.L_overlay_start_2:
0x426: {  	(tag) =	ssettag $0x2  }
0x427: {  	s0 =	rddreg [dreg:$0x0];
	s2 =	stileid.u32  }
0x428: {  	s1 =	rddreg [dreg:$0x1];
	p0 =	sne.s32 s2, $0x0  }
0x429: {  	s3 =	rddreg [dreg:$0x2];
	[bflag:$0x3] =	sbarrier.arrive $0xFFFF;
	s2 =	simm.s32 @!p0 $0x1C06  }
0x42a: {  	[timem:s3], [sflag:s2] =	dma.local @!p0 [hbm:s0], s1  }
0x42b: {  	s0 =	simm.s32 @!p0 $0x6  }
0x42c: {  	_ =	swait.ge @!p0 [sflag:s0], s1  }
0x42d: {  	s1 =	ssub.s32 @!p0 $0x0, s1;
	[sflag:s0] =	ssyncset.done @!p0 $0x0  }
0x42e: {  	[sflag:s0] =	ssyncadd.s32 @!p0 s1  }
0x42f: {  	[bflag:$0x3] =	sbarrier.arrive $0xFFFF  }
0x430: {  	_ =	shalt  }

</sc_bundles>
